<compile_context>
chip_gen: v7x
topology: tpu7x:2x2x1
jax: 0.10.2.dev20260603
libtpu: 0.0.44.dev20260713+nightly
codegen_flags: <defaults>
</compile_context>

<pallas_src>
import functools

import jax
import jax.numpy as jnp
from jax import lax
from jax.experimental import pallas as pl
from jax.experimental.pallas import tpu as pltpu
from jax.experimental.pallas import tpu_sc as plsc

_N = 100000
_D = 64
_NC, _NS = 2, 16
_NW = _NC * _NS
_CHUNK = 128
_NCHUNK = 25
_NBUF = 12
_LEAD = 8
_W_ROWS = _CHUNK * _NCHUNK


@functools.partial(
    pl.kernel,
    out_type=jax.ShapeDtypeStruct((_N, _D), jnp.float32),
    mesh=plsc.VectorSubcoreMesh(core_axis_name="c", subcore_axis_name="s"),
    scratch_types=[
        pltpu.VMEM((_W_ROWS,), jnp.int32),
        pltpu.VMEM((_NBUF, _CHUNK, _D), jnp.float32),
        pltpu.SemaphoreType.DMA((_NBUF,)),
        pltpu.SemaphoreType.DMA((_NBUF,)),
    ],
    compiler_params=pltpu.CompilerParams(use_tc_tiling_on_sc=False),
)
def _emb_lookup(idx_hbm, table_hbm, out_hbm, idx_v, rows_v, gsem, ssem):
    wid = lax.axis_index("s") * _NC + lax.axis_index("c")
    base = jnp.minimum(wid * _W_ROWS, _N - _W_ROWS)
    pltpu.sync_copy(idx_hbm.at[pl.ds(base, _W_ROWS)], idx_v)

    def gather(j, b):
        pltpu.async_copy(
            table_hbm.at[idx_v.at[pl.ds(j * _CHUNK, _CHUNK)]],
            rows_v.at[b], gsem.at[b])

    def gather_wait(b):
        pltpu.make_async_copy(
            table_hbm.at[idx_v.at[pl.ds(0, _CHUNK)]],
            rows_v.at[b], gsem.at[b]).wait()

    def store(j, b):
        pltpu.async_copy(
            rows_v.at[b], out_hbm.at[pl.ds(base + j * _CHUNK, _CHUNK)],
            ssem.at[b])

    def store_wait(b):
        pltpu.make_async_copy(
            out_hbm.at[pl.ds(base, _CHUNK)], rows_v.at[b], ssem.at[b]).wait()

    for q in range(_LEAD):
        gather(q, q % _NBUF)
    for m in range(_NCHUNK):
        q = m + _LEAD
        if q < _NCHUNK:
            bq = q % _NBUF
            if q >= _NBUF:
                store_wait(bq)
            gather(q, bq)
        b = m % _NBUF
        gather_wait(b)
        store(m, b)
    for m in range(max(0, _NCHUNK - _NBUF), _NCHUNK):
        store_wait(m % _NBUF)


@jax.jit
def kernel(node_feature, weight):
    return _emb_lookup(node_feature[:, 0], weight)

# --- scband reference (transcript-rebuilt; emitter-appended) ---
"""Pipeline reference for scband-example-node-encoder-33466385170521 (READ-ONLY COPY).

The authoritative reference and input builder live on the scoring server;
editing this copy changes nothing except your own understanding.
"""

import jax, jax.numpy as jnp
import numpy as np

NUM_CLASSES = 100000
EMB_DIM = 64
N_NODES = 100000

def setup_inputs(seed: int = 0) -> dict:
    key = jax.random.key(seed)
    k1, k2 = jax.random.split(key)
    node_feature = jax.random.randint(k1, (N_NODES, 1), 0, NUM_CLASSES, dtype=jnp.int64 if jax.config.jax_enable_x64 else jnp.int32).astype(jnp.int32)
    # xavier_uniform init for embedding table [num_classes, emb_dim]
    limit = float(np.sqrt(6.0 / (NUM_CLASSES + EMB_DIM)))
    weight = jax.random.uniform(k2, (NUM_CLASSES, EMB_DIM), dtype=jnp.float32, minval=-limit, maxval=limit)
    return {"node_feature": node_feature, "weight": weight}

def reference(node_feature, weight):
    # batch.node_feature = self.encoder(batch.node_feature[:, 0])
    idx = node_feature[:, 0]
    out = jnp.take(weight, idx, axis=0)
    return out

if __name__ == "__main__":
    import jax
    _d = setup_inputs()
    print(jax.jit(kernel)(*tuple(_d.values())))

</pallas_src>

<mosaic_0001>
#map = affine_map<(d0, d1) -> (0)>
#map1 = affine_map<(d0, d1) -> (0, 0)>
module attributes {stable_mosaic.version = 14 : i64} {
  func.func @_emb_lookup(%arg0: i32, %arg1: i32, %arg2: memref<100000xi32, #tpu.memory_space<hbm>>, %arg3: memref<100000x64xf32, #tpu.memory_space<hbm>>, %arg4: memref<100000x64xf32, #tpu.memory_space<hbm>>, %arg5: memref<3200xi32, #tpu.memory_space<vmem>>, %arg6: memref<12x128x64xf32, #tpu.memory_space<vmem>>, %arg7: memref<12x!tpu.dma_semaphore, #tpu.memory_space<semaphore_mem>>, %arg8: memref<12x!tpu.dma_semaphore, #tpu.memory_space<semaphore_mem>>) attributes {dimension_semantics = [#tpu.dimension_semantics<core_parallel>, #tpu.dimension_semantics<subcore_parallel>], iteration_bounds = array<i64: 2, 16>, scalar_prefetch = 0 : i64, scratch_operands = 4 : i64, tpu.core_type = #tpu.core_type<sc_vector_subcore>, window_params = [{transform_indices = #map}, {transform_indices = #map1}, {transform_indices = #map1}]} {
    %mul3A = arith.constant 2 : i32
    %mul3A_0 = arith.muli %arg1, %mul3A : i32
    %add3A = arith.addi %mul3A_0, %arg0 : i32
    %mul3A_1 = arith.constant 3200 : i32
    %mul3A_2 = arith.muli %add3A, %mul3A_1 : i32
    %min3A = arith.constant 96800 : i32
    %min3A_3 = arith.minsi %mul3A_2, %min3A : i32
    "tpu.region"() ({
      %run_scoped3A = tpu.sem_alloc : memref<!tpu.dma_semaphore, #tpu.memory_space<semaphore_mem>>
      %dma_start3A_1502 = tpu.memref_slice %arg2[%min3A_3] : memref<100000xi32, #tpu.memory_space<hbm>> -> memref<3200xi32, #tpu.memory_space<hbm>>
      %dma_start3A_1503 = tpu.memref_slice %arg2[%min3A_3] : memref<100000xi32, #tpu.memory_space<hbm>> -> memref<3200xi32, #tpu.memory_space<hbm>>
      tpu.enqueue_dma source(%dma_start3A_1503 : memref<3200xi32, #tpu.memory_space<hbm>>) target(%arg5 : memref<3200xi32, #tpu.memory_space<vmem>>) target_semaphore(%run_scoped3A : memref<!tpu.dma_semaphore, #tpu.memory_space<semaphore_mem>>)
      %dma_wait3A_1504 = tpu.memref_slice %arg2[%min3A_3] : memref<100000xi32, #tpu.memory_space<hbm>> -> memref<3200xi32, #tpu.memory_space<hbm>>
      %dma_wait3A_1505 = tpu.memref_slice %arg2[%min3A_3] : memref<100000xi32, #tpu.memory_space<hbm>> -> memref<3200xi32, #tpu.memory_space<hbm>>
      tpu.wait_dma2 semaphore(%run_scoped3A : memref<!tpu.dma_semaphore, #tpu.memory_space<semaphore_mem>>) src(%dma_wait3A_1505 : memref<3200xi32, #tpu.memory_space<hbm>>) dst(%arg5 : memref<3200xi32, #tpu.memory_space<vmem>>)
      tpu.yield
    }) : () -> ()
    %dma_start3A = arith.constant 0 : i32
    %dma_start3A_4 = arith.constant 0 : i32
    %dma_start3A_5 = arith.constant 0 : i32
    %dma_start3A_6 = arith.constant 0 : i32
    %dma_start3A_7 = tpu.memref_slice %arg6[%dma_start3A, %dma_start3A_5, %dma_start3A_6] : memref<12x128x64xf32, #tpu.memory_space<vmem>> -> memref<1x128x64xf32, #tpu.memory_space<vmem>>
    %dma_start3A_8 = tpu.memref_squeeze %dma_start3A_7 : memref<1x128x64xf32, #tpu.memory_space<vmem>> -> memref<128x64xf32, #tpu.memory_space<vmem>>
    %dma_start3A_9 = arith.constant 0 : i32
    %dma_start3A_10 = tpu.memref_slice %arg5[%dma_start3A_9] : memref<3200xi32, #tpu.memory_space<vmem>> -> memref<128xi32, #tpu.memory_space<vmem>>
    %dma_start3A_11 = arith.constant 0 : i32
    %dma_start3A_12 = arith.constant 0 : i32
    %dma_start3A_13 = tpu.memref_slice %arg3[%dma_start3A_11, %dma_start3A_12] : memref<100000x64xf32, #tpu.memory_space<hbm>> -> memref<100000x64xf32, #tpu.memory_space<hbm>>
    %dma_start3A_14 = tpu.memref_slice %arg7[%dma_start3A_4] : memref<12x!tpu.dma_semaphore, #tpu.memory_space<semaphore_mem>> -> memref<1x!tpu.dma_semaphore, #tpu.memory_space<semaphore_mem>>
    %dma_start3A_15 = tpu.memref_squeeze %dma_start3A_14 : memref<1x!tpu.dma_semaphore, #tpu.memory_space<semaphore_mem>> -> memref<!tpu.dma_semaphore, #tpu.memory_space<semaphore_mem>>
    tpu.enqueue_indirect_dma source(%dma_start3A_13 : memref<100000x64xf32, #tpu.memory_space<hbm>>) target(%dma_start3A_8 : memref<128x64xf32, #tpu.memory_space<vmem>>) offsets(%dma_start3A_10 : memref<128xi32, #tpu.memory_space<vmem>>) semaphore(%dma_start3A_15 : memref<!tpu.dma_semaphore, #tpu.memory_space<semaphore_mem>>)
    %dma_start3A_16 = arith.constant 1 : i32
    %dma_start3A_17 = arith.constant 1 : i32
    %dma_start3A_18 = arith.constant 0 : i32
    %dma_start3A_19 = arith.constant 0 : i32
    %dma_start3A_20 = tpu.memref_slice %arg6[%dma_start3A_16, %dma_start3A_18, %dma_start3A_19] : memref<12x128x64xf32, #tpu.memory_space<vmem>> -> memref<1x128x64xf32, #tpu.memory_space<vmem>>
    %dma_start3A_21 = tpu.memref_squeeze %dma_start3A_20 : memref<1x128x64xf32, #tpu.memory_space<vmem>> -> memref<128x64xf32, #tpu.memory_space<vmem>>
    %dma_start3A_22 = arith.constant 128 : i32
    %dma_start3A_23 = tpu.memref_slice %arg5[%dma_start3A_22] : memref<3200xi32, #tpu.memory_space<vmem>> -> memref<128xi32, #tpu.memory_space<vmem>>
    %dma_start3A_24 = arith.constant 0 : i32
    %dma_start3A_25 = arith.constant 0 : i32
    %dma_start3A_26 = tpu.memref_slice %arg3[%dma_start3A_24, %dma_start3A_25] : memref<100000x64xf32, #tpu.memory_space<hbm>> -> memref<100000x64xf32, #tpu.memory_space<hbm>>
    %dma_start3A_27 = tpu.memref_slice %arg7[%dma_start3A_17] : memref<12x!tpu.dma_semaphore, #tpu.memory_space<semaphore_mem>> -> memref<1x!tpu.dma_semaphore, #tpu.memory_space<semaphore_mem>>
    %dma_start3A_28 = tpu.memref_squeeze %dma_start3A_27 : memref<1x!tpu.dma_semaphore, #tpu.memory_space<semaphore_mem>> -> memref<!tpu.dma_semaphore, #tpu.memory_space<semaphore_mem>>
    tpu.enqueue_indirect_dma source(%dma_start3A_26 : memref<100000x64xf32, #tpu.memory_space<hbm>>) target(%dma_start3A_21 : memref<128x64xf32, #tpu.memory_space<vmem>>) offsets(%dma_start3A_23 : memref<128xi32, #tpu.memory_space<vmem>>) semaphore(%dma_start3A_28 : memref<!tpu.dma_semaphore, #tpu.memory_space<semaphore_mem>>)
    %dma_start3A_29 = arith.constant 2 : i32
    %dma_start3A_30 = arith.constant 2 : i32
    %dma_start3A_31 = arith.constant 0 : i32
    %dma_start3A_32 = arith.constant 0 : i32
    %dma_start3A_33 = tpu.memref_slice %arg6[%dma_start3A_29, %dma_start3A_31, %dma_start3A_32] : memref<12x128x64xf32, #tpu.memory_space<vmem>> -> memref<1x128x64xf32, #tpu.memory_space<vmem>>
    %dma_start3A_34 = tpu.memref_squeeze %dma_start3A_33 : memref<1x128x64xf32, #tpu.memory_space<vmem>> -> memref<128x64xf32, #tpu.memory_space<vmem>>
    %dma_start3A_35 = arith.constant 256 : i32
    %dma_start3A_36 = tpu.memref_slice %arg5[%dma_start3A_35] : memref<3200xi32, #tpu.memory_space<vmem>> -> memref<128xi32, #tpu.memory_space<vmem>>
    %dma_start3A_37 = arith.constant 0 : i32
    %dma_start3A_38 = arith.constant 0 : i32
    %dma_start3A_39 = tpu.memref_slice %arg3[%dma_start3A_37, %dma_start3A_38] : memref<100000x64xf32, #tpu.memory_space<hbm>> -> memref<100000x64xf32, #tpu.memory_space<hbm>>
    %dma_start3A_40 = tpu.memref_slice %arg7[%dma_start3A_30] : memref<12x!tpu.dma_semaphore, #tpu.memory_space<semaphore_mem>> -> memref<1x!tpu.dma_semaphore, #tpu.memory_space<semaphore_mem>>
    %dma_start3A_41 = tpu.memref_squeeze %dma_start3A_40 : memref<1x!tpu.dma_semaphore, #tpu.memory_space<semaphore_mem>> -> memref<!tpu.dma_semaphore, #tpu.memory_space<semaphore_mem>>
    tpu.enqueue_indirect_dma source(%dma_start3A_39 : memref<100000x64xf32, #tpu.memory_space<hbm>>) target(%dma_start3A_34 : memref<128x64xf32, #tpu.memory_space<vmem>>) offsets(%dma_start3A_36 : memref<128xi32, #tpu.memory_space<vmem>>) semaphore(%dma_start3A_41 : memref<!tpu.dma_semaphore, #tpu.memory_space<semaphore_mem>>)
    %dma_start3A_42 = arith.constant 3 : i32
    %dma_start3A_43 = arith.constant 3 : i32
    %dma_start3A_44 = arith.constant 0 : i32
    %dma_start3A_45 = arith.constant 0 : i32
    %dma_start3A_46 = tpu.memref_slice %arg6[%dma_start3A_42, %dma_start3A_44, %dma_start3A_45] : memref<12x128x64xf32, #tpu.memory_space<vmem>> -> memref<1x128x64xf32, #tpu.memory_space<vmem>>
    %dma_start3A_47 = tpu.memref_squeeze %dma_start3A_46 : memref<1x128x64xf32, #tpu.memory_space<vmem>> -> memref<128x64xf32, #tpu.memory_space<vmem>>
    %dma_start3A_48 = arith.constant 384 : i32
    %dma_start3A_49 = tpu.memref_slice %arg5[%dma_start3A_48] : memref<3200xi32, #tpu.memory_space<vmem>> -> memref<128xi32, #tpu.memory_space<vmem>>
    %dma_start3A_50 = arith.constant 0 : i32
    %dma_start3A_51 = arith.constant 0 : i32
    %dma_start3A_52 = tpu.memref_slice %arg3[%dma_start3A_50, %dma_start3A_51] : memref<100000x64xf32, #tpu.memory_space<hbm>> -> memref<100000x64xf32, #tpu.memory_space<hbm>>
    %dma_start3A_53 = tpu.memref_slice %arg7[%dma_start3A_43] : memref<12x!tpu.dma_semaphore, #tpu.memory_space<semaphore_mem>> -> memref<1x!tpu.dma_semaphore, #tpu.memory_space<semaphore_mem>>
    %dma_start3A_54 = tpu.memref_squeeze %dma_start3A_53 : memref<1x!tpu.dma_semaphore, #tpu.memory_space<semaphore_mem>> -> memref<!tpu.dma_semaphore, #tpu.memory_space<semaphore_mem>>
    tpu.enqueue_indirect_dma source(%dma_start3A_52 : memref<100000x64xf32, #tpu.memory_space<hbm>>) target(%dma_start3A_47 : memref<128x64xf32, #tpu.memory_space<vmem>>) offsets(%dma_start3A_49 : memref<128xi32, #tpu.memory_space<vmem>>) semaphore(%dma_start3A_54 : memref<!tpu.dma_semaphore, #tpu.memory_space<semaphore_mem>>)
    %dma_start3A_55 = arith.constant 4 : i32
    %dma_start3A_56 = arith.constant 4 : i32
    %dma_start3A_57 = arith.constant 0 : i32
    %dma_start3A_58 = arith.constant 0 : i32
    %dma_start3A_59 = tpu.memref_slice %arg6[%dma_start3A_55, %dma_start3A_57, %dma_start3A_58] : memref<12x128x64xf32, #tpu.memory_space<vmem>> -> memref<1x128x64xf32, #tpu.memory_space<vmem>>
    %dma_start3A_60 = tpu.memref_squeeze %dma_start3A_59 : memref<1x128x64xf32, #tpu.memory_space<vmem>> -> memref<128x64xf32, #tpu.memory_space<vmem>>
    %dma_start3A_61 = arith.constant 512 : i32
    %dma_start3A_62 = tpu.memref_slice %arg5[%dma_start3A_61] : memref<3200xi32, #tpu.memory_space<vmem>> -> memref<128xi32, #tpu.memory_space<vmem>>
    %dma_start3A_63 = arith.constant 0 : i32
    %dma_start3A_64 = arith.constant 0 : i32
    %dma_start3A_65 = tpu.memref_slice %arg3[%dma_start3A_63, %dma_start3A_64] : memref<100000x64xf32, #tpu.memory_space<hbm>> -> memref<100000x64xf32, #tpu.memory_space<hbm>>
    %dma_start3A_66 = tpu.memref_slice %arg7[%dma_start3A_56] : memref<12x!tpu.dma_semaphore, #tpu.memory_space<semaphore_mem>> -> memref<1x!tpu.dma_semaphore, #tpu.memory_space<semaphore_mem>>
    %dma_start3A_67 = tpu.memref_squeeze %dma_start3A_66 : memref<1x!tpu.dma_semaphore, #tpu.memory_space<semaphore_mem>> -> memref<!tpu.dma_semaphore, #tpu.memory_space<semaphore_mem>>
    tpu.enqueue_indirect_dma source(%dma_start3A_65 : memref<100000x64xf32, #tpu.memory_space<hbm>>) target(%dma_start3A_60 : memref<128x64xf32, #tpu.memory_space<vmem>>) offsets(%dma_start3A_62 : memref<128xi32, #tpu.memory_space<vmem>>) semaphore(%dma_start3A_67 : memref<!tpu.dma_semaphore, #tpu.memory_space<semaphore_mem>>)
    %dma_start3A_68 = arith.constant 5 : i32
    %dma_start3A_69 = arith.constant 5 : i32
    %dma_start3A_70 = arith.constant 0 : i32
    %dma_start3A_71 = arith.constant 0 : i32
    %dma_start3A_72 = tpu.memref_slice %arg6[%dma_start3A_68, %dma_start3A_70, %dma_start3A_71] : memref<12x128x64xf32, #tpu.memory_space<vmem>> -> memref<1x128x64xf32, #tpu.memory_space<vmem>>
    %dma_start3A_73 = tpu.memref_squeeze %dma_start3A_72 : memref<1x128x64xf32, #tpu.memory_space<vmem>> -> memref<128x64xf32, #tpu.memory_space<vmem>>
    %dma_start3A_74 = arith.constant 640 : i32
    %dma_start3A_75 = tpu.memref_slice %arg5[%dma_start3A_74] : memref<3200xi32, #tpu.memory_space<vmem>> -> memref<128xi32, #tpu.memory_space<vmem>>
    %dma_start3A_76 = arith.constant 0 : i32
    %dma_start3A_77 = arith.constant 0 : i32
    %dma_start3A_78 = tpu.memref_slice %arg3[%dma_start3A_76, %dma_start3A_77] : memref<100000x64xf32, #tpu.memory_space<hbm>> -> memref<100000x64xf32, #tpu.memory_space<hbm>>
    %dma_start3A_79 = tpu.memref_slice %arg7[%dma_start3A_69] : memref<12x!tpu.dma_semaphore, #tpu.memory_space<semaphore_mem>> -> memref<1x!tpu.dma_semaphore, #tpu.memory_space<semaphore_mem>>
    %dma_start3A_80 = tpu.memref_squeeze %dma_start3A_79 : memref<1x!tpu.dma_semaphore, #tpu.memory_space<semaphore_mem>> -> memref<!tpu.dma_semaphore, #tpu.memory_space<semaphore_mem>>
    tpu.enqueue_indirect_dma source(%dma_start3A_78 : memref<100000x64xf32, #tpu.memory_space<hbm>>) target(%dma_start3A_73 : memref<128x64xf32, #tpu.memory_space<vmem>>) offsets(%dma_start3A_75 : memref<128xi32, #tpu.memory_space<vmem>>) semaphore(%dma_start3A_80 : memref<!tpu.dma_semaphore, #tpu.memory_space<semaphore_mem>>)
    %dma_start3A_81 = arith.constant 6 : i32
    %dma_start3A_82 = arith.constant 6 : i32
    %dma_start3A_83 = arith.constant 0 : i32
    %dma_start3A_84 = arith.constant 0 : i32
    %dma_start3A_85 = tpu.memref_slice %arg6[%dma_start3A_81, %dma_start3A_83, %dma_start3A_84] : memref<12x128x64xf32, #tpu.memory_space<vmem>> -> memref<1x128x64xf32, #tpu.memory_space<vmem>>
    %dma_start3A_86 = tpu.memref_squeeze %dma_start3A_85 : memref<1x128x64xf32, #tpu.memory_space<vmem>> -> memref<128x64xf32, #tpu.memory_space<vmem>>
    %dma_start3A_87 = arith.constant 768 : i32
    %dma_start3A_88 = tpu.memref_slice %arg5[%dma_start3A_87] : memref<3200xi32, #tpu.memory_space<vmem>> -> memref<128xi32, #tpu.memory_space<vmem>>
    %dma_start3A_89 = arith.constant 0 : i32
    %dma_start3A_90 = arith.constant 0 : i32
    %dma_start3A_91 = tpu.memref_slice %arg3[%dma_start3A_89, %dma_start3A_90] : memref<100000x64xf32, #tpu.memory_space<hbm>> -> memref<100000x64xf32, #tpu.memory_space<hbm>>
    %dma_start3A_92 = tpu.memref_slice %arg7[%dma_start3A_82] : memref<12x!tpu.dma_semaphore, #tpu.memory_space<semaphore_mem>> -> memref<1x!tpu.dma_semaphore, #tpu.memory_space<semaphore_mem>>
    %dma_start3A_93 = tpu.memref_squeeze %dma_start3A_92 : memref<1x!tpu.dma_semaphore, #tpu.memory_space<semaphore_mem>> -> memref<!tpu.dma_semaphore, #tpu.memory_space<semaphore_mem>>
    tpu.enqueue_indirect_dma source(%dma_start3A_91 : memref<100000x64xf32, #tpu.memory_space<hbm>>) target(%dma_start3A_86 : memref<128x64xf32, #tpu.memory_space<vmem>>) offsets(%dma_start3A_88 : memref<128xi32, #tpu.memory_space<vmem>>) semaphore(%dma_start3A_93 : memref<!tpu.dma_semaphore, #tpu.memory_space<semaphore_mem>>)
    %dma_start3A_94 = arith.constant 7 : i32
    %dma_start3A_95 = arith.constant 7 : i32
    %dma_start3A_96 = arith.constant 0 : i32
    %dma_start3A_97 = arith.constant 0 : i32
    %dma_start3A_98 = tpu.memref_slice %arg6[%dma_start3A_94, %dma_start3A_96, %dma_start3A_97] : memref<12x128x64xf32, #tpu.memory_space<vmem>> -> memref<1x128x64xf32, #tpu.memory_space<vmem>>
    %dma_start3A_99 = tpu.memref_squeeze %dma_start3A_98 : memref<1x128x64xf32, #tpu.memory_space<vmem>> -> memref<128x64xf32, #tpu.memory_space<vmem>>
    %dma_start3A_100 = arith.constant 896 : i32
    %dma_start3A_101 = tpu.memref_slice %arg5[%dma_start3A_100] : memref<3200xi32, #tpu.memory_space<vmem>> -> memref<128xi32, #tpu.memory_space<vmem>>
    %dma_start3A_102 = arith.constant 0 : i32
    %dma_start3A_103 = arith.constant 0 : i32
    %dma_start3A_104 = tpu.memref_slice %arg3[%dma_start3A_102, %dma_start3A_103] : memref<100000x64xf32, #tpu.memory_space<hbm>> -> memref<100000x64xf32, #tpu.memory_space<hbm>>
    %dma_start3A_105 = tpu.memref_slice %arg7[%dma_start3A_95] : memref<12x!tpu.dma_semaphore, #tpu.memory_space<semaphore_mem>> -> memref<1x!tpu.dma_semaphore, #tpu.memory_space<semaphore_mem>>
    %dma_start3A_106 = tpu.memref_squeeze %dma_start3A_105 : memref<1x!tpu.dma_semaphore, #tpu.memory_space<semaphore_mem>> -> memref<!tpu.dma_semaphore, #tpu.memory_space<semaphore_mem>>
    tpu.enqueue_indirect_dma source(%dma_start3A_104 : memref<100000x64xf32, #tpu.memory_space<hbm>>) target(%dma_start3A_99 : memref<128x64xf32, #tpu.memory_space<vmem>>) offsets(%dma_start3A_101 : memref<128xi32, #tpu.memory_space<vmem>>) semaphore(%dma_start3A_106 : memref<!tpu.dma_semaphore, #tpu.memory_space<semaphore_mem>>)
    %dma_start3A_107 = arith.constant 8 : i32
    %dma_start3A_108 = arith.constant 8 : i32
    %dma_start3A_109 = arith.constant 0 : i32
    %dma_start3A_110 = arith.constant 0 : i32
    %dma_start3A_111 = tpu.memref_slice %arg6[%dma_start3A_107, %dma_start3A_109, %dma_start3A_110] : memref<12x128x64xf32, #tpu.memory_space<vmem>> -> memref<1x128x64xf32, #tpu.memory_space<vmem>>
    %dma_start3A_112 = tpu.memref_squeeze %dma_start3A_111 : memref<1x128x64xf32, #tpu.memory_space<vmem>> -> memref<128x64xf32, #tpu.memory_space<vmem>>
    %dma_start3A_113 = arith.constant 1024 : i32
    %dma_start3A_114 = tpu.memref_slice %arg5[%dma_start3A_113] : memref<3200xi32, #tpu.memory_space<vmem>> -> memref<128xi32, #tpu.memory_space<vmem>>
    %dma_start3A_115 = arith.constant 0 : i32
    %dma_start3A_116 = arith.constant 0 : i32
    %dma_start3A_117 = tpu.memref_slice %arg3[%dma_start3A_115, %dma_start3A_116] : memref<100000x64xf32, #tpu.memory_space<hbm>> -> memref<100000x64xf32, #tpu.memory_space<hbm>>
    %dma_start3A_118 = tpu.memref_slice %arg7[%dma_start3A_108] : memref<12x!tpu.dma_semaphore, #tpu.memory_space<semaphore_mem>> -> memref<1x!tpu.dma_semaphore, #tpu.memory_space<semaphore_mem>>
    %dma_start3A_119 = tpu.memref_squeeze %dma_start3A_118 : memref<1x!tpu.dma_semaphore, #tpu.memory_space<semaphore_mem>> -> memref<!tpu.dma_semaphore, #tpu.memory_space<semaphore_mem>>
    tpu.enqueue_indirect_dma source(%dma_start3A_117 : memref<100000x64xf32, #tpu.memory_space<hbm>>) target(%dma_start3A_112 : memref<128x64xf32, #tpu.memory_space<vmem>>) offsets(%dma_start3A_114 : memref<128xi32, #tpu.memory_space<vmem>>) semaphore(%dma_start3A_119 : memref<!tpu.dma_semaphore, #tpu.memory_space<semaphore_mem>>)
    %dma_wait3A = arith.constant 0 : i32
    %dma_wait3A_120 = arith.constant 0 : i32
    %dma_wait3A_121 = arith.constant 0 : i32
    %dma_wait3A_122 = arith.constant 0 : i32
    %dma_wait3A_123 = tpu.memref_slice %arg6[%dma_wait3A, %dma_wait3A_121, %dma_wait3A_122] : memref<12x128x64xf32, #tpu.memory_space<vmem>> -> memref<1x128x64xf32, #tpu.memory_space<vmem>>
    %dma_wait3A_124 = tpu.memref_squeeze %dma_wait3A_123 : memref<1x128x64xf32, #tpu.memory_space<vmem>> -> memref<128x64xf32, #tpu.memory_space<vmem>>
    %dma_wait3A_125 = arith.constant 0 : i32
    %dma_wait3A_126 = tpu.memref_slice %arg5[%dma_wait3A_125] : memref<3200xi32, #tpu.memory_space<vmem>> -> memref<128xi32, #tpu.memory_space<vmem>>
    %dma_wait3A_127 = arith.constant 0 : i32
    %dma_wait3A_128 = arith.constant 0 : i32
    %dma_wait3A_129 = tpu.memref_slice %arg3[%dma_wait3A_127, %dma_wait3A_128] : memref<100000x64xf32, #tpu.memory_space<hbm>> -> memref<100000x64xf32, #tpu.memory_space<hbm>>
    %dma_wait3A_130 = tpu.memref_slice %arg7[%dma_wait3A_120] : memref<12x!tpu.dma_semaphore, #tpu.memory_space<semaphore_mem>> -> memref<1x!tpu.dma_semaphore, #tpu.memory_space<semaphore_mem>>
    %dma_wait3A_131 = tpu.memref_squeeze %dma_wait3A_130 : memref<1x!tpu.dma_semaphore, #tpu.memory_space<semaphore_mem>> -> memref<!tpu.dma_semaphore, #tpu.memory_space<semaphore_mem>>
    tpu.wait_indirect_dma semaphore(%dma_wait3A_131 : memref<!tpu.dma_semaphore, #tpu.memory_space<semaphore_mem>>) src(%dma_wait3A_129 : memref<100000x64xf32, #tpu.memory_space<hbm>>) dst(%dma_wait3A_124 : memref<128x64xf32, #tpu.memory_space<vmem>>)
    %add3A_132 = arith.constant 0 : i32
    %add3A_133 = arith.addi %min3A_3, %add3A_132 : i32
    %dma_start3A_134 = arith.constant 0 : i32
    %dma_start3A_135 = arith.constant 0 : i32
    %dma_start3A_136 = arith.constant 0 : i32
    %dma_start3A_137 = arith.constant 0 : i32
    %dma_start3A_138 = tpu.memref_slice %arg6[%dma_start3A_134, %dma_start3A_136, %dma_start3A_137] : memref<12x128x64xf32, #tpu.memory_space<vmem>> -> memref<1x128x64xf32, #tpu.memory_space<vmem>>
    %dma_start3A_139 = tpu.memref_squeeze %dma_start3A_138 : memref<1x128x64xf32, #tpu.memory_space<vmem>> -> memref<128x64xf32, #tpu.memory_space<vmem>>
    %dma_start3A_140 = arith.constant 0 : i32
    %dma_start3A_141 = tpu.memref_slice %arg4[%add3A_133, %dma_start3A_140] : memref<100000x64xf32, #tpu.memory_space<hbm>> -> memref<128x64xf32, #tpu.memory_space<hbm>>
    %dma_start3A_142 = tpu.memref_slice %arg8[%dma_start3A_135] : memref<12x!tpu.dma_semaphore, #tpu.memory_space<semaphore_mem>> -> memref<1x!tpu.dma_semaphore, #tpu.memory_space<semaphore_mem>>
    %dma_start3A_143 = tpu.memref_squeeze %dma_start3A_142 : memref<1x!tpu.dma_semaphore, #tpu.memory_space<semaphore_mem>> -> memref<!tpu.dma_semaphore, #tpu.memory_space<semaphore_mem>>
    %dma_start3A_144 = arith.constant 0 : i32
    %dma_start3A_145 = tpu.memref_slice %arg4[%add3A_133, %dma_start3A_144] : memref<100000x64xf32, #tpu.memory_space<hbm>> -> memref<128x64xf32, #tpu.memory_space<hbm>>
    %dma_start3A_146 = arith.constant 0 : i32
    %dma_start3A_147 = arith.constant 0 : i32
    %dma_start3A_148 = tpu.memref_slice %arg6[%dma_start3A_134, %dma_start3A_146, %dma_start3A_147] : memref<12x128x64xf32, #tpu.memory_space<vmem>> -> memref<1x128x64xf32, #tpu.memory_space<vmem>>
    %dma_start3A_149 = tpu.memref_squeeze %dma_start3A_148 : memref<1x128x64xf32, #tpu.memory_space<vmem>> -> memref<128x64xf32, #tpu.memory_space<vmem>>
    tpu.enqueue_dma source(%dma_start3A_149 : memref<128x64xf32, #tpu.memory_space<vmem>>) target(%dma_start3A_145 : memref<128x64xf32, #tpu.memory_space<hbm>>) target_semaphore(%dma_start3A_143 : memref<!tpu.dma_semaphore, #tpu.memory_space<semaphore_mem>>)
    %dma_start3A_150 = arith.constant 9 : i32
    %dma_start3A_151 = arith.constant 9 : i32
    %dma_start3A_152 = arith.constant 0 : i32
    %dma_start3A_153 = arith.constant 0 : i32
    %dma_start3A_154 = tpu.memref_slice %arg6[%dma_start3A_150, %dma_start3A_152, %dma_start3A_153] : memref<12x128x64xf32, #tpu.memory_space<vmem>> -> memref<1x128x64xf32, #tpu.memory_space<vmem>>
    %dma_start3A_155 = tpu.memref_squeeze %dma_start3A_154 : memref<1x128x64xf32, #tpu.memory_space<vmem>> -> memref<128x64xf32, #tpu.memory_space<vmem>>
    %dma_start3A_156 = arith.constant 1152 : i32
    %dma_start3A_157 = tpu.memref_slice %arg5[%dma_start3A_156] : memref<3200xi32, #tpu.memory_space<vmem>> -> memref<128xi32, #tpu.memory_space<vmem>>
    %dma_start3A_158 = arith.constant 0 : i32
    %dma_start3A_159 = arith.constant 0 : i32
    %dma_start3A_160 = tpu.memref_slice %arg3[%dma_start3A_158, %dma_start3A_159] : memref<100000x64xf32, #tpu.memory_space<hbm>> -> memref<100000x64xf32, #tpu.memory_space<hbm>>
    %dma_start3A_161 = tpu.memref_slice %arg7[%dma_start3A_151] : memref<12x!tpu.dma_semaphore, #tpu.memory_space<semaphore_mem>> -> memref<1x!tpu.dma_semaphore, #tpu.memory_space<semaphore_mem>>
    %dma_start3A_162 = tpu.memref_squeeze %dma_start3A_161 : memref<1x!tpu.dma_semaphore, #tpu.memory_space<semaphore_mem>> -> memref<!tpu.dma_semaphore, #tpu.memory_space<semaphore_mem>>
    tpu.enqueue_indirect_dma source(%dma_start3A_160 : memref<100000x64xf32, #tpu.memory_space<hbm>>) target(%dma_start3A_155 : memref<128x64xf32, #tpu.memory_space<vmem>>) offsets(%dma_start3A_157 : memref<128xi32, #tpu.memory_space<vmem>>) semaphore(%dma_start3A_162 : memref<!tpu.dma_semaphore, #tpu.memory_space<semaphore_mem>>)
    %dma_wait3A_163 = arith.constant 1 : i32
    %dma_wait3A_164 = arith.constant 1 : i32
    %dma_wait3A_165 = arith.constant 0 : i32
    %dma_wait3A_166 = arith.constant 0 : i32
    %dma_wait3A_167 = tpu.memref_slice %arg6[%dma_wait3A_163, %dma_wait3A_165, %dma_wait3A_166] : memref<12x128x64xf32, #tpu.memory_space<vmem>> -> memref<1x128x64xf32, #tpu.memory_space<vmem>>
    %dma_wait3A_168 = tpu.memref_squeeze %dma_wait3A_167 : memref<1x128x64xf32, #tpu.memory_space<vmem>> -> memref<128x64xf32, #tpu.memory_space<vmem>>
    %dma_wait3A_169 = arith.constant 0 : i32
    %dma_wait3A_170 = tpu.memref_slice %arg5[%dma_wait3A_169] : memref<3200xi32, #tpu.memory_space<vmem>> -> memref<128xi32, #tpu.memory_space<vmem>>
    %dma_wait3A_171 = arith.constant 0 : i32
    %dma_wait3A_172 = arith.constant 0 : i32
    %dma_wait3A_173 = tpu.memref_slice %arg3[%dma_wait3A_171, %dma_wait3A_172] : memref<100000x64xf32, #tpu.memory_space<hbm>> -> memref<100000x64xf32, #tpu.memory_space<hbm>>
    %dma_wait3A_174 = tpu.memref_slice %arg7[%dma_wait3A_164] : memref<12x!tpu.dma_semaphore, #tpu.memory_space<semaphore_mem>> -> memref<1x!tpu.dma_semaphore, #tpu.memory_space<semaphore_mem>>
    %dma_wait3A_175 = tpu.memref_squeeze %dma_wait3A_174 : memref<1x!tpu.dma_semaphore, #tpu.memory_space<semaphore_mem>> -> memref<!tpu.dma_semaphore, #tpu.memory_space<semaphore_mem>>
    tpu.wait_indirect_dma semaphore(%dma_wait3A_175 : memref<!tpu.dma_semaphore, #tpu.memory_space<semaphore_mem>>) src(%dma_wait3A_173 : memref<100000x64xf32, #tpu.memory_space<hbm>>) dst(%dma_wait3A_168 : memref<128x64xf32, #tpu.memory_space<vmem>>)
    %add3A_176 = arith.constant 128 : i32
    %add3A_177 = arith.addi %min3A_3, %add3A_176 : i32
    %dma_start3A_178 = arith.constant 1 : i32
    %dma_start3A_179 = arith.constant 1 : i32
    %dma_start3A_180 = arith.constant 0 : i32
    %dma_start3A_181 = arith.constant 0 : i32
    %dma_start3A_182 = tpu.memref_slice %arg6[%dma_start3A_178, %dma_start3A_180, %dma_start3A_181] : memref<12x128x64xf32, #tpu.memory_space<vmem>> -> memref<1x128x64xf32, #tpu.memory_space<vmem>>
    %dma_start3A_183 = tpu.memref_squeeze %dma_start3A_182 : memref<1x128x64xf32, #tpu.memory_space<vmem>> -> memref<128x64xf32, #tpu.memory_space<vmem>>
    %dma_start3A_184 = arith.constant 0 : i32
    %dma_start3A_185 = tpu.memref_slice %arg4[%add3A_177, %dma_start3A_184] : memref<100000x64xf32, #tpu.memory_space<hbm>> -> memref<128x64xf32, #tpu.memory_space<hbm>>
    %dma_start3A_186 = tpu.memref_slice %arg8[%dma_start3A_179] : memref<12x!tpu.dma_semaphore, #tpu.memory_space<semaphore_mem>> -> memref<1x!tpu.dma_semaphore, #tpu.memory_space<semaphore_mem>>
    %dma_start3A_187 = tpu.memref_squeeze %dma_start3A_186 : memref<1x!tpu.dma_semaphore, #tpu.memory_space<semaphore_mem>> -> memref<!tpu.dma_semaphore, #tpu.memory_space<semaphore_mem>>
    %dma_start3A_188 = arith.constant 0 : i32
    %dma_start3A_189 = tpu.memref_slice %arg4[%add3A_177, %dma_start3A_188] : memref<100000x64xf32, #tpu.memory_space<hbm>> -> memref<128x64xf32, #tpu.memory_space<hbm>>
    %dma_start3A_190 = arith.constant 0 : i32
    %dma_start3A_191 = arith.constant 0 : i32
    %dma_start3A_192 = tpu.memref_slice %arg6[%dma_start3A_178, %dma_start3A_190, %dma_start3A_191] : memref<12x128x64xf32, #tpu.memory_space<vmem>> -> memref<1x128x64xf32, #tpu.memory_space<vmem>>
    %dma_start3A_193 = tpu.memref_squeeze %dma_start3A_192 : memref<1x128x64xf32, #tpu.memory_space<vmem>> -> memref<128x64xf32, #tpu.memory_space<vmem>>
    tpu.enqueue_dma source(%dma_start3A_193 : memref<128x64xf32, #tpu.memory_space<vmem>>) target(%dma_start3A_189 : memref<128x64xf32, #tpu.memory_space<hbm>>) target_semaphore(%dma_start3A_187 : memref<!tpu.dma_semaphore, #tpu.memory_space<semaphore_mem>>)
    %dma_start3A_194 = arith.constant 10 : i32
    %dma_start3A_195 = arith.constant 10 : i32
    %dma_start3A_196 = arith.constant 0 : i32
    %dma_start3A_197 = arith.constant 0 : i32
    %dma_start3A_198 = tpu.memref_slice %arg6[%dma_start3A_194, %dma_start3A_196, %dma_start3A_197] : memref<12x128x64xf32, #tpu.memory_space<vmem>> -> memref<1x128x64xf32, #tpu.memory_space<vmem>>
    %dma_start3A_199 = tpu.memref_squeeze %dma_start3A_198 : memref<1x128x64xf32, #tpu.memory_space<vmem>> -> memref<128x64xf32, #tpu.memory_space<vmem>>
    %dma_start3A_200 = arith.constant 1280 : i32
    %dma_start3A_201 = tpu.memref_slice %arg5[%dma_start3A_200] : memref<3200xi32, #tpu.memory_space<vmem>> -> memref<128xi32, #tpu.memory_space<vmem>>
    %dma_start3A_202 = arith.constant 0 : i32
    %dma_start3A_203 = arith.constant 0 : i32
    %dma_start3A_204 = tpu.memref_slice %arg3[%dma_start3A_202, %dma_start3A_203] : memref<100000x64xf32, #tpu.memory_space<hbm>> -> memref<100000x64xf32, #tpu.memory_space<hbm>>
    %dma_start3A_205 = tpu.memref_slice %arg7[%dma_start3A_195] : memref<12x!tpu.dma_semaphore, #tpu.memory_space<semaphore_mem>> -> memref<1x!tpu.dma_semaphore, #tpu.memory_space<semaphore_mem>>
    %dma_start3A_206 = tpu.memref_squeeze %dma_start3A_205 : memref<1x!tpu.dma_semaphore, #tpu.memory_space<semaphore_mem>> -> memref<!tpu.dma_semaphore, #tpu.memory_space<semaphore_mem>>
    tpu.enqueue_indirect_dma source(%dma_start3A_204 : memref<100000x64xf32, #tpu.memory_space<hbm>>) target(%dma_start3A_199 : memref<128x64xf32, #tpu.memory_space<vmem>>) offsets(%dma_start3A_201 : memref<128xi32, #tpu.memory_space<vmem>>) semaphore(%dma_start3A_206 : memref<!tpu.dma_semaphore, #tpu.memory_space<semaphore_mem>>)
    %dma_wait3A_207 = arith.constant 2 : i32
    %dma_wait3A_208 = arith.constant 2 : i32
    %dma_wait3A_209 = arith.constant 0 : i32
    %dma_wait3A_210 = arith.constant 0 : i32
    %dma_wait3A_211 = tpu.memref_slice %arg6[%dma_wait3A_207, %dma_wait3A_209, %dma_wait3A_210] : memref<12x128x64xf32, #tpu.memory_space<vmem>> -> memref<1x128x64xf32, #tpu.memory_space<vmem>>
    %dma_wait3A_212 = tpu.memref_squeeze %dma_wait3A_211 : memref<1x128x64xf32, #tpu.memory_space<vmem>> -> memref<128x64xf32, #tpu.memory_space<vmem>>
    %dma_wait3A_213 = arith.constant 0 : i32
    %dma_wait3A_214 = tpu.memref_slice %arg5[%dma_wait3A_213] : memref<3200xi32, #tpu.memory_space<vmem>> -> memref<128xi32, #tpu.memory_space<vmem>>
    %dma_wait3A_215 = arith.constant 0 : i32
    %dma_wait3A_216 = arith.constant 0 : i32
    %dma_wait3A_217 = tpu.memref_slice %arg3[%dma_wait3A_215, %dma_wait3A_216] : memref<100000x64xf32, #tpu.memory_space<hbm>> -> memref<100000x64xf32, #tpu.memory_space<hbm>>
    %dma_wait3A_218 = tpu.memref_slice %arg7[%dma_wait3A_208] : memref<12x!tpu.dma_semaphore, #tpu.memory_space<semaphore_mem>> -> memref<1x!tpu.dma_semaphore, #tpu.memory_space<semaphore_mem>>
    %dma_wait3A_219 = tpu.memref_squeeze %dma_wait3A_218 : memref<1x!tpu.dma_semaphore, #tpu.memory_space<semaphore_mem>> -> memref<!tpu.dma_semaphore, #tpu.memory_space<semaphore_mem>>
    tpu.wait_indirect_dma semaphore(%dma_wait3A_219 : memref<!tpu.dma_semaphore, #tpu.memory_space<semaphore_mem>>) src(%dma_wait3A_217 : memref<100000x64xf32, #tpu.memory_space<hbm>>) dst(%dma_wait3A_212 : memref<128x64xf32, #tpu.memory_space<vmem>>)
    %add3A_220 = arith.constant 256 : i32
    %add3A_221 = arith.addi %min3A_3, %add3A_220 : i32
    %dma_start3A_222 = arith.constant 2 : i32
    %dma_start3A_223 = arith.constant 2 : i32
    %dma_start3A_224 = arith.constant 0 : i32
    %dma_start3A_225 = arith.constant 0 : i32
    %dma_start3A_226 = tpu.memref_slice %arg6[%dma_start3A_222, %dma_start3A_224, %dma_start3A_225] : memref<12x128x64xf32, #tpu.memory_space<vmem>> -> memref<1x128x64xf32, #tpu.memory_space<vmem>>
    %dma_start3A_227 = tpu.memref_squeeze %dma_start3A_226 : memref<1x128x64xf32, #tpu.memory_space<vmem>> -> memref<128x64xf32, #tpu.memory_space<vmem>>
    %dma_start3A_228 = arith.constant 0 : i32
    %dma_start3A_229 = tpu.memref_slice %arg4[%add3A_221, %dma_start3A_228] : memref<100000x64xf32, #tpu.memory_space<hbm>> -> memref<128x64xf32, #tpu.memory_space<hbm>>
    %dma_start3A_230 = tpu.memref_slice %arg8[%dma_start3A_223] : memref<12x!tpu.dma_semaphore, #tpu.memory_space<semaphore_mem>> -> memref<1x!tpu.dma_semaphore, #tpu.memory_space<semaphore_mem>>
    %dma_start3A_231 = tpu.memref_squeeze %dma_start3A_230 : memref<1x!tpu.dma_semaphore, #tpu.memory_space<semaphore_mem>> -> memref<!tpu.dma_semaphore, #tpu.memory_space<semaphore_mem>>
    %dma_start3A_232 = arith.constant 0 : i32
    %dma_start3A_233 = tpu.memref_slice %arg4[%add3A_221, %dma_start3A_232] : memref<100000x64xf32, #tpu.memory_space<hbm>> -> memref<128x64xf32, #tpu.memory_space<hbm>>
    %dma_start3A_234 = arith.constant 0 : i32
    %dma_start3A_235 = arith.constant 0 : i32
    %dma_start3A_236 = tpu.memref_slice %arg6[%dma_start3A_222, %dma_start3A_234, %dma_start3A_235] : memref<12x128x64xf32, #tpu.memory_space<vmem>> -> memref<1x128x64xf32, #tpu.memory_space<vmem>>
    %dma_start3A_237 = tpu.memref_squeeze %dma_start3A_236 : memref<1x128x64xf32, #tpu.memory_space<vmem>> -> memref<128x64xf32, #tpu.memory_space<vmem>>
    tpu.enqueue_dma source(%dma_start3A_237 : memref<128x64xf32, #tpu.memory_space<vmem>>) target(%dma_start3A_233 : memref<128x64xf32, #tpu.memory_space<hbm>>) target_semaphore(%dma_start3A_231 : memref<!tpu.dma_semaphore, #tpu.memory_space<semaphore_mem>>)
    %dma_start3A_238 = arith.constant 11 : i32
    %dma_start3A_239 = arith.constant 11 : i32
    %dma_start3A_240 = arith.constant 0 : i32
    %dma_start3A_241 = arith.constant 0 : i32
    %dma_start3A_242 = tpu.memref_slice %arg6[%dma_start3A_238, %dma_start3A_240, %dma_start3A_241] : memref<12x128x64xf32, #tpu.memory_space<vmem>> -> memref<1x128x64xf32, #tpu.memory_space<vmem>>
    %dma_start3A_243 = tpu.memref_squeeze %dma_start3A_242 : memref<1x128x64xf32, #tpu.memory_space<vmem>> -> memref<128x64xf32, #tpu.memory_space<vmem>>
    %dma_start3A_244 = arith.constant 1408 : i32
    %dma_start3A_245 = tpu.memref_slice %arg5[%dma_start3A_244] : memref<3200xi32, #tpu.memory_space<vmem>> -> memref<128xi32, #tpu.memory_space<vmem>>
    %dma_start3A_246 = arith.constant 0 : i32
    %dma_start3A_247 = arith.constant 0 : i32
    %dma_start3A_248 = tpu.memref_slice %arg3[%dma_start3A_246, %dma_start3A_247] : memref<100000x64xf32, #tpu.memory_space<hbm>> -> memref<100000x64xf32, #tpu.memory_space<hbm>>
    %dma_start3A_249 = tpu.memref_slice %arg7[%dma_start3A_239] : memref<12x!tpu.dma_semaphore, #tpu.memory_space<semaphore_mem>> -> memref<1x!tpu.dma_semaphore, #tpu.memory_space<semaphore_mem>>
    %dma_start3A_250 = tpu.memref_squeeze %dma_start3A_249 : memref<1x!tpu.dma_semaphore, #tpu.memory_space<semaphore_mem>> -> memref<!tpu.dma_semaphore, #tpu.memory_space<semaphore_mem>>
    tpu.enqueue_indirect_dma source(%dma_start3A_248 : memref<100000x64xf32, #tpu.memory_space<hbm>>) target(%dma_start3A_243 : memref<128x64xf32, #tpu.memory_space<vmem>>) offsets(%dma_start3A_245 : memref<128xi32, #tpu.memory_space<vmem>>) semaphore(%dma_start3A_250 : memref<!tpu.dma_semaphore, #tpu.memory_space<semaphore_mem>>)
    %dma_wait3A_251 = arith.constant 3 : i32
    %dma_wait3A_252 = arith.constant 3 : i32
    %dma_wait3A_253 = arith.constant 0 : i32
    %dma_wait3A_254 = arith.constant 0 : i32
    %dma_wait3A_255 = tpu.memref_slice %arg6[%dma_wait3A_251, %dma_wait3A_253, %dma_wait3A_254] : memref<12x128x64xf32, #tpu.memory_space<vmem>> -> memref<1x128x64xf32, #tpu.memory_space<vmem>>
    %dma_wait3A_256 = tpu.memref_squeeze %dma_wait3A_255 : memref<1x128x64xf32, #tpu.memory_space<vmem>> -> memref<128x64xf32, #tpu.memory_space<vmem>>
    %dma_wait3A_257 = arith.constant 0 : i32
    %dma_wait3A_258 = tpu.memref_slice %arg5[%dma_wait3A_257] : memref<3200xi32, #tpu.memory_space<vmem>> -> memref<128xi32, #tpu.memory_space<vmem>>
    %dma_wait3A_259 = arith.constant 0 : i32
    %dma_wait3A_260 = arith.constant 0 : i32
    %dma_wait3A_261 = tpu.memref_slice %arg3[%dma_wait3A_259, %dma_wait3A_260] : memref<100000x64xf32, #tpu.memory_space<hbm>> -> memref<100000x64xf32, #tpu.memory_space<hbm>>
    %dma_wait3A_262 = tpu.memref_slice %arg7[%dma_wait3A_252] : memref<12x!tpu.dma_semaphore, #tpu.memory_space<semaphore_mem>> -> memref<1x!tpu.dma_semaphore, #tpu.memory_space<semaphore_mem>>
    %dma_wait3A_263 = tpu.memref_squeeze %dma_wait3A_262 : memref<1x!tpu.dma_semaphore, #tpu.memory_space<semaphore_mem>> -> memref<!tpu.dma_semaphore, #tpu.memory_space<semaphore_mem>>
    tpu.wait_indirect_dma semaphore(%dma_wait3A_263 : memref<!tpu.dma_semaphore, #tpu.memory_space<semaphore_mem>>) src(%dma_wait3A_261 : memref<100000x64xf32, #tpu.memory_space<hbm>>) dst(%dma_wait3A_256 : memref<128x64xf32, #tpu.memory_space<vmem>>)
    %add3A_264 = arith.constant 384 : i32
    %add3A_265 = arith.addi %min3A_3, %add3A_264 : i32
    %dma_start3A_266 = arith.constant 3 : i32
    %dma_start3A_267 = arith.constant 3 : i32
    %dma_start3A_268 = arith.constant 0 : i32
    %dma_start3A_269 = arith.constant 0 : i32
    %dma_start3A_270 = tpu.memref_slice %arg6[%dma_start3A_266, %dma_start3A_268, %dma_start3A_269] : memref<12x128x64xf32, #tpu.memory_space<vmem>> -> memref<1x128x64xf32, #tpu.memory_space<vmem>>
    %dma_start3A_271 = tpu.memref_squeeze %dma_start3A_270 : memref<1x128x64xf32, #tpu.memory_space<vmem>> -> memref<128x64xf32, #tpu.memory_space<vmem>>
    %dma_start3A_272 = arith.constant 0 : i32
    %dma_start3A_273 = tpu.memref_slice %arg4[%add3A_265, %dma_start3A_272] : memref<100000x64xf32, #tpu.memory_space<hbm>> -> memref<128x64xf32, #tpu.memory_space<hbm>>
    %dma_start3A_274 = tpu.memref_slice %arg8[%dma_start3A_267] : memref<12x!tpu.dma_semaphore, #tpu.memory_space<semaphore_mem>> -> memref<1x!tpu.dma_semaphore, #tpu.memory_space<semaphore_mem>>
    %dma_start3A_275 = tpu.memref_squeeze %dma_start3A_274 : memref<1x!tpu.dma_semaphore, #tpu.memory_space<semaphore_mem>> -> memref<!tpu.dma_semaphore, #tpu.memory_space<semaphore_mem>>
    %dma_start3A_276 = arith.constant 0 : i32
    %dma_start3A_277 = tpu.memref_slice %arg4[%add3A_265, %dma_start3A_276] : memref<100000x64xf32, #tpu.memory_space<hbm>> -> memref<128x64xf32, #tpu.memory_space<hbm>>
    %dma_start3A_278 = arith.constant 0 : i32
    %dma_start3A_279 = arith.constant 0 : i32
    %dma_start3A_280 = tpu.memref_slice %arg6[%dma_start3A_266, %dma_start3A_278, %dma_start3A_279] : memref<12x128x64xf32, #tpu.memory_space<vmem>> -> memref<1x128x64xf32, #tpu.memory_space<vmem>>
    %dma_start3A_281 = tpu.memref_squeeze %dma_start3A_280 : memref<1x128x64xf32, #tpu.memory_space<vmem>> -> memref<128x64xf32, #tpu.memory_space<vmem>>
    tpu.enqueue_dma source(%dma_start3A_281 : memref<128x64xf32, #tpu.memory_space<vmem>>) target(%dma_start3A_277 : memref<128x64xf32, #tpu.memory_space<hbm>>) target_semaphore(%dma_start3A_275 : memref<!tpu.dma_semaphore, #tpu.memory_space<semaphore_mem>>)
    %dma_wait3A_282 = arith.constant 0 : i32
    %dma_wait3A_283 = arith.constant 0 : i32
    %dma_wait3A_284 = arith.constant 0 : i32
    %dma_wait3A_285 = arith.constant 0 : i32
    %dma_wait3A_286 = tpu.memref_slice %arg6[%dma_wait3A_282, %dma_wait3A_284, %dma_wait3A_285] : memref<12x128x64xf32, #tpu.memory_space<vmem>> -> memref<1x128x64xf32, #tpu.memory_space<vmem>>
    %dma_wait3A_287 = tpu.memref_squeeze %dma_wait3A_286 : memref<1x128x64xf32, #tpu.memory_space<vmem>> -> memref<128x64xf32, #tpu.memory_space<vmem>>
    %dma_wait3A_288 = arith.constant 0 : i32
    %dma_wait3A_289 = tpu.memref_slice %arg4[%min3A_3, %dma_wait3A_288] : memref<100000x64xf32, #tpu.memory_space<hbm>> -> memref<128x64xf32, #tpu.memory_space<hbm>>
    %dma_wait3A_290 = tpu.memref_slice %arg8[%dma_wait3A_283] : memref<12x!tpu.dma_semaphore, #tpu.memory_space<semaphore_mem>> -> memref<1x!tpu.dma_semaphore, #tpu.memory_space<semaphore_mem>>
    %dma_wait3A_291 = tpu.memref_squeeze %dma_wait3A_290 : memref<1x!tpu.dma_semaphore, #tpu.memory_space<semaphore_mem>> -> memref<!tpu.dma_semaphore, #tpu.memory_space<semaphore_mem>>
    %dma_wait3A_292 = arith.constant 0 : i32
    %dma_wait3A_293 = arith.constant 0 : i32
    %dma_wait3A_294 = tpu.memref_slice %arg6[%dma_wait3A_282, %dma_wait3A_292, %dma_wait3A_293] : memref<12x128x64xf32, #tpu.memory_space<vmem>> -> memref<1x128x64xf32, #tpu.memory_space<vmem>>
    %dma_wait3A_295 = tpu.memref_squeeze %dma_wait3A_294 : memref<1x128x64xf32, #tpu.memory_space<vmem>> -> memref<128x64xf32, #tpu.memory_space<vmem>>
    %dma_wait3A_296 = arith.constant 0 : i32
    %dma_wait3A_297 = tpu.memref_slice %arg4[%min3A_3, %dma_wait3A_296] : memref<100000x64xf32, #tpu.memory_space<hbm>> -> memref<128x64xf32, #tpu.memory_space<hbm>>
    tpu.wait_dma2 semaphore(%dma_wait3A_291 : memref<!tpu.dma_semaphore, #tpu.memory_space<semaphore_mem>>) src(%dma_wait3A_297 : memref<128x64xf32, #tpu.memory_space<hbm>>) dst(%dma_wait3A_295 : memref<128x64xf32, #tpu.memory_space<vmem>>)
    %dma_start3A_298 = arith.constant 0 : i32
    %dma_start3A_299 = arith.constant 0 : i32
    %dma_start3A_300 = arith.constant 0 : i32
    %dma_start3A_301 = arith.constant 0 : i32
    %dma_start3A_302 = tpu.memref_slice %arg6[%dma_start3A_298, %dma_start3A_300, %dma_start3A_301] : memref<12x128x64xf32, #tpu.memory_space<vmem>> -> memref<1x128x64xf32, #tpu.memory_space<vmem>>
    %dma_start3A_303 = tpu.memref_squeeze %dma_start3A_302 : memref<1x128x64xf32, #tpu.memory_space<vmem>> -> memref<128x64xf32, #tpu.memory_space<vmem>>
    %dma_start3A_304 = arith.constant 1536 : i32
    %dma_start3A_305 = tpu.memref_slice %arg5[%dma_start3A_304] : memref<3200xi32, #tpu.memory_space<vmem>> -> memref<128xi32, #tpu.memory_space<vmem>>
    %dma_start3A_306 = arith.constant 0 : i32
    %dma_start3A_307 = arith.constant 0 : i32
    %dma_start3A_308 = tpu.memref_slice %arg3[%dma_start3A_306, %dma_start3A_307] : memref<100000x64xf32, #tpu.memory_space<hbm>> -> memref<100000x64xf32, #tpu.memory_space<hbm>>
    %dma_start3A_309 = tpu.memref_slice %arg7[%dma_start3A_299] : memref<12x!tpu.dma_semaphore, #tpu.memory_space<semaphore_mem>> -> memref<1x!tpu.dma_semaphore, #tpu.memory_space<semaphore_mem>>
    %dma_start3A_310 = tpu.memref_squeeze %dma_start3A_309 : memref<1x!tpu.dma_semaphore, #tpu.memory_space<semaphore_mem>> -> memref<!tpu.dma_semaphore, #tpu.memory_space<semaphore_mem>>
    tpu.enqueue_indirect_dma source(%dma_start3A_308 : memref<100000x64xf32, #tpu.memory_space<hbm>>) target(%dma_start3A_303 : memref<128x64xf32, #tpu.memory_space<vmem>>) offsets(%dma_start3A_305 : memref<128xi32, #tpu.memory_space<vmem>>) semaphore(%dma_start3A_310 : memref<!tpu.dma_semaphore, #tpu.memory_space<semaphore_mem>>)
    %dma_wait3A_311 = arith.constant 4 : i32
    %dma_wait3A_312 = arith.constant 4 : i32
    %dma_wait3A_313 = arith.constant 0 : i32
    %dma_wait3A_314 = arith.constant 0 : i32
    %dma_wait3A_315 = tpu.memref_slice %arg6[%dma_wait3A_311, %dma_wait3A_313, %dma_wait3A_314] : memref<12x128x64xf32, #tpu.memory_space<vmem>> -> memref<1x128x64xf32, #tpu.memory_space<vmem>>
    %dma_wait3A_316 = tpu.memref_squeeze %dma_wait3A_315 : memref<1x128x64xf32, #tpu.memory_space<vmem>> -> memref<128x64xf32, #tpu.memory_space<vmem>>
    %dma_wait3A_317 = arith.constant 0 : i32
    %dma_wait3A_318 = tpu.memref_slice %arg5[%dma_wait3A_317] : memref<3200xi32, #tpu.memory_space<vmem>> -> memref<128xi32, #tpu.memory_space<vmem>>
    %dma_wait3A_319 = arith.constant 0 : i32
    %dma_wait3A_320 = arith.constant 0 : i32
    %dma_wait3A_321 = tpu.memref_slice %arg3[%dma_wait3A_319, %dma_wait3A_320] : memref<100000x64xf32, #tpu.memory_space<hbm>> -> memref<100000x64xf32, #tpu.memory_space<hbm>>
    %dma_wait3A_322 = tpu.memref_slice %arg7[%dma_wait3A_312] : memref<12x!tpu.dma_semaphore, #tpu.memory_space<semaphore_mem>> -> memref<1x!tpu.dma_semaphore, #tpu.memory_space<semaphore_mem>>
    %dma_wait3A_323 = tpu.memref_squeeze %dma_wait3A_322 : memref<1x!tpu.dma_semaphore, #tpu.memory_space<semaphore_mem>> -> memref<!tpu.dma_semaphore, #tpu.memory_space<semaphore_mem>>
    tpu.wait_indirect_dma semaphore(%dma_wait3A_323 : memref<!tpu.dma_semaphore, #tpu.memory_space<semaphore_mem>>) src(%dma_wait3A_321 : memref<100000x64xf32, #tpu.memory_space<hbm>>) dst(%dma_wait3A_316 : memref<128x64xf32, #tpu.memory_space<vmem>>)
    %add3A_324 = arith.constant 512 : i32
    %add3A_325 = arith.addi %min3A_3, %add3A_324 : i32
    %dma_start3A_326 = arith.constant 4 : i32
    %dma_start3A_327 = arith.constant 4 : i32
    %dma_start3A_328 = arith.constant 0 : i32
    %dma_start3A_329 = arith.constant 0 : i32
    %dma_start3A_330 = tpu.memref_slice %arg6[%dma_start3A_326, %dma_start3A_328, %dma_start3A_329] : memref<12x128x64xf32, #tpu.memory_space<vmem>> -> memref<1x128x64xf32, #tpu.memory_space<vmem>>
    %dma_start3A_331 = tpu.memref_squeeze %dma_start3A_330 : memref<1x128x64xf32, #tpu.memory_space<vmem>> -> memref<128x64xf32, #tpu.memory_space<vmem>>
    %dma_start3A_332 = arith.constant 0 : i32
    %dma_start3A_333 = tpu.memref_slice %arg4[%add3A_325, %dma_start3A_332] : memref<100000x64xf32, #tpu.memory_space<hbm>> -> memref<128x64xf32, #tpu.memory_space<hbm>>
    %dma_start3A_334 = tpu.memref_slice %arg8[%dma_start3A_327] : memref<12x!tpu.dma_semaphore, #tpu.memory_space<semaphore_mem>> -> memref<1x!tpu.dma_semaphore, #tpu.memory_space<semaphore_mem>>
    %dma_start3A_335 = tpu.memref_squeeze %dma_start3A_334 : memref<1x!tpu.dma_semaphore, #tpu.memory_space<semaphore_mem>> -> memref<!tpu.dma_semaphore, #tpu.memory_space<semaphore_mem>>
    %dma_start3A_336 = arith.constant 0 : i32
    %dma_start3A_337 = tpu.memref_slice %arg4[%add3A_325, %dma_start3A_336] : memref<100000x64xf32, #tpu.memory_space<hbm>> -> memref<128x64xf32, #tpu.memory_space<hbm>>
    %dma_start3A_338 = arith.constant 0 : i32
    %dma_start3A_339 = arith.constant 0 : i32
    %dma_start3A_340 = tpu.memref_slice %arg6[%dma_start3A_326, %dma_start3A_338, %dma_start3A_339] : memref<12x128x64xf32, #tpu.memory_space<vmem>> -> memref<1x128x64xf32, #tpu.memory_space<vmem>>
    %dma_start3A_341 = tpu.memref_squeeze %dma_start3A_340 : memref<1x128x64xf32, #tpu.memory_space<vmem>> -> memref<128x64xf32, #tpu.memory_space<vmem>>
    tpu.enqueue_dma source(%dma_start3A_341 : memref<128x64xf32, #tpu.memory_space<vmem>>) target(%dma_start3A_337 : memref<128x64xf32, #tpu.memory_space<hbm>>) target_semaphore(%dma_start3A_335 : memref<!tpu.dma_semaphore, #tpu.memory_space<semaphore_mem>>)
    %dma_wait3A_342 = arith.constant 1 : i32
    %dma_wait3A_343 = arith.constant 1 : i32
    %dma_wait3A_344 = arith.constant 0 : i32
    %dma_wait3A_345 = arith.constant 0 : i32
    %dma_wait3A_346 = tpu.memref_slice %arg6[%dma_wait3A_342, %dma_wait3A_344, %dma_wait3A_345] : memref<12x128x64xf32, #tpu.memory_space<vmem>> -> memref<1x128x64xf32, #tpu.memory_space<vmem>>
    %dma_wait3A_347 = tpu.memref_squeeze %dma_wait3A_346 : memref<1x128x64xf32, #tpu.memory_space<vmem>> -> memref<128x64xf32, #tpu.memory_space<vmem>>
    %dma_wait3A_348 = arith.constant 0 : i32
    %dma_wait3A_349 = tpu.memref_slice %arg4[%min3A_3, %dma_wait3A_348] : memref<100000x64xf32, #tpu.memory_space<hbm>> -> memref<128x64xf32, #tpu.memory_space<hbm>>
    %dma_wait3A_350 = tpu.memref_slice %arg8[%dma_wait3A_343] : memref<12x!tpu.dma_semaphore, #tpu.memory_space<semaphore_mem>> -> memref<1x!tpu.dma_semaphore, #tpu.memory_space<semaphore_mem>>
    %dma_wait3A_351 = tpu.memref_squeeze %dma_wait3A_350 : memref<1x!tpu.dma_semaphore, #tpu.memory_space<semaphore_mem>> -> memref<!tpu.dma_semaphore, #tpu.memory_space<semaphore_mem>>
    %dma_wait3A_352 = arith.constant 0 : i32
    %dma_wait3A_353 = arith.constant 0 : i32
    %dma_wait3A_354 = tpu.memref_slice %arg6[%dma_wait3A_342, %dma_wait3A_352, %dma_wait3A_353] : memref<12x128x64xf32, #tpu.memory_space<vmem>> -> memref<1x128x64xf32, #tpu.memory_space<vmem>>
    %dma_wait3A_355 = tpu.memref_squeeze %dma_wait3A_354 : memref<1x128x64xf32, #tpu.memory_space<vmem>> -> memref<128x64xf32, #tpu.memory_space<vmem>>
    %dma_wait3A_356 = arith.constant 0 : i32
    %dma_wait3A_357 = tpu.memref_slice %arg4[%min3A_3, %dma_wait3A_356] : memref<100000x64xf32, #tpu.memory_space<hbm>> -> memref<128x64xf32, #tpu.memory_space<hbm>>
    tpu.wait_dma2 semaphore(%dma_wait3A_351 : memref<!tpu.dma_semaphore, #tpu.memory_space<semaphore_mem>>) src(%dma_wait3A_357 : memref<128x64xf32, #tpu.memory_space<hbm>>) dst(%dma_wait3A_355 : memref<128x64xf32, #tpu.memory_space<vmem>>)
    %dma_start3A_358 = arith.constant 1 : i32
    %dma_start3A_359 = arith.constant 1 : i32
    %dma_start3A_360 = arith.constant 0 : i32
    %dma_start3A_361 = arith.constant 0 : i32
    %dma_start3A_362 = tpu.memref_slice %arg6[%dma_start3A_358, %dma_start3A_360, %dma_start3A_361] : memref<12x128x64xf32, #tpu.memory_space<vmem>> -> memref<1x128x64xf32, #tpu.memory_space<vmem>>
    %dma_start3A_363 = tpu.memref_squeeze %dma_start3A_362 : memref<1x128x64xf32, #tpu.memory_space<vmem>> -> memref<128x64xf32, #tpu.memory_space<vmem>>
    %dma_start3A_364 = arith.constant 1664 : i32
    %dma_start3A_365 = tpu.memref_slice %arg5[%dma_start3A_364] : memref<3200xi32, #tpu.memory_space<vmem>> -> memref<128xi32, #tpu.memory_space<vmem>>
    %dma_start3A_366 = arith.constant 0 : i32
    %dma_start3A_367 = arith.constant 0 : i32
    %dma_start3A_368 = tpu.memref_slice %arg3[%dma_start3A_366, %dma_start3A_367] : memref<100000x64xf32, #tpu.memory_space<hbm>> -> memref<100000x64xf32, #tpu.memory_space<hbm>>
    %dma_start3A_369 = tpu.memref_slice %arg7[%dma_start3A_359] : memref<12x!tpu.dma_semaphore, #tpu.memory_space<semaphore_mem>> -> memref<1x!tpu.dma_semaphore, #tpu.memory_space<semaphore_mem>>
    %dma_start3A_370 = tpu.memref_squeeze %dma_start3A_369 : memref<1x!tpu.dma_semaphore, #tpu.memory_space<semaphore_mem>> -> memref<!tpu.dma_semaphore, #tpu.memory_space<semaphore_mem>>
    tpu.enqueue_indirect_dma source(%dma_start3A_368 : memref<100000x64xf32, #tpu.memory_space<hbm>>) target(%dma_start3A_363 : memref<128x64xf32, #tpu.memory_space<vmem>>) offsets(%dma_start3A_365 : memref<128xi32, #tpu.memory_space<vmem>>) semaphore(%dma_start3A_370 : memref<!tpu.dma_semaphore, #tpu.memory_space<semaphore_mem>>)
    %dma_wait3A_371 = arith.constant 5 : i32
    %dma_wait3A_372 = arith.constant 5 : i32
    %dma_wait3A_373 = arith.constant 0 : i32
    %dma_wait3A_374 = arith.constant 0 : i32
    %dma_wait3A_375 = tpu.memref_slice %arg6[%dma_wait3A_371, %dma_wait3A_373, %dma_wait3A_374] : memref<12x128x64xf32, #tpu.memory_space<vmem>> -> memref<1x128x64xf32, #tpu.memory_space<vmem>>
    %dma_wait3A_376 = tpu.memref_squeeze %dma_wait3A_375 : memref<1x128x64xf32, #tpu.memory_space<vmem>> -> memref<128x64xf32, #tpu.memory_space<vmem>>
    %dma_wait3A_377 = arith.constant 0 : i32
    %dma_wait3A_378 = tpu.memref_slice %arg5[%dma_wait3A_377] : memref<3200xi32, #tpu.memory_space<vmem>> -> memref<128xi32, #tpu.memory_space<vmem>>
    %dma_wait3A_379 = arith.constant 0 : i32
    %dma_wait3A_380 = arith.constant 0 : i32
    %dma_wait3A_381 = tpu.memref_slice %arg3[%dma_wait3A_379, %dma_wait3A_380] : memref<100000x64xf32, #tpu.memory_space<hbm>> -> memref<100000x64xf32, #tpu.memory_space<hbm>>
    %dma_wait3A_382 = tpu.memref_slice %arg7[%dma_wait3A_372] : memref<12x!tpu.dma_semaphore, #tpu.memory_space<semaphore_mem>> -> memref<1x!tpu.dma_semaphore, #tpu.memory_space<semaphore_mem>>
    %dma_wait3A_383 = tpu.memref_squeeze %dma_wait3A_382 : memref<1x!tpu.dma_semaphore, #tpu.memory_space<semaphore_mem>> -> memref<!tpu.dma_semaphore, #tpu.memory_space<semaphore_mem>>
    tpu.wait_indirect_dma semaphore(%dma_wait3A_383 : memref<!tpu.dma_semaphore, #tpu.memory_space<semaphore_mem>>) src(%dma_wait3A_381 : memref<100000x64xf32, #tpu.memory_space<hbm>>) dst(%dma_wait3A_376 : memref<128x64xf32, #tpu.memory_space<vmem>>)
    %add3A_384 = arith.constant 640 : i32
    %add3A_385 = arith.addi %min3A_3, %add3A_384 : i32
    %dma_start3A_386 = arith.constant 5 : i32
    %dma_start3A_387 = arith.constant 5 : i32
    %dma_start3A_388 = arith.constant 0 : i32
    %dma_start3A_389 = arith.constant 0 : i32
    %dma_start3A_390 = tpu.memref_slice %arg6[%dma_start3A_386, %dma_start3A_388, %dma_start3A_389] : memref<12x128x64xf32, #tpu.memory_space<vmem>> -> memref<1x128x64xf32, #tpu.memory_space<vmem>>
    %dma_start3A_391 = tpu.memref_squeeze %dma_start3A_390 : memref<1x128x64xf32, #tpu.memory_space<vmem>> -> memref<128x64xf32, #tpu.memory_space<vmem>>
    %dma_start3A_392 = arith.constant 0 : i32
    %dma_start3A_393 = tpu.memref_slice %arg4[%add3A_385, %dma_start3A_392] : memref<100000x64xf32, #tpu.memory_space<hbm>> -> memref<128x64xf32, #tpu.memory_space<hbm>>
    %dma_start3A_394 = tpu.memref_slice %arg8[%dma_start3A_387] : memref<12x!tpu.dma_semaphore, #tpu.memory_space<semaphore_mem>> -> memref<1x!tpu.dma_semaphore, #tpu.memory_space<semaphore_mem>>
    %dma_start3A_395 = tpu.memref_squeeze %dma_start3A_394 : memref<1x!tpu.dma_semaphore, #tpu.memory_space<semaphore_mem>> -> memref<!tpu.dma_semaphore, #tpu.memory_space<semaphore_mem>>
    %dma_start3A_396 = arith.constant 0 : i32
    %dma_start3A_397 = tpu.memref_slice %arg4[%add3A_385, %dma_start3A_396] : memref<100000x64xf32, #tpu.memory_space<hbm>> -> memref<128x64xf32, #tpu.memory_space<hbm>>
    %dma_start3A_398 = arith.constant 0 : i32
    %dma_start3A_399 = arith.constant 0 : i32
    %dma_start3A_400 = tpu.memref_slice %arg6[%dma_start3A_386, %dma_start3A_398, %dma_start3A_399] : memref<12x128x64xf32, #tpu.memory_space<vmem>> -> memref<1x128x64xf32, #tpu.memory_space<vmem>>
    %dma_start3A_401 = tpu.memref_squeeze %dma_start3A_400 : memref<1x128x64xf32, #tpu.memory_space<vmem>> -> memref<128x64xf32, #tpu.memory_space<vmem>>
    tpu.enqueue_dma source(%dma_start3A_401 : memref<128x64xf32, #tpu.memory_space<vmem>>) target(%dma_start3A_397 : memref<128x64xf32, #tpu.memory_space<hbm>>) target_semaphore(%dma_start3A_395 : memref<!tpu.dma_semaphore, #tpu.memory_space<semaphore_mem>>)
    %dma_wait3A_402 = arith.constant 2 : i32
    %dma_wait3A_403 = arith.constant 2 : i32
    %dma_wait3A_404 = arith.constant 0 : i32
    %dma_wait3A_405 = arith.constant 0 : i32
    %dma_wait3A_406 = tpu.memref_slice %arg6[%dma_wait3A_402, %dma_wait3A_404, %dma_wait3A_405] : memref<12x128x64xf32, #tpu.memory_space<vmem>> -> memref<1x128x64xf32, #tpu.memory_space<vmem>>
    %dma_wait3A_407 = tpu.memref_squeeze %dma_wait3A_406 : memref<1x128x64xf32, #tpu.memory_space<vmem>> -> memref<128x64xf32, #tpu.memory_space<vmem>>
    %dma_wait3A_408 = arith.constant 0 : i32
    %dma_wait3A_409 = tpu.memref_slice %arg4[%min3A_3, %dma_wait3A_408] : memref<100000x64xf32, #tpu.memory_space<hbm>> -> memref<128x64xf32, #tpu.memory_space<hbm>>
    %dma_wait3A_410 = tpu.memref_slice %arg8[%dma_wait3A_403] : memref<12x!tpu.dma_semaphore, #tpu.memory_space<semaphore_mem>> -> memref<1x!tpu.dma_semaphore, #tpu.memory_space<semaphore_mem>>
    %dma_wait3A_411 = tpu.memref_squeeze %dma_wait3A_410 : memref<1x!tpu.dma_semaphore, #tpu.memory_space<semaphore_mem>> -> memref<!tpu.dma_semaphore, #tpu.memory_space<semaphore_mem>>
    %dma_wait3A_412 = arith.constant 0 : i32
    %dma_wait3A_413 = arith.constant 0 : i32
    %dma_wait3A_414 = tpu.memref_slice %arg6[%dma_wait3A_402, %dma_wait3A_412, %dma_wait3A_413] : memref<12x128x64xf32, #tpu.memory_space<vmem>> -> memref<1x128x64xf32, #tpu.memory_space<vmem>>
    %dma_wait3A_415 = tpu.memref_squeeze %dma_wait3A_414 : memref<1x128x64xf32, #tpu.memory_space<vmem>> -> memref<128x64xf32, #tpu.memory_space<vmem>>
    %dma_wait3A_416 = arith.constant 0 : i32
    %dma_wait3A_417 = tpu.memref_slice %arg4[%min3A_3, %dma_wait3A_416] : memref<100000x64xf32, #tpu.memory_space<hbm>> -> memref<128x64xf32, #tpu.memory_space<hbm>>
    tpu.wait_dma2 semaphore(%dma_wait3A_411 : memref<!tpu.dma_semaphore, #tpu.memory_space<semaphore_mem>>) src(%dma_wait3A_417 : memref<128x64xf32, #tpu.memory_space<hbm>>) dst(%dma_wait3A_415 : memref<128x64xf32, #tpu.memory_space<vmem>>)
    %dma_start3A_418 = arith.constant 2 : i32
    %dma_start3A_419 = arith.constant 2 : i32
    %dma_start3A_420 = arith.constant 0 : i32
    %dma_start3A_421 = arith.constant 0 : i32
    %dma_start3A_422 = tpu.memref_slice %arg6[%dma_start3A_418, %dma_start3A_420, %dma_start3A_421] : memref<12x128x64xf32, #tpu.memory_space<vmem>> -> memref<1x128x64xf32, #tpu.memory_space<vmem>>
    %dma_start3A_423 = tpu.memref_squeeze %dma_start3A_422 : memref<1x128x64xf32, #tpu.memory_space<vmem>> -> memref<128x64xf32, #tpu.memory_space<vmem>>
    %dma_start3A_424 = arith.constant 1792 : i32
    %dma_start3A_425 = tpu.memref_slice %arg5[%dma_start3A_424] : memref<3200xi32, #tpu.memory_space<vmem>> -> memref<128xi32, #tpu.memory_space<vmem>>
    %dma_start3A_426 = arith.constant 0 : i32
    %dma_start3A_427 = arith.constant 0 : i32
    %dma_start3A_428 = tpu.memref_slice %arg3[%dma_start3A_426, %dma_start3A_427] : memref<100000x64xf32, #tpu.memory_space<hbm>> -> memref<100000x64xf32, #tpu.memory_space<hbm>>
    %dma_start3A_429 = tpu.memref_slice %arg7[%dma_start3A_419] : memref<12x!tpu.dma_semaphore, #tpu.memory_space<semaphore_mem>> -> memref<1x!tpu.dma_semaphore, #tpu.memory_space<semaphore_mem>>
    %dma_start3A_430 = tpu.memref_squeeze %dma_start3A_429 : memref<1x!tpu.dma_semaphore, #tpu.memory_space<semaphore_mem>> -> memref<!tpu.dma_semaphore, #tpu.memory_space<semaphore_mem>>
    tpu.enqueue_indirect_dma source(%dma_start3A_428 : memref<100000x64xf32, #tpu.memory_space<hbm>>) target(%dma_start3A_423 : memref<128x64xf32, #tpu.memory_space<vmem>>) offsets(%dma_start3A_425 : memref<128xi32, #tpu.memory_space<vmem>>) semaphore(%dma_start3A_430 : memref<!tpu.dma_semaphore, #tpu.memory_space<semaphore_mem>>)
    %dma_wait3A_431 = arith.constant 6 : i32
    %dma_wait3A_432 = arith.constant 6 : i32
    %dma_wait3A_433 = arith.constant 0 : i32
    %dma_wait3A_434 = arith.constant 0 : i32
    %dma_wait3A_435 = tpu.memref_slice %arg6[%dma_wait3A_431, %dma_wait3A_433, %dma_wait3A_434] : memref<12x128x64xf32, #tpu.memory_space<vmem>> -> memref<1x128x64xf32, #tpu.memory_space<vmem>>
    %dma_wait3A_436 = tpu.memref_squeeze %dma_wait3A_435 : memref<1x128x64xf32, #tpu.memory_space<vmem>> -> memref<128x64xf32, #tpu.memory_space<vmem>>
    %dma_wait3A_437 = arith.constant 0 : i32
    %dma_wait3A_438 = tpu.memref_slice %arg5[%dma_wait3A_437] : memref<3200xi32, #tpu.memory_space<vmem>> -> memref<128xi32, #tpu.memory_space<vmem>>
    %dma_wait3A_439 = arith.constant 0 : i32
    %dma_wait3A_440 = arith.constant 0 : i32
    %dma_wait3A_441 = tpu.memref_slice %arg3[%dma_wait3A_439, %dma_wait3A_440] : memref<100000x64xf32, #tpu.memory_space<hbm>> -> memref<100000x64xf32, #tpu.memory_space<hbm>>
    %dma_wait3A_442 = tpu.memref_slice %arg7[%dma_wait3A_432] : memref<12x!tpu.dma_semaphore, #tpu.memory_space<semaphore_mem>> -> memref<1x!tpu.dma_semaphore, #tpu.memory_space<semaphore_mem>>
    %dma_wait3A_443 = tpu.memref_squeeze %dma_wait3A_442 : memref<1x!tpu.dma_semaphore, #tpu.memory_space<semaphore_mem>> -> memref<!tpu.dma_semaphore, #tpu.memory_space<semaphore_mem>>
    tpu.wait_indirect_dma semaphore(%dma_wait3A_443 : memref<!tpu.dma_semaphore, #tpu.memory_space<semaphore_mem>>) src(%dma_wait3A_441 : memref<100000x64xf32, #tpu.memory_space<hbm>>) dst(%dma_wait3A_436 : memref<128x64xf32, #tpu.memory_space<vmem>>)
    %add3A_444 = arith.constant 768 : i32
    %add3A_445 = arith.addi %min3A_3, %add3A_444 : i32
    %dma_start3A_446 = arith.constant 6 : i32
    %dma_start3A_447 = arith.constant 6 : i32
    %dma_start3A_448 = arith.constant 0 : i32
    %dma_start3A_449 = arith.constant 0 : i32
    %dma_start3A_450 = tpu.memref_slice %arg6[%dma_start3A_446, %dma_start3A_448, %dma_start3A_449] : memref<12x128x64xf32, #tpu.memory_space<vmem>> -> memref<1x128x64xf32, #tpu.memory_space<vmem>>
    %dma_start3A_451 = tpu.memref_squeeze %dma_start3A_450 : memref<1x128x64xf32, #tpu.memory_space<vmem>> -> memref<128x64xf32, #tpu.memory_space<vmem>>
    %dma_start3A_452 = arith.constant 0 : i32
    %dma_start3A_453 = tpu.memref_slice %arg4[%add3A_445, %dma_start3A_452] : memref<100000x64xf32, #tpu.memory_space<hbm>> -> memref<128x64xf32, #tpu.memory_space<hbm>>
    %dma_start3A_454 = tpu.memref_slice %arg8[%dma_start3A_447] : memref<12x!tpu.dma_semaphore, #tpu.memory_space<semaphore_mem>> -> memref<1x!tpu.dma_semaphore, #tpu.memory_space<semaphore_mem>>
    %dma_start3A_455 = tpu.memref_squeeze %dma_start3A_454 : memref<1x!tpu.dma_semaphore, #tpu.memory_space<semaphore_mem>> -> memref<!tpu.dma_semaphore, #tpu.memory_space<semaphore_mem>>
    %dma_start3A_456 = arith.constant 0 : i32
    %dma_start3A_457 = tpu.memref_slice %arg4[%add3A_445, %dma_start3A_456] : memref<100000x64xf32, #tpu.memory_space<hbm>> -> memref<128x64xf32, #tpu.memory_space<hbm>>
    %dma_start3A_458 = arith.constant 0 : i32
    %dma_start3A_459 = arith.constant 0 : i32
    %dma_start3A_460 = tpu.memref_slice %arg6[%dma_start3A_446, %dma_start3A_458, %dma_start3A_459] : memref<12x128x64xf32, #tpu.memory_space<vmem>> -> memref<1x128x64xf32, #tpu.memory_space<vmem>>
    %dma_start3A_461 = tpu.memref_squeeze %dma_start3A_460 : memref<1x128x64xf32, #tpu.memory_space<vmem>> -> memref<128x64xf32, #tpu.memory_space<vmem>>
    tpu.enqueue_dma source(%dma_start3A_461 : memref<128x64xf32, #tpu.memory_space<vmem>>) target(%dma_start3A_457 : memref<128x64xf32, #tpu.memory_space<hbm>>) target_semaphore(%dma_start3A_455 : memref<!tpu.dma_semaphore, #tpu.memory_space<semaphore_mem>>)
    %dma_wait3A_462 = arith.constant 3 : i32
    %dma_wait3A_463 = arith.constant 3 : i32
    %dma_wait3A_464 = arith.constant 0 : i32
    %dma_wait3A_465 = arith.constant 0 : i32
    %dma_wait3A_466 = tpu.memref_slice %arg6[%dma_wait3A_462, %dma_wait3A_464, %dma_wait3A_465] : memref<12x128x64xf32, #tpu.memory_space<vmem>> -> memref<1x128x64xf32, #tpu.memory_space<vmem>>
    %dma_wait3A_467 = tpu.memref_squeeze %dma_wait3A_466 : memref<1x128x64xf32, #tpu.memory_space<vmem>> -> memref<128x64xf32, #tpu.memory_space<vmem>>
    %dma_wait3A_468 = arith.constant 0 : i32
    %dma_wait3A_469 = tpu.memref_slice %arg4[%min3A_3, %dma_wait3A_468] : memref<100000x64xf32, #tpu.memory_space<hbm>> -> memref<128x64xf32, #tpu.memory_space<hbm>>
    %dma_wait3A_470 = tpu.memref_slice %arg8[%dma_wait3A_463] : memref<12x!tpu.dma_semaphore, #tpu.memory_space<semaphore_mem>> -> memref<1x!tpu.dma_semaphore, #tpu.memory_space<semaphore_mem>>
    %dma_wait3A_471 = tpu.memref_squeeze %dma_wait3A_470 : memref<1x!tpu.dma_semaphore, #tpu.memory_space<semaphore_mem>> -> memref<!tpu.dma_semaphore, #tpu.memory_space<semaphore_mem>>
    %dma_wait3A_472 = arith.constant 0 : i32
    %dma_wait3A_473 = arith.constant 0 : i32
    %dma_wait3A_474 = tpu.memref_slice %arg6[%dma_wait3A_462, %dma_wait3A_472, %dma_wait3A_473] : memref<12x128x64xf32, #tpu.memory_space<vmem>> -> memref<1x128x64xf32, #tpu.memory_space<vmem>>
    %dma_wait3A_475 = tpu.memref_squeeze %dma_wait3A_474 : memref<1x128x64xf32, #tpu.memory_space<vmem>> -> memref<128x64xf32, #tpu.memory_space<vmem>>
    %dma_wait3A_476 = arith.constant 0 : i32
    %dma_wait3A_477 = tpu.memref_slice %arg4[%min3A_3, %dma_wait3A_476] : memref<100000x64xf32, #tpu.memory_space<hbm>> -> memref<128x64xf32, #tpu.memory_space<hbm>>
    tpu.wait_dma2 semaphore(%dma_wait3A_471 : memref<!tpu.dma_semaphore, #tpu.memory_space<semaphore_mem>>) src(%dma_wait3A_477 : memref<128x64xf32, #tpu.memory_space<hbm>>) dst(%dma_wait3A_475 : memref<128x64xf32, #tpu.memory_space<vmem>>)
    %dma_start3A_478 = arith.constant 3 : i32
    %dma_start3A_479 = arith.constant 3 : i32
    %dma_start3A_480 = arith.constant 0 : i32
    %dma_start3A_481 = arith.constant 0 : i32
    %dma_start3A_482 = tpu.memref_slice %arg6[%dma_start3A_478, %dma_start3A_480, %dma_start3A_481] : memref<12x128x64xf32, #tpu.memory_space<vmem>> -> memref<1x128x64xf32, #tpu.memory_space<vmem>>
    %dma_start3A_483 = tpu.memref_squeeze %dma_start3A_482 : memref<1x128x64xf32, #tpu.memory_space<vmem>> -> memref<128x64xf32, #tpu.memory_space<vmem>>
    %dma_start3A_484 = arith.constant 1920 : i32
    %dma_start3A_485 = tpu.memref_slice %arg5[%dma_start3A_484] : memref<3200xi32, #tpu.memory_space<vmem>> -> memref<128xi32, #tpu.memory_space<vmem>>
    %dma_start3A_486 = arith.constant 0 : i32
    %dma_start3A_487 = arith.constant 0 : i32
    %dma_start3A_488 = tpu.memref_slice %arg3[%dma_start3A_486, %dma_start3A_487] : memref<100000x64xf32, #tpu.memory_space<hbm>> -> memref<100000x64xf32, #tpu.memory_space<hbm>>
    %dma_start3A_489 = tpu.memref_slice %arg7[%dma_start3A_479] : memref<12x!tpu.dma_semaphore, #tpu.memory_space<semaphore_mem>> -> memref<1x!tpu.dma_semaphore, #tpu.memory_space<semaphore_mem>>
    %dma_start3A_490 = tpu.memref_squeeze %dma_start3A_489 : memref<1x!tpu.dma_semaphore, #tpu.memory_space<semaphore_mem>> -> memref<!tpu.dma_semaphore, #tpu.memory_space<semaphore_mem>>
    tpu.enqueue_indirect_dma source(%dma_start3A_488 : memref<100000x64xf32, #tpu.memory_space<hbm>>) target(%dma_start3A_483 : memref<128x64xf32, #tpu.memory_space<vmem>>) offsets(%dma_start3A_485 : memref<128xi32, #tpu.memory_space<vmem>>) semaphore(%dma_start3A_490 : memref<!tpu.dma_semaphore, #tpu.memory_space<semaphore_mem>>)
    %dma_wait3A_491 = arith.constant 7 : i32
    %dma_wait3A_492 = arith.constant 7 : i32
    %dma_wait3A_493 = arith.constant 0 : i32
    %dma_wait3A_494 = arith.constant 0 : i32
    %dma_wait3A_495 = tpu.memref_slice %arg6[%dma_wait3A_491, %dma_wait3A_493, %dma_wait3A_494] : memref<12x128x64xf32, #tpu.memory_space<vmem>> -> memref<1x128x64xf32, #tpu.memory_space<vmem>>
    %dma_wait3A_496 = tpu.memref_squeeze %dma_wait3A_495 : memref<1x128x64xf32, #tpu.memory_space<vmem>> -> memref<128x64xf32, #tpu.memory_space<vmem>>
    %dma_wait3A_497 = arith.constant 0 : i32
    %dma_wait3A_498 = tpu.memref_slice %arg5[%dma_wait3A_497] : memref<3200xi32, #tpu.memory_space<vmem>> -> memref<128xi32, #tpu.memory_space<vmem>>
    %dma_wait3A_499 = arith.constant 0 : i32
    %dma_wait3A_500 = arith.constant 0 : i32
    %dma_wait3A_501 = tpu.memref_slice %arg3[%dma_wait3A_499, %dma_wait3A_500] : memref<100000x64xf32, #tpu.memory_space<hbm>> -> memref<100000x64xf32, #tpu.memory_space<hbm>>
    %dma_wait3A_502 = tpu.memref_slice %arg7[%dma_wait3A_492] : memref<12x!tpu.dma_semaphore, #tpu.memory_space<semaphore_mem>> -> memref<1x!tpu.dma_semaphore, #tpu.memory_space<semaphore_mem>>
    %dma_wait3A_503 = tpu.memref_squeeze %dma_wait3A_502 : memref<1x!tpu.dma_semaphore, #tpu.memory_space<semaphore_mem>> -> memref<!tpu.dma_semaphore, #tpu.memory_space<semaphore_mem>>
    tpu.wait_indirect_dma semaphore(%dma_wait3A_503 : memref<!tpu.dma_semaphore, #tpu.memory_space<semaphore_mem>>) src(%dma_wait3A_501 : memref<100000x64xf32, #tpu.memory_space<hbm>>) dst(%dma_wait3A_496 : memref<128x64xf32, #tpu.memory_space<vmem>>)
    %add3A_504 = arith.constant 896 : i32
    %add3A_505 = arith.addi %min3A_3, %add3A_504 : i32
    %dma_start3A_506 = arith.constant 7 : i32
    %dma_start3A_507 = arith.constant 7 : i32
    %dma_start3A_508 = arith.constant 0 : i32
    %dma_start3A_509 = arith.constant 0 : i32
    %dma_start3A_510 = tpu.memref_slice %arg6[%dma_start3A_506, %dma_start3A_508, %dma_start3A_509] : memref<12x128x64xf32, #tpu.memory_space<vmem>> -> memref<1x128x64xf32, #tpu.memory_space<vmem>>
    %dma_start3A_511 = tpu.memref_squeeze %dma_start3A_510 : memref<1x128x64xf32, #tpu.memory_space<vmem>> -> memref<128x64xf32, #tpu.memory_space<vmem>>
    %dma_start3A_512 = arith.constant 0 : i32
    %dma_start3A_513 = tpu.memref_slice %arg4[%add3A_505, %dma_start3A_512] : memref<100000x64xf32, #tpu.memory_space<hbm>> -> memref<128x64xf32, #tpu.memory_space<hbm>>
    %dma_start3A_514 = tpu.memref_slice %arg8[%dma_start3A_507] : memref<12x!tpu.dma_semaphore, #tpu.memory_space<semaphore_mem>> -> memref<1x!tpu.dma_semaphore, #tpu.memory_space<semaphore_mem>>
    %dma_start3A_515 = tpu.memref_squeeze %dma_start3A_514 : memref<1x!tpu.dma_semaphore, #tpu.memory_space<semaphore_mem>> -> memref<!tpu.dma_semaphore, #tpu.memory_space<semaphore_mem>>
    %dma_start3A_516 = arith.constant 0 : i32
    %dma_start3A_517 = tpu.memref_slice %arg4[%add3A_505, %dma_start3A_516] : memref<100000x64xf32, #tpu.memory_space<hbm>> -> memref<128x64xf32, #tpu.memory_space<hbm>>
    %dma_start3A_518 = arith.constant 0 : i32
    %dma_start3A_519 = arith.constant 0 : i32
    %dma_start3A_520 = tpu.memref_slice %arg6[%dma_start3A_506, %dma_start3A_518, %dma_start3A_519] : memref<12x128x64xf32, #tpu.memory_space<vmem>> -> memref<1x128x64xf32, #tpu.memory_space<vmem>>
    %dma_start3A_521 = tpu.memref_squeeze %dma_start3A_520 : memref<1x128x64xf32, #tpu.memory_space<vmem>> -> memref<128x64xf32, #tpu.memory_space<vmem>>
    tpu.enqueue_dma source(%dma_start3A_521 : memref<128x64xf32, #tpu.memory_space<vmem>>) target(%dma_start3A_517 : memref<128x64xf32, #tpu.memory_space<hbm>>) target_semaphore(%dma_start3A_515 : memref<!tpu.dma_semaphore, #tpu.memory_space<semaphore_mem>>)
    %dma_wait3A_522 = arith.constant 4 : i32
    %dma_wait3A_523 = arith.constant 4 : i32
    %dma_wait3A_524 = arith.constant 0 : i32
    %dma_wait3A_525 = arith.constant 0 : i32
    %dma_wait3A_526 = tpu.memref_slice %arg6[%dma_wait3A_522, %dma_wait3A_524, %dma_wait3A_525] : memref<12x128x64xf32, #tpu.memory_space<vmem>> -> memref<1x128x64xf32, #tpu.memory_space<vmem>>
    %dma_wait3A_527 = tpu.memref_squeeze %dma_wait3A_526 : memref<1x128x64xf32, #tpu.memory_space<vmem>> -> memref<128x64xf32, #tpu.memory_space<vmem>>
    %dma_wait3A_528 = arith.constant 0 : i32
    %dma_wait3A_529 = tpu.memref_slice %arg4[%min3A_3, %dma_wait3A_528] : memref<100000x64xf32, #tpu.memory_space<hbm>> -> memref<128x64xf32, #tpu.memory_space<hbm>>
    %dma_wait3A_530 = tpu.memref_slice %arg8[%dma_wait3A_523] : memref<12x!tpu.dma_semaphore, #tpu.memory_space<semaphore_mem>> -> memref<1x!tpu.dma_semaphore, #tpu.memory_space<semaphore_mem>>
    %dma_wait3A_531 = tpu.memref_squeeze %dma_wait3A_530 : memref<1x!tpu.dma_semaphore, #tpu.memory_space<semaphore_mem>> -> memref<!tpu.dma_semaphore, #tpu.memory_space<semaphore_mem>>
    %dma_wait3A_532 = arith.constant 0 : i32
    %dma_wait3A_533 = arith.constant 0 : i32
    %dma_wait3A_534 = tpu.memref_slice %arg6[%dma_wait3A_522, %dma_wait3A_532, %dma_wait3A_533] : memref<12x128x64xf32, #tpu.memory_space<vmem>> -> memref<1x128x64xf32, #tpu.memory_space<vmem>>
    %dma_wait3A_535 = tpu.memref_squeeze %dma_wait3A_534 : memref<1x128x64xf32, #tpu.memory_space<vmem>> -> memref<128x64xf32, #tpu.memory_space<vmem>>
    %dma_wait3A_536 = arith.constant 0 : i32
    %dma_wait3A_537 = tpu.memref_slice %arg4[%min3A_3, %dma_wait3A_536] : memref<100000x64xf32, #tpu.memory_space<hbm>> -> memref<128x64xf32, #tpu.memory_space<hbm>>
    tpu.wait_dma2 semaphore(%dma_wait3A_531 : memref<!tpu.dma_semaphore, #tpu.memory_space<semaphore_mem>>) src(%dma_wait3A_537 : memref<128x64xf32, #tpu.memory_space<hbm>>) dst(%dma_wait3A_535 : memref<128x64xf32, #tpu.memory_space<vmem>>)
    %dma_start3A_538 = arith.constant 4 : i32
    %dma_start3A_539 = arith.constant 4 : i32
    %dma_start3A_540 = arith.constant 0 : i32
    %dma_start3A_541 = arith.constant 0 : i32
    %dma_start3A_542 = tpu.memref_slice %arg6[%dma_start3A_538, %dma_start3A_540, %dma_start3A_541] : memref<12x128x64xf32, #tpu.memory_space<vmem>> -> memref<1x128x64xf32, #tpu.memory_space<vmem>>
    %dma_start3A_543 = tpu.memref_squeeze %dma_start3A_542 : memref<1x128x64xf32, #tpu.memory_space<vmem>> -> memref<128x64xf32, #tpu.memory_space<vmem>>
    %dma_start3A_544 = arith.constant 2048 : i32
    %dma_start3A_545 = tpu.memref_slice %arg5[%dma_start3A_544] : memref<3200xi32, #tpu.memory_space<vmem>> -> memref<128xi32, #tpu.memory_space<vmem>>
    %dma_start3A_546 = arith.constant 0 : i32
    %dma_start3A_547 = arith.constant 0 : i32
    %dma_start3A_548 = tpu.memref_slice %arg3[%dma_start3A_546, %dma_start3A_547] : memref<100000x64xf32, #tpu.memory_space<hbm>> -> memref<100000x64xf32, #tpu.memory_space<hbm>>
    %dma_start3A_549 = tpu.memref_slice %arg7[%dma_start3A_539] : memref<12x!tpu.dma_semaphore, #tpu.memory_space<semaphore_mem>> -> memref<1x!tpu.dma_semaphore, #tpu.memory_space<semaphore_mem>>
    %dma_start3A_550 = tpu.memref_squeeze %dma_start3A_549 : memref<1x!tpu.dma_semaphore, #tpu.memory_space<semaphore_mem>> -> memref<!tpu.dma_semaphore, #tpu.memory_space<semaphore_mem>>
    tpu.enqueue_indirect_dma source(%dma_start3A_548 : memref<100000x64xf32, #tpu.memory_space<hbm>>) target(%dma_start3A_543 : memref<128x64xf32, #tpu.memory_space<vmem>>) offsets(%dma_start3A_545 : memref<128xi32, #tpu.memory_space<vmem>>) semaphore(%dma_start3A_550 : memref<!tpu.dma_semaphore, #tpu.memory_space<semaphore_mem>>)
    %dma_wait3A_551 = arith.constant 8 : i32
    %dma_wait3A_552 = arith.constant 8 : i32
    %dma_wait3A_553 = arith.constant 0 : i32
    %dma_wait3A_554 = arith.constant 0 : i32
    %dma_wait3A_555 = tpu.memref_slice %arg6[%dma_wait3A_551, %dma_wait3A_553, %dma_wait3A_554] : memref<12x128x64xf32, #tpu.memory_space<vmem>> -> memref<1x128x64xf32, #tpu.memory_space<vmem>>
    %dma_wait3A_556 = tpu.memref_squeeze %dma_wait3A_555 : memref<1x128x64xf32, #tpu.memory_space<vmem>> -> memref<128x64xf32, #tpu.memory_space<vmem>>
    %dma_wait3A_557 = arith.constant 0 : i32
    %dma_wait3A_558 = tpu.memref_slice %arg5[%dma_wait3A_557] : memref<3200xi32, #tpu.memory_space<vmem>> -> memref<128xi32, #tpu.memory_space<vmem>>
    %dma_wait3A_559 = arith.constant 0 : i32
    %dma_wait3A_560 = arith.constant 0 : i32
    %dma_wait3A_561 = tpu.memref_slice %arg3[%dma_wait3A_559, %dma_wait3A_560] : memref<100000x64xf32, #tpu.memory_space<hbm>> -> memref<100000x64xf32, #tpu.memory_space<hbm>>
    %dma_wait3A_562 = tpu.memref_slice %arg7[%dma_wait3A_552] : memref<12x!tpu.dma_semaphore, #tpu.memory_space<semaphore_mem>> -> memref<1x!tpu.dma_semaphore, #tpu.memory_space<semaphore_mem>>
    %dma_wait3A_563 = tpu.memref_squeeze %dma_wait3A_562 : memref<1x!tpu.dma_semaphore, #tpu.memory_space<semaphore_mem>> -> memref<!tpu.dma_semaphore, #tpu.memory_space<semaphore_mem>>
    tpu.wait_indirect_dma semaphore(%dma_wait3A_563 : memref<!tpu.dma_semaphore, #tpu.memory_space<semaphore_mem>>) src(%dma_wait3A_561 : memref<100000x64xf32, #tpu.memory_space<hbm>>) dst(%dma_wait3A_556 : memref<128x64xf32, #tpu.memory_space<vmem>>)
    %add3A_564 = arith.constant 1024 : i32
    %add3A_565 = arith.addi %min3A_3, %add3A_564 : i32
    %dma_start3A_566 = arith.constant 8 : i32
    %dma_start3A_567 = arith.constant 8 : i32
    %dma_start3A_568 = arith.constant 0 : i32
    %dma_start3A_569 = arith.constant 0 : i32
    %dma_start3A_570 = tpu.memref_slice %arg6[%dma_start3A_566, %dma_start3A_568, %dma_start3A_569] : memref<12x128x64xf32, #tpu.memory_space<vmem>> -> memref<1x128x64xf32, #tpu.memory_space<vmem>>
    %dma_start3A_571 = tpu.memref_squeeze %dma_start3A_570 : memref<1x128x64xf32, #tpu.memory_space<vmem>> -> memref<128x64xf32, #tpu.memory_space<vmem>>
    %dma_start3A_572 = arith.constant 0 : i32
    %dma_start3A_573 = tpu.memref_slice %arg4[%add3A_565, %dma_start3A_572] : memref<100000x64xf32, #tpu.memory_space<hbm>> -> memref<128x64xf32, #tpu.memory_space<hbm>>
    %dma_start3A_574 = tpu.memref_slice %arg8[%dma_start3A_567] : memref<12x!tpu.dma_semaphore, #tpu.memory_space<semaphore_mem>> -> memref<1x!tpu.dma_semaphore, #tpu.memory_space<semaphore_mem>>
    %dma_start3A_575 = tpu.memref_squeeze %dma_start3A_574 : memref<1x!tpu.dma_semaphore, #tpu.memory_space<semaphore_mem>> -> memref<!tpu.dma_semaphore, #tpu.memory_space<semaphore_mem>>
    %dma_start3A_576 = arith.constant 0 : i32
    %dma_start3A_577 = tpu.memref_slice %arg4[%add3A_565, %dma_start3A_576] : memref<100000x64xf32, #tpu.memory_space<hbm>> -> memref<128x64xf32, #tpu.memory_space<hbm>>
    %dma_start3A_578 = arith.constant 0 : i32
    %dma_start3A_579 = arith.constant 0 : i32
    %dma_start3A_580 = tpu.memref_slice %arg6[%dma_start3A_566, %dma_start3A_578, %dma_start3A_579] : memref<12x128x64xf32, #tpu.memory_space<vmem>> -> memref<1x128x64xf32, #tpu.memory_space<vmem>>
    %dma_start3A_581 = tpu.memref_squeeze %dma_start3A_580 : memref<1x128x64xf32, #tpu.memory_space<vmem>> -> memref<128x64xf32, #tpu.memory_space<vmem>>
    tpu.enqueue_dma source(%dma_start3A_581 : memref<128x64xf32, #tpu.memory_space<vmem>>) target(%dma_start3A_577 : memref<128x64xf32, #tpu.memory_space<hbm>>) target_semaphore(%dma_start3A_575 : memref<!tpu.dma_semaphore, #tpu.memory_space<semaphore_mem>>)
    %dma_wait3A_582 = arith.constant 5 : i32
    %dma_wait3A_583 = arith.constant 5 : i32
    %dma_wait3A_584 = arith.constant 0 : i32
    %dma_wait3A_585 = arith.constant 0 : i32
    %dma_wait3A_586 = tpu.memref_slice %arg6[%dma_wait3A_582, %dma_wait3A_584, %dma_wait3A_585] : memref<12x128x64xf32, #tpu.memory_space<vmem>> -> memref<1x128x64xf32, #tpu.memory_space<vmem>>
    %dma_wait3A_587 = tpu.memref_squeeze %dma_wait3A_586 : memref<1x128x64xf32, #tpu.memory_space<vmem>> -> memref<128x64xf32, #tpu.memory_space<vmem>>
    %dma_wait3A_588 = arith.constant 0 : i32
    %dma_wait3A_589 = tpu.memref_slice %arg4[%min3A_3, %dma_wait3A_588] : memref<100000x64xf32, #tpu.memory_space<hbm>> -> memref<128x64xf32, #tpu.memory_space<hbm>>
    %dma_wait3A_590 = tpu.memref_slice %arg8[%dma_wait3A_583] : memref<12x!tpu.dma_semaphore, #tpu.memory_space<semaphore_mem>> -> memref<1x!tpu.dma_semaphore, #tpu.memory_space<semaphore_mem>>
    %dma_wait3A_591 = tpu.memref_squeeze %dma_wait3A_590 : memref<1x!tpu.dma_semaphore, #tpu.memory_space<semaphore_mem>> -> memref<!tpu.dma_semaphore, #tpu.memory_space<semaphore_mem>>
    %dma_wait3A_592 = arith.constant 0 : i32
    %dma_wait3A_593 = arith.constant 0 : i32
    %dma_wait3A_594 = tpu.memref_slice %arg6[%dma_wait3A_582, %dma_wait3A_592, %dma_wait3A_593] : memref<12x128x64xf32, #tpu.memory_space<vmem>> -> memref<1x128x64xf32, #tpu.memory_space<vmem>>
    %dma_wait3A_595 = tpu.memref_squeeze %dma_wait3A_594 : memref<1x128x64xf32, #tpu.memory_space<vmem>> -> memref<128x64xf32, #tpu.memory_space<vmem>>
    %dma_wait3A_596 = arith.constant 0 : i32
    %dma_wait3A_597 = tpu.memref_slice %arg4[%min3A_3, %dma_wait3A_596] : memref<100000x64xf32, #tpu.memory_space<hbm>> -> memref<128x64xf32, #tpu.memory_space<hbm>>
    tpu.wait_dma2 semaphore(%dma_wait3A_591 : memref<!tpu.dma_semaphore, #tpu.memory_space<semaphore_mem>>) src(%dma_wait3A_597 : memref<128x64xf32, #tpu.memory_space<hbm>>) dst(%dma_wait3A_595 : memref<128x64xf32, #tpu.memory_space<vmem>>)
    %dma_start3A_598 = arith.constant 5 : i32
    %dma_start3A_599 = arith.constant 5 : i32
    %dma_start3A_600 = arith.constant 0 : i32
    %dma_start3A_601 = arith.constant 0 : i32
    %dma_start3A_602 = tpu.memref_slice %arg6[%dma_start3A_598, %dma_start3A_600, %dma_start3A_601] : memref<12x128x64xf32, #tpu.memory_space<vmem>> -> memref<1x128x64xf32, #tpu.memory_space<vmem>>
    %dma_start3A_603 = tpu.memref_squeeze %dma_start3A_602 : memref<1x128x64xf32, #tpu.memory_space<vmem>> -> memref<128x64xf32, #tpu.memory_space<vmem>>
    %dma_start3A_604 = arith.constant 2176 : i32
    %dma_start3A_605 = tpu.memref_slice %arg5[%dma_start3A_604] : memref<3200xi32, #tpu.memory_space<vmem>> -> memref<128xi32, #tpu.memory_space<vmem>>
    %dma_start3A_606 = arith.constant 0 : i32
    %dma_start3A_607 = arith.constant 0 : i32
    %dma_start3A_608 = tpu.memref_slice %arg3[%dma_start3A_606, %dma_start3A_607] : memref<100000x64xf32, #tpu.memory_space<hbm>> -> memref<100000x64xf32, #tpu.memory_space<hbm>>
    %dma_start3A_609 = tpu.memref_slice %arg7[%dma_start3A_599] : memref<12x!tpu.dma_semaphore, #tpu.memory_space<semaphore_mem>> -> memref<1x!tpu.dma_semaphore, #tpu.memory_space<semaphore_mem>>
    %dma_start3A_610 = tpu.memref_squeeze %dma_start3A_609 : memref<1x!tpu.dma_semaphore, #tpu.memory_space<semaphore_mem>> -> memref<!tpu.dma_semaphore, #tpu.memory_space<semaphore_mem>>
    tpu.enqueue_indirect_dma source(%dma_start3A_608 : memref<100000x64xf32, #tpu.memory_space<hbm>>) target(%dma_start3A_603 : memref<128x64xf32, #tpu.memory_space<vmem>>) offsets(%dma_start3A_605 : memref<128xi32, #tpu.memory_space<vmem>>) semaphore(%dma_start3A_610 : memref<!tpu.dma_semaphore, #tpu.memory_space<semaphore_mem>>)
    %dma_wait3A_611 = arith.constant 9 : i32
    %dma_wait3A_612 = arith.constant 9 : i32
    %dma_wait3A_613 = arith.constant 0 : i32
    %dma_wait3A_614 = arith.constant 0 : i32
    %dma_wait3A_615 = tpu.memref_slice %arg6[%dma_wait3A_611, %dma_wait3A_613, %dma_wait3A_614] : memref<12x128x64xf32, #tpu.memory_space<vmem>> -> memref<1x128x64xf32, #tpu.memory_space<vmem>>
    %dma_wait3A_616 = tpu.memref_squeeze %dma_wait3A_615 : memref<1x128x64xf32, #tpu.memory_space<vmem>> -> memref<128x64xf32, #tpu.memory_space<vmem>>
    %dma_wait3A_617 = arith.constant 0 : i32
    %dma_wait3A_618 = tpu.memref_slice %arg5[%dma_wait3A_617] : memref<3200xi32, #tpu.memory_space<vmem>> -> memref<128xi32, #tpu.memory_space<vmem>>
    %dma_wait3A_619 = arith.constant 0 : i32
    %dma_wait3A_620 = arith.constant 0 : i32
    %dma_wait3A_621 = tpu.memref_slice %arg3[%dma_wait3A_619, %dma_wait3A_620] : memref<100000x64xf32, #tpu.memory_space<hbm>> -> memref<100000x64xf32, #tpu.memory_space<hbm>>
    %dma_wait3A_622 = tpu.memref_slice %arg7[%dma_wait3A_612] : memref<12x!tpu.dma_semaphore, #tpu.memory_space<semaphore_mem>> -> memref<1x!tpu.dma_semaphore, #tpu.memory_space<semaphore_mem>>
    %dma_wait3A_623 = tpu.memref_squeeze %dma_wait3A_622 : memref<1x!tpu.dma_semaphore, #tpu.memory_space<semaphore_mem>> -> memref<!tpu.dma_semaphore, #tpu.memory_space<semaphore_mem>>
    tpu.wait_indirect_dma semaphore(%dma_wait3A_623 : memref<!tpu.dma_semaphore, #tpu.memory_space<semaphore_mem>>) src(%dma_wait3A_621 : memref<100000x64xf32, #tpu.memory_space<hbm>>) dst(%dma_wait3A_616 : memref<128x64xf32, #tpu.memory_space<vmem>>)
    %add3A_624 = arith.constant 1152 : i32
    %add3A_625 = arith.addi %min3A_3, %add3A_624 : i32
    %dma_start3A_626 = arith.constant 9 : i32
    %dma_start3A_627 = arith.constant 9 : i32
    %dma_start3A_628 = arith.constant 0 : i32
    %dma_start3A_629 = arith.constant 0 : i32
    %dma_start3A_630 = tpu.memref_slice %arg6[%dma_start3A_626, %dma_start3A_628, %dma_start3A_629] : memref<12x128x64xf32, #tpu.memory_space<vmem>> -> memref<1x128x64xf32, #tpu.memory_space<vmem>>
    %dma_start3A_631 = tpu.memref_squeeze %dma_start3A_630 : memref<1x128x64xf32, #tpu.memory_space<vmem>> -> memref<128x64xf32, #tpu.memory_space<vmem>>
    %dma_start3A_632 = arith.constant 0 : i32
    %dma_start3A_633 = tpu.memref_slice %arg4[%add3A_625, %dma_start3A_632] : memref<100000x64xf32, #tpu.memory_space<hbm>> -> memref<128x64xf32, #tpu.memory_space<hbm>>
    %dma_start3A_634 = tpu.memref_slice %arg8[%dma_start3A_627] : memref<12x!tpu.dma_semaphore, #tpu.memory_space<semaphore_mem>> -> memref<1x!tpu.dma_semaphore, #tpu.memory_space<semaphore_mem>>
    %dma_start3A_635 = tpu.memref_squeeze %dma_start3A_634 : memref<1x!tpu.dma_semaphore, #tpu.memory_space<semaphore_mem>> -> memref<!tpu.dma_semaphore, #tpu.memory_space<semaphore_mem>>
    %dma_start3A_636 = arith.constant 0 : i32
    %dma_start3A_637 = tpu.memref_slice %arg4[%add3A_625, %dma_start3A_636] : memref<100000x64xf32, #tpu.memory_space<hbm>> -> memref<128x64xf32, #tpu.memory_space<hbm>>
    %dma_start3A_638 = arith.constant 0 : i32
    %dma_start3A_639 = arith.constant 0 : i32
    %dma_start3A_640 = tpu.memref_slice %arg6[%dma_start3A_626, %dma_start3A_638, %dma_start3A_639] : memref<12x128x64xf32, #tpu.memory_space<vmem>> -> memref<1x128x64xf32, #tpu.memory_space<vmem>>
    %dma_start3A_641 = tpu.memref_squeeze %dma_start3A_640 : memref<1x128x64xf32, #tpu.memory_space<vmem>> -> memref<128x64xf32, #tpu.memory_space<vmem>>
    tpu.enqueue_dma source(%dma_start3A_641 : memref<128x64xf32, #tpu.memory_space<vmem>>) target(%dma_start3A_637 : memref<128x64xf32, #tpu.memory_space<hbm>>) target_semaphore(%dma_start3A_635 : memref<!tpu.dma_semaphore, #tpu.memory_space<semaphore_mem>>)
    %dma_wait3A_642 = arith.constant 6 : i32
    %dma_wait3A_643 = arith.constant 6 : i32
    %dma_wait3A_644 = arith.constant 0 : i32
    %dma_wait3A_645 = arith.constant 0 : i32
    %dma_wait3A_646 = tpu.memref_slice %arg6[%dma_wait3A_642, %dma_wait3A_644, %dma_wait3A_645] : memref<12x128x64xf32, #tpu.memory_space<vmem>> -> memref<1x128x64xf32, #tpu.memory_space<vmem>>
    %dma_wait3A_647 = tpu.memref_squeeze %dma_wait3A_646 : memref<1x128x64xf32, #tpu.memory_space<vmem>> -> memref<128x64xf32, #tpu.memory_space<vmem>>
    %dma_wait3A_648 = arith.constant 0 : i32
    %dma_wait3A_649 = tpu.memref_slice %arg4[%min3A_3, %dma_wait3A_648] : memref<100000x64xf32, #tpu.memory_space<hbm>> -> memref<128x64xf32, #tpu.memory_space<hbm>>
    %dma_wait3A_650 = tpu.memref_slice %arg8[%dma_wait3A_643] : memref<12x!tpu.dma_semaphore, #tpu.memory_space<semaphore_mem>> -> memref<1x!tpu.dma_semaphore, #tpu.memory_space<semaphore_mem>>
    %dma_wait3A_651 = tpu.memref_squeeze %dma_wait3A_650 : memref<1x!tpu.dma_semaphore, #tpu.memory_space<semaphore_mem>> -> memref<!tpu.dma_semaphore, #tpu.memory_space<semaphore_mem>>
    %dma_wait3A_652 = arith.constant 0 : i32
    %dma_wait3A_653 = arith.constant 0 : i32
    %dma_wait3A_654 = tpu.memref_slice %arg6[%dma_wait3A_642, %dma_wait3A_652, %dma_wait3A_653] : memref<12x128x64xf32, #tpu.memory_space<vmem>> -> memref<1x128x64xf32, #tpu.memory_space<vmem>>
    %dma_wait3A_655 = tpu.memref_squeeze %dma_wait3A_654 : memref<1x128x64xf32, #tpu.memory_space<vmem>> -> memref<128x64xf32, #tpu.memory_space<vmem>>
    %dma_wait3A_656 = arith.constant 0 : i32
    %dma_wait3A_657 = tpu.memref_slice %arg4[%min3A_3, %dma_wait3A_656] : memref<100000x64xf32, #tpu.memory_space<hbm>> -> memref<128x64xf32, #tpu.memory_space<hbm>>
    tpu.wait_dma2 semaphore(%dma_wait3A_651 : memref<!tpu.dma_semaphore, #tpu.memory_space<semaphore_mem>>) src(%dma_wait3A_657 : memref<128x64xf32, #tpu.memory_space<hbm>>) dst(%dma_wait3A_655 : memref<128x64xf32, #tpu.memory_space<vmem>>)
    %dma_start3A_658 = arith.constant 6 : i32
    %dma_start3A_659 = arith.constant 6 : i32
    %dma_start3A_660 = arith.constant 0 : i32
    %dma_start3A_661 = arith.constant 0 : i32
    %dma_start3A_662 = tpu.memref_slice %arg6[%dma_start3A_658, %dma_start3A_660, %dma_start3A_661] : memref<12x128x64xf32, #tpu.memory_space<vmem>> -> memref<1x128x64xf32, #tpu.memory_space<vmem>>
    %dma_start3A_663 = tpu.memref_squeeze %dma_start3A_662 : memref<1x128x64xf32, #tpu.memory_space<vmem>> -> memref<128x64xf32, #tpu.memory_space<vmem>>
    %dma_start3A_664 = arith.constant 2304 : i32
    %dma_start3A_665 = tpu.memref_slice %arg5[%dma_start3A_664] : memref<3200xi32, #tpu.memory_space<vmem>> -> memref<128xi32, #tpu.memory_space<vmem>>
    %dma_start3A_666 = arith.constant 0 : i32
    %dma_start3A_667 = arith.constant 0 : i32
    %dma_start3A_668 = tpu.memref_slice %arg3[%dma_start3A_666, %dma_start3A_667] : memref<100000x64xf32, #tpu.memory_space<hbm>> -> memref<100000x64xf32, #tpu.memory_space<hbm>>
    %dma_start3A_669 = tpu.memref_slice %arg7[%dma_start3A_659] : memref<12x!tpu.dma_semaphore, #tpu.memory_space<semaphore_mem>> -> memref<1x!tpu.dma_semaphore, #tpu.memory_space<semaphore_mem>>
    %dma_start3A_670 = tpu.memref_squeeze %dma_start3A_669 : memref<1x!tpu.dma_semaphore, #tpu.memory_space<semaphore_mem>> -> memref<!tpu.dma_semaphore, #tpu.memory_space<semaphore_mem>>
    tpu.enqueue_indirect_dma source(%dma_start3A_668 : memref<100000x64xf32, #tpu.memory_space<hbm>>) target(%dma_start3A_663 : memref<128x64xf32, #tpu.memory_space<vmem>>) offsets(%dma_start3A_665 : memref<128xi32, #tpu.memory_space<vmem>>) semaphore(%dma_start3A_670 : memref<!tpu.dma_semaphore, #tpu.memory_space<semaphore_mem>>)
    %dma_wait3A_671 = arith.constant 10 : i32
    %dma_wait3A_672 = arith.constant 10 : i32
    %dma_wait3A_673 = arith.constant 0 : i32
    %dma_wait3A_674 = arith.constant 0 : i32
    %dma_wait3A_675 = tpu.memref_slice %arg6[%dma_wait3A_671, %dma_wait3A_673, %dma_wait3A_674] : memref<12x128x64xf32, #tpu.memory_space<vmem>> -> memref<1x128x64xf32, #tpu.memory_space<vmem>>
    %dma_wait3A_676 = tpu.memref_squeeze %dma_wait3A_675 : memref<1x128x64xf32, #tpu.memory_space<vmem>> -> memref<128x64xf32, #tpu.memory_space<vmem>>
    %dma_wait3A_677 = arith.constant 0 : i32
    %dma_wait3A_678 = tpu.memref_slice %arg5[%dma_wait3A_677] : memref<3200xi32, #tpu.memory_space<vmem>> -> memref<128xi32, #tpu.memory_space<vmem>>
    %dma_wait3A_679 = arith.constant 0 : i32
    %dma_wait3A_680 = arith.constant 0 : i32
    %dma_wait3A_681 = tpu.memref_slice %arg3[%dma_wait3A_679, %dma_wait3A_680] : memref<100000x64xf32, #tpu.memory_space<hbm>> -> memref<100000x64xf32, #tpu.memory_space<hbm>>
    %dma_wait3A_682 = tpu.memref_slice %arg7[%dma_wait3A_672] : memref<12x!tpu.dma_semaphore, #tpu.memory_space<semaphore_mem>> -> memref<1x!tpu.dma_semaphore, #tpu.memory_space<semaphore_mem>>
    %dma_wait3A_683 = tpu.memref_squeeze %dma_wait3A_682 : memref<1x!tpu.dma_semaphore, #tpu.memory_space<semaphore_mem>> -> memref<!tpu.dma_semaphore, #tpu.memory_space<semaphore_mem>>
    tpu.wait_indirect_dma semaphore(%dma_wait3A_683 : memref<!tpu.dma_semaphore, #tpu.memory_space<semaphore_mem>>) src(%dma_wait3A_681 : memref<100000x64xf32, #tpu.memory_space<hbm>>) dst(%dma_wait3A_676 : memref<128x64xf32, #tpu.memory_space<vmem>>)
    %add3A_684 = arith.constant 1280 : i32
    %add3A_685 = arith.addi %min3A_3, %add3A_684 : i32
    %dma_start3A_686 = arith.constant 10 : i32
    %dma_start3A_687 = arith.constant 10 : i32
    %dma_start3A_688 = arith.constant 0 : i32
    %dma_start3A_689 = arith.constant 0 : i32
    %dma_start3A_690 = tpu.memref_slice %arg6[%dma_start3A_686, %dma_start3A_688, %dma_start3A_689] : memref<12x128x64xf32, #tpu.memory_space<vmem>> -> memref<1x128x64xf32, #tpu.memory_space<vmem>>
    %dma_start3A_691 = tpu.memref_squeeze %dma_start3A_690 : memref<1x128x64xf32, #tpu.memory_space<vmem>> -> memref<128x64xf32, #tpu.memory_space<vmem>>
    %dma_start3A_692 = arith.constant 0 : i32
    %dma_start3A_693 = tpu.memref_slice %arg4[%add3A_685, %dma_start3A_692] : memref<100000x64xf32, #tpu.memory_space<hbm>> -> memref<128x64xf32, #tpu.memory_space<hbm>>
    %dma_start3A_694 = tpu.memref_slice %arg8[%dma_start3A_687] : memref<12x!tpu.dma_semaphore, #tpu.memory_space<semaphore_mem>> -> memref<1x!tpu.dma_semaphore, #tpu.memory_space<semaphore_mem>>
    %dma_start3A_695 = tpu.memref_squeeze %dma_start3A_694 : memref<1x!tpu.dma_semaphore, #tpu.memory_space<semaphore_mem>> -> memref<!tpu.dma_semaphore, #tpu.memory_space<semaphore_mem>>
    %dma_start3A_696 = arith.constant 0 : i32
    %dma_start3A_697 = tpu.memref_slice %arg4[%add3A_685, %dma_start3A_696] : memref<100000x64xf32, #tpu.memory_space<hbm>> -> memref<128x64xf32, #tpu.memory_space<hbm>>
    %dma_start3A_698 = arith.constant 0 : i32
    %dma_start3A_699 = arith.constant 0 : i32
    %dma_start3A_700 = tpu.memref_slice %arg6[%dma_start3A_686, %dma_start3A_698, %dma_start3A_699] : memref<12x128x64xf32, #tpu.memory_space<vmem>> -> memref<1x128x64xf32, #tpu.memory_space<vmem>>
    %dma_start3A_701 = tpu.memref_squeeze %dma_start3A_700 : memref<1x128x64xf32, #tpu.memory_space<vmem>> -> memref<128x64xf32, #tpu.memory_space<vmem>>
    tpu.enqueue_dma source(%dma_start3A_701 : memref<128x64xf32, #tpu.memory_space<vmem>>) target(%dma_start3A_697 : memref<128x64xf32, #tpu.memory_space<hbm>>) target_semaphore(%dma_start3A_695 : memref<!tpu.dma_semaphore, #tpu.memory_space<semaphore_mem>>)
    %dma_wait3A_702 = arith.constant 7 : i32
    %dma_wait3A_703 = arith.constant 7 : i32
    %dma_wait3A_704 = arith.constant 0 : i32
    %dma_wait3A_705 = arith.constant 0 : i32
    %dma_wait3A_706 = tpu.memref_slice %arg6[%dma_wait3A_702, %dma_wait3A_704, %dma_wait3A_705] : memref<12x128x64xf32, #tpu.memory_space<vmem>> -> memref<1x128x64xf32, #tpu.memory_space<vmem>>
    %dma_wait3A_707 = tpu.memref_squeeze %dma_wait3A_706 : memref<1x128x64xf32, #tpu.memory_space<vmem>> -> memref<128x64xf32, #tpu.memory_space<vmem>>
    %dma_wait3A_708 = arith.constant 0 : i32
    %dma_wait3A_709 = tpu.memref_slice %arg4[%min3A_3, %dma_wait3A_708] : memref<100000x64xf32, #tpu.memory_space<hbm>> -> memref<128x64xf32, #tpu.memory_space<hbm>>
    %dma_wait3A_710 = tpu.memref_slice %arg8[%dma_wait3A_703] : memref<12x!tpu.dma_semaphore, #tpu.memory_space<semaphore_mem>> -> memref<1x!tpu.dma_semaphore, #tpu.memory_space<semaphore_mem>>
    %dma_wait3A_711 = tpu.memref_squeeze %dma_wait3A_710 : memref<1x!tpu.dma_semaphore, #tpu.memory_space<semaphore_mem>> -> memref<!tpu.dma_semaphore, #tpu.memory_space<semaphore_mem>>
    %dma_wait3A_712 = arith.constant 0 : i32
    %dma_wait3A_713 = arith.constant 0 : i32
    %dma_wait3A_714 = tpu.memref_slice %arg6[%dma_wait3A_702, %dma_wait3A_712, %dma_wait3A_713] : memref<12x128x64xf32, #tpu.memory_space<vmem>> -> memref<1x128x64xf32, #tpu.memory_space<vmem>>
    %dma_wait3A_715 = tpu.memref_squeeze %dma_wait3A_714 : memref<1x128x64xf32, #tpu.memory_space<vmem>> -> memref<128x64xf32, #tpu.memory_space<vmem>>
    %dma_wait3A_716 = arith.constant 0 : i32
    %dma_wait3A_717 = tpu.memref_slice %arg4[%min3A_3, %dma_wait3A_716] : memref<100000x64xf32, #tpu.memory_space<hbm>> -> memref<128x64xf32, #tpu.memory_space<hbm>>
    tpu.wait_dma2 semaphore(%dma_wait3A_711 : memref<!tpu.dma_semaphore, #tpu.memory_space<semaphore_mem>>) src(%dma_wait3A_717 : memref<128x64xf32, #tpu.memory_space<hbm>>) dst(%dma_wait3A_715 : memref<128x64xf32, #tpu.memory_space<vmem>>)
    %dma_start3A_718 = arith.constant 7 : i32
    %dma_start3A_719 = arith.constant 7 : i32
    %dma_start3A_720 = arith.constant 0 : i32
    %dma_start3A_721 = arith.constant 0 : i32
    %dma_start3A_722 = tpu.memref_slice %arg6[%dma_start3A_718, %dma_start3A_720, %dma_start3A_721] : memref<12x128x64xf32, #tpu.memory_space<vmem>> -> memref<1x128x64xf32, #tpu.memory_space<vmem>>
    %dma_start3A_723 = tpu.memref_squeeze %dma_start3A_722 : memref<1x128x64xf32, #tpu.memory_space<vmem>> -> memref<128x64xf32, #tpu.memory_space<vmem>>
    %dma_start3A_724 = arith.constant 2432 : i32
    %dma_start3A_725 = tpu.memref_slice %arg5[%dma_start3A_724] : memref<3200xi32, #tpu.memory_space<vmem>> -> memref<128xi32, #tpu.memory_space<vmem>>
    %dma_start3A_726 = arith.constant 0 : i32
    %dma_start3A_727 = arith.constant 0 : i32
    %dma_start3A_728 = tpu.memref_slice %arg3[%dma_start3A_726, %dma_start3A_727] : memref<100000x64xf32, #tpu.memory_space<hbm>> -> memref<100000x64xf32, #tpu.memory_space<hbm>>
    %dma_start3A_729 = tpu.memref_slice %arg7[%dma_start3A_719] : memref<12x!tpu.dma_semaphore, #tpu.memory_space<semaphore_mem>> -> memref<1x!tpu.dma_semaphore, #tpu.memory_space<semaphore_mem>>
    %dma_start3A_730 = tpu.memref_squeeze %dma_start3A_729 : memref<1x!tpu.dma_semaphore, #tpu.memory_space<semaphore_mem>> -> memref<!tpu.dma_semaphore, #tpu.memory_space<semaphore_mem>>
    tpu.enqueue_indirect_dma source(%dma_start3A_728 : memref<100000x64xf32, #tpu.memory_space<hbm>>) target(%dma_start3A_723 : memref<128x64xf32, #tpu.memory_space<vmem>>) offsets(%dma_start3A_725 : memref<128xi32, #tpu.memory_space<vmem>>) semaphore(%dma_start3A_730 : memref<!tpu.dma_semaphore, #tpu.memory_space<semaphore_mem>>)
    %dma_wait3A_731 = arith.constant 11 : i32
    %dma_wait3A_732 = arith.constant 11 : i32
    %dma_wait3A_733 = arith.constant 0 : i32
    %dma_wait3A_734 = arith.constant 0 : i32
    %dma_wait3A_735 = tpu.memref_slice %arg6[%dma_wait3A_731, %dma_wait3A_733, %dma_wait3A_734] : memref<12x128x64xf32, #tpu.memory_space<vmem>> -> memref<1x128x64xf32, #tpu.memory_space<vmem>>
    %dma_wait3A_736 = tpu.memref_squeeze %dma_wait3A_735 : memref<1x128x64xf32, #tpu.memory_space<vmem>> -> memref<128x64xf32, #tpu.memory_space<vmem>>
    %dma_wait3A_737 = arith.constant 0 : i32
    %dma_wait3A_738 = tpu.memref_slice %arg5[%dma_wait3A_737] : memref<3200xi32, #tpu.memory_space<vmem>> -> memref<128xi32, #tpu.memory_space<vmem>>
    %dma_wait3A_739 = arith.constant 0 : i32
    %dma_wait3A_740 = arith.constant 0 : i32
    %dma_wait3A_741 = tpu.memref_slice %arg3[%dma_wait3A_739, %dma_wait3A_740] : memref<100000x64xf32, #tpu.memory_space<hbm>> -> memref<100000x64xf32, #tpu.memory_space<hbm>>
    %dma_wait3A_742 = tpu.memref_slice %arg7[%dma_wait3A_732] : memref<12x!tpu.dma_semaphore, #tpu.memory_space<semaphore_mem>> -> memref<1x!tpu.dma_semaphore, #tpu.memory_space<semaphore_mem>>
    %dma_wait3A_743 = tpu.memref_squeeze %dma_wait3A_742 : memref<1x!tpu.dma_semaphore, #tpu.memory_space<semaphore_mem>> -> memref<!tpu.dma_semaphore, #tpu.memory_space<semaphore_mem>>
    tpu.wait_indirect_dma semaphore(%dma_wait3A_743 : memref<!tpu.dma_semaphore, #tpu.memory_space<semaphore_mem>>) src(%dma_wait3A_741 : memref<100000x64xf32, #tpu.memory_space<hbm>>) dst(%dma_wait3A_736 : memref<128x64xf32, #tpu.memory_space<vmem>>)
    %add3A_744 = arith.constant 1408 : i32
    %add3A_745 = arith.addi %min3A_3, %add3A_744 : i32
    %dma_start3A_746 = arith.constant 11 : i32
    %dma_start3A_747 = arith.constant 11 : i32
    %dma_start3A_748 = arith.constant 0 : i32
    %dma_start3A_749 = arith.constant 0 : i32
    %dma_start3A_750 = tpu.memref_slice %arg6[%dma_start3A_746, %dma_start3A_748, %dma_start3A_749] : memref<12x128x64xf32, #tpu.memory_space<vmem>> -> memref<1x128x64xf32, #tpu.memory_space<vmem>>
    %dma_start3A_751 = tpu.memref_squeeze %dma_start3A_750 : memref<1x128x64xf32, #tpu.memory_space<vmem>> -> memref<128x64xf32, #tpu.memory_space<vmem>>
    %dma_start3A_752 = arith.constant 0 : i32
    %dma_start3A_753 = tpu.memref_slice %arg4[%add3A_745, %dma_start3A_752] : memref<100000x64xf32, #tpu.memory_space<hbm>> -> memref<128x64xf32, #tpu.memory_space<hbm>>
    %dma_start3A_754 = tpu.memref_slice %arg8[%dma_start3A_747] : memref<12x!tpu.dma_semaphore, #tpu.memory_space<semaphore_mem>> -> memref<1x!tpu.dma_semaphore, #tpu.memory_space<semaphore_mem>>
    %dma_start3A_755 = tpu.memref_squeeze %dma_start3A_754 : memref<1x!tpu.dma_semaphore, #tpu.memory_space<semaphore_mem>> -> memref<!tpu.dma_semaphore, #tpu.memory_space<semaphore_mem>>
    %dma_start3A_756 = arith.constant 0 : i32
    %dma_start3A_757 = tpu.memref_slice %arg4[%add3A_745, %dma_start3A_756] : memref<100000x64xf32, #tpu.memory_space<hbm>> -> memref<128x64xf32, #tpu.memory_space<hbm>>
    %dma_start3A_758 = arith.constant 0 : i32
    %dma_start3A_759 = arith.constant 0 : i32
    %dma_start3A_760 = tpu.memref_slice %arg6[%dma_start3A_746, %dma_start3A_758, %dma_start3A_759] : memref<12x128x64xf32, #tpu.memory_space<vmem>> -> memref<1x128x64xf32, #tpu.memory_space<vmem>>
    %dma_start3A_761 = tpu.memref_squeeze %dma_start3A_760 : memref<1x128x64xf32, #tpu.memory_space<vmem>> -> memref<128x64xf32, #tpu.memory_space<vmem>>
    tpu.enqueue_dma source(%dma_start3A_761 : memref<128x64xf32, #tpu.memory_space<vmem>>) target(%dma_start3A_757 : memref<128x64xf32, #tpu.memory_space<hbm>>) target_semaphore(%dma_start3A_755 : memref<!tpu.dma_semaphore, #tpu.memory_space<semaphore_mem>>)
    %dma_wait3A_762 = arith.constant 8 : i32
    %dma_wait3A_763 = arith.constant 8 : i32
    %dma_wait3A_764 = arith.constant 0 : i32
    %dma_wait3A_765 = arith.constant 0 : i32
    %dma_wait3A_766 = tpu.memref_slice %arg6[%dma_wait3A_762, %dma_wait3A_764, %dma_wait3A_765] : memref<12x128x64xf32, #tpu.memory_space<vmem>> -> memref<1x128x64xf32, #tpu.memory_space<vmem>>
    %dma_wait3A_767 = tpu.memref_squeeze %dma_wait3A_766 : memref<1x128x64xf32, #tpu.memory_space<vmem>> -> memref<128x64xf32, #tpu.memory_space<vmem>>
    %dma_wait3A_768 = arith.constant 0 : i32
    %dma_wait3A_769 = tpu.memref_slice %arg4[%min3A_3, %dma_wait3A_768] : memref<100000x64xf32, #tpu.memory_space<hbm>> -> memref<128x64xf32, #tpu.memory_space<hbm>>
    %dma_wait3A_770 = tpu.memref_slice %arg8[%dma_wait3A_763] : memref<12x!tpu.dma_semaphore, #tpu.memory_space<semaphore_mem>> -> memref<1x!tpu.dma_semaphore, #tpu.memory_space<semaphore_mem>>
    %dma_wait3A_771 = tpu.memref_squeeze %dma_wait3A_770 : memref<1x!tpu.dma_semaphore, #tpu.memory_space<semaphore_mem>> -> memref<!tpu.dma_semaphore, #tpu.memory_space<semaphore_mem>>
    %dma_wait3A_772 = arith.constant 0 : i32
    %dma_wait3A_773 = arith.constant 0 : i32
    %dma_wait3A_774 = tpu.memref_slice %arg6[%dma_wait3A_762, %dma_wait3A_772, %dma_wait3A_773] : memref<12x128x64xf32, #tpu.memory_space<vmem>> -> memref<1x128x64xf32, #tpu.memory_space<vmem>>
    %dma_wait3A_775 = tpu.memref_squeeze %dma_wait3A_774 : memref<1x128x64xf32, #tpu.memory_space<vmem>> -> memref<128x64xf32, #tpu.memory_space<vmem>>
    %dma_wait3A_776 = arith.constant 0 : i32
    %dma_wait3A_777 = tpu.memref_slice %arg4[%min3A_3, %dma_wait3A_776] : memref<100000x64xf32, #tpu.memory_space<hbm>> -> memref<128x64xf32, #tpu.memory_space<hbm>>
    tpu.wait_dma2 semaphore(%dma_wait3A_771 : memref<!tpu.dma_semaphore, #tpu.memory_space<semaphore_mem>>) src(%dma_wait3A_777 : memref<128x64xf32, #tpu.memory_space<hbm>>) dst(%dma_wait3A_775 : memref<128x64xf32, #tpu.memory_space<vmem>>)
    %dma_start3A_778 = arith.constant 8 : i32
    %dma_start3A_779 = arith.constant 8 : i32
    %dma_start3A_780 = arith.constant 0 : i32
    %dma_start3A_781 = arith.constant 0 : i32
    %dma_start3A_782 = tpu.memref_slice %arg6[%dma_start3A_778, %dma_start3A_780, %dma_start3A_781] : memref<12x128x64xf32, #tpu.memory_space<vmem>> -> memref<1x128x64xf32, #tpu.memory_space<vmem>>
    %dma_start3A_783 = tpu.memref_squeeze %dma_start3A_782 : memref<1x128x64xf32, #tpu.memory_space<vmem>> -> memref<128x64xf32, #tpu.memory_space<vmem>>
    %dma_start3A_784 = arith.constant 2560 : i32
    %dma_start3A_785 = tpu.memref_slice %arg5[%dma_start3A_784] : memref<3200xi32, #tpu.memory_space<vmem>> -> memref<128xi32, #tpu.memory_space<vmem>>
    %dma_start3A_786 = arith.constant 0 : i32
    %dma_start3A_787 = arith.constant 0 : i32
    %dma_start3A_788 = tpu.memref_slice %arg3[%dma_start3A_786, %dma_start3A_787] : memref<100000x64xf32, #tpu.memory_space<hbm>> -> memref<100000x64xf32, #tpu.memory_space<hbm>>
    %dma_start3A_789 = tpu.memref_slice %arg7[%dma_start3A_779] : memref<12x!tpu.dma_semaphore, #tpu.memory_space<semaphore_mem>> -> memref<1x!tpu.dma_semaphore, #tpu.memory_space<semaphore_mem>>
    %dma_start3A_790 = tpu.memref_squeeze %dma_start3A_789 : memref<1x!tpu.dma_semaphore, #tpu.memory_space<semaphore_mem>> -> memref<!tpu.dma_semaphore, #tpu.memory_space<semaphore_mem>>
    tpu.enqueue_indirect_dma source(%dma_start3A_788 : memref<100000x64xf32, #tpu.memory_space<hbm>>) target(%dma_start3A_783 : memref<128x64xf32, #tpu.memory_space<vmem>>) offsets(%dma_start3A_785 : memref<128xi32, #tpu.memory_space<vmem>>) semaphore(%dma_start3A_790 : memref<!tpu.dma_semaphore, #tpu.memory_space<semaphore_mem>>)
    %dma_wait3A_791 = arith.constant 0 : i32
    %dma_wait3A_792 = arith.constant 0 : i32
    %dma_wait3A_793 = arith.constant 0 : i32
    %dma_wait3A_794 = arith.constant 0 : i32
    %dma_wait3A_795 = tpu.memref_slice %arg6[%dma_wait3A_791, %dma_wait3A_793, %dma_wait3A_794] : memref<12x128x64xf32, #tpu.memory_space<vmem>> -> memref<1x128x64xf32, #tpu.memory_space<vmem>>
    %dma_wait3A_796 = tpu.memref_squeeze %dma_wait3A_795 : memref<1x128x64xf32, #tpu.memory_space<vmem>> -> memref<128x64xf32, #tpu.memory_space<vmem>>
    %dma_wait3A_797 = arith.constant 0 : i32
    %dma_wait3A_798 = tpu.memref_slice %arg5[%dma_wait3A_797] : memref<3200xi32, #tpu.memory_space<vmem>> -> memref<128xi32, #tpu.memory_space<vmem>>
    %dma_wait3A_799 = arith.constant 0 : i32
    %dma_wait3A_800 = arith.constant 0 : i32
    %dma_wait3A_801 = tpu.memref_slice %arg3[%dma_wait3A_799, %dma_wait3A_800] : memref<100000x64xf32, #tpu.memory_space<hbm>> -> memref<100000x64xf32, #tpu.memory_space<hbm>>
    %dma_wait3A_802 = tpu.memref_slice %arg7[%dma_wait3A_792] : memref<12x!tpu.dma_semaphore, #tpu.memory_space<semaphore_mem>> -> memref<1x!tpu.dma_semaphore, #tpu.memory_space<semaphore_mem>>
    %dma_wait3A_803 = tpu.memref_squeeze %dma_wait3A_802 : memref<1x!tpu.dma_semaphore, #tpu.memory_space<semaphore_mem>> -> memref<!tpu.dma_semaphore, #tpu.memory_space<semaphore_mem>>
    tpu.wait_indirect_dma semaphore(%dma_wait3A_803 : memref<!tpu.dma_semaphore, #tpu.memory_space<semaphore_mem>>) src(%dma_wait3A_801 : memref<100000x64xf32, #tpu.memory_space<hbm>>) dst(%dma_wait3A_796 : memref<128x64xf32, #tpu.memory_space<vmem>>)
    %add3A_804 = arith.constant 1536 : i32
    %add3A_805 = arith.addi %min3A_3, %add3A_804 : i32
    %dma_start3A_806 = arith.constant 0 : i32
    %dma_start3A_807 = arith.constant 0 : i32
    %dma_start3A_808 = arith.constant 0 : i32
    %dma_start3A_809 = arith.constant 0 : i32
    %dma_start3A_810 = tpu.memref_slice %arg6[%dma_start3A_806, %dma_start3A_808, %dma_start3A_809] : memref<12x128x64xf32, #tpu.memory_space<vmem>> -> memref<1x128x64xf32, #tpu.memory_space<vmem>>
    %dma_start3A_811 = tpu.memref_squeeze %dma_start3A_810 : memref<1x128x64xf32, #tpu.memory_space<vmem>> -> memref<128x64xf32, #tpu.memory_space<vmem>>
    %dma_start3A_812 = arith.constant 0 : i32
    %dma_start3A_813 = tpu.memref_slice %arg4[%add3A_805, %dma_start3A_812] : memref<100000x64xf32, #tpu.memory_space<hbm>> -> memref<128x64xf32, #tpu.memory_space<hbm>>
    %dma_start3A_814 = tpu.memref_slice %arg8[%dma_start3A_807] : memref<12x!tpu.dma_semaphore, #tpu.memory_space<semaphore_mem>> -> memref<1x!tpu.dma_semaphore, #tpu.memory_space<semaphore_mem>>
    %dma_start3A_815 = tpu.memref_squeeze %dma_start3A_814 : memref<1x!tpu.dma_semaphore, #tpu.memory_space<semaphore_mem>> -> memref<!tpu.dma_semaphore, #tpu.memory_space<semaphore_mem>>
    %dma_start3A_816 = arith.constant 0 : i32
    %dma_start3A_817 = tpu.memref_slice %arg4[%add3A_805, %dma_start3A_816] : memref<100000x64xf32, #tpu.memory_space<hbm>> -> memref<128x64xf32, #tpu.memory_space<hbm>>
    %dma_start3A_818 = arith.constant 0 : i32
    %dma_start3A_819 = arith.constant 0 : i32
    %dma_start3A_820 = tpu.memref_slice %arg6[%dma_start3A_806, %dma_start3A_818, %dma_start3A_819] : memref<12x128x64xf32, #tpu.memory_space<vmem>> -> memref<1x128x64xf32, #tpu.memory_space<vmem>>
    %dma_start3A_821 = tpu.memref_squeeze %dma_start3A_820 : memref<1x128x64xf32, #tpu.memory_space<vmem>> -> memref<128x64xf32, #tpu.memory_space<vmem>>
    tpu.enqueue_dma source(%dma_start3A_821 : memref<128x64xf32, #tpu.memory_space<vmem>>) target(%dma_start3A_817 : memref<128x64xf32, #tpu.memory_space<hbm>>) target_semaphore(%dma_start3A_815 : memref<!tpu.dma_semaphore, #tpu.memory_space<semaphore_mem>>)
    %dma_wait3A_822 = arith.constant 9 : i32
    %dma_wait3A_823 = arith.constant 9 : i32
    %dma_wait3A_824 = arith.constant 0 : i32
    %dma_wait3A_825 = arith.constant 0 : i32
    %dma_wait3A_826 = tpu.memref_slice %arg6[%dma_wait3A_822, %dma_wait3A_824, %dma_wait3A_825] : memref<12x128x64xf32, #tpu.memory_space<vmem>> -> memref<1x128x64xf32, #tpu.memory_space<vmem>>
    %dma_wait3A_827 = tpu.memref_squeeze %dma_wait3A_826 : memref<1x128x64xf32, #tpu.memory_space<vmem>> -> memref<128x64xf32, #tpu.memory_space<vmem>>
    %dma_wait3A_828 = arith.constant 0 : i32
    %dma_wait3A_829 = tpu.memref_slice %arg4[%min3A_3, %dma_wait3A_828] : memref<100000x64xf32, #tpu.memory_space<hbm>> -> memref<128x64xf32, #tpu.memory_space<hbm>>
    %dma_wait3A_830 = tpu.memref_slice %arg8[%dma_wait3A_823] : memref<12x!tpu.dma_semaphore, #tpu.memory_space<semaphore_mem>> -> memref<1x!tpu.dma_semaphore, #tpu.memory_space<semaphore_mem>>
    %dma_wait3A_831 = tpu.memref_squeeze %dma_wait3A_830 : memref<1x!tpu.dma_semaphore, #tpu.memory_space<semaphore_mem>> -> memref<!tpu.dma_semaphore, #tpu.memory_space<semaphore_mem>>
    %dma_wait3A_832 = arith.constant 0 : i32
    %dma_wait3A_833 = arith.constant 0 : i32
    %dma_wait3A_834 = tpu.memref_slice %arg6[%dma_wait3A_822, %dma_wait3A_832, %dma_wait3A_833] : memref<12x128x64xf32, #tpu.memory_space<vmem>> -> memref<1x128x64xf32, #tpu.memory_space<vmem>>
    %dma_wait3A_835 = tpu.memref_squeeze %dma_wait3A_834 : memref<1x128x64xf32, #tpu.memory_space<vmem>> -> memref<128x64xf32, #tpu.memory_space<vmem>>
    %dma_wait3A_836 = arith.constant 0 : i32
    %dma_wait3A_837 = tpu.memref_slice %arg4[%min3A_3, %dma_wait3A_836] : memref<100000x64xf32, #tpu.memory_space<hbm>> -> memref<128x64xf32, #tpu.memory_space<hbm>>
    tpu.wait_dma2 semaphore(%dma_wait3A_831 : memref<!tpu.dma_semaphore, #tpu.memory_space<semaphore_mem>>) src(%dma_wait3A_837 : memref<128x64xf32, #tpu.memory_space<hbm>>) dst(%dma_wait3A_835 : memref<128x64xf32, #tpu.memory_space<vmem>>)
    %dma_start3A_838 = arith.constant 9 : i32
    %dma_start3A_839 = arith.constant 9 : i32
    %dma_start3A_840 = arith.constant 0 : i32
    %dma_start3A_841 = arith.constant 0 : i32
    %dma_start3A_842 = tpu.memref_slice %arg6[%dma_start3A_838, %dma_start3A_840, %dma_start3A_841] : memref<12x128x64xf32, #tpu.memory_space<vmem>> -> memref<1x128x64xf32, #tpu.memory_space<vmem>>
    %dma_start3A_843 = tpu.memref_squeeze %dma_start3A_842 : memref<1x128x64xf32, #tpu.memory_space<vmem>> -> memref<128x64xf32, #tpu.memory_space<vmem>>
    %dma_start3A_844 = arith.constant 2688 : i32
    %dma_start3A_845 = tpu.memref_slice %arg5[%dma_start3A_844] : memref<3200xi32, #tpu.memory_space<vmem>> -> memref<128xi32, #tpu.memory_space<vmem>>
    %dma_start3A_846 = arith.constant 0 : i32
    %dma_start3A_847 = arith.constant 0 : i32
    %dma_start3A_848 = tpu.memref_slice %arg3[%dma_start3A_846, %dma_start3A_847] : memref<100000x64xf32, #tpu.memory_space<hbm>> -> memref<100000x64xf32, #tpu.memory_space<hbm>>
    %dma_start3A_849 = tpu.memref_slice %arg7[%dma_start3A_839] : memref<12x!tpu.dma_semaphore, #tpu.memory_space<semaphore_mem>> -> memref<1x!tpu.dma_semaphore, #tpu.memory_space<semaphore_mem>>
    %dma_start3A_850 = tpu.memref_squeeze %dma_start3A_849 : memref<1x!tpu.dma_semaphore, #tpu.memory_space<semaphore_mem>> -> memref<!tpu.dma_semaphore, #tpu.memory_space<semaphore_mem>>
    tpu.enqueue_indirect_dma source(%dma_start3A_848 : memref<100000x64xf32, #tpu.memory_space<hbm>>) target(%dma_start3A_843 : memref<128x64xf32, #tpu.memory_space<vmem>>) offsets(%dma_start3A_845 : memref<128xi32, #tpu.memory_space<vmem>>) semaphore(%dma_start3A_850 : memref<!tpu.dma_semaphore, #tpu.memory_space<semaphore_mem>>)
    %dma_wait3A_851 = arith.constant 1 : i32
    %dma_wait3A_852 = arith.constant 1 : i32
    %dma_wait3A_853 = arith.constant 0 : i32
    %dma_wait3A_854 = arith.constant 0 : i32
    %dma_wait3A_855 = tpu.memref_slice %arg6[%dma_wait3A_851, %dma_wait3A_853, %dma_wait3A_854] : memref<12x128x64xf32, #tpu.memory_space<vmem>> -> memref<1x128x64xf32, #tpu.memory_space<vmem>>
    %dma_wait3A_856 = tpu.memref_squeeze %dma_wait3A_855 : memref<1x128x64xf32, #tpu.memory_space<vmem>> -> memref<128x64xf32, #tpu.memory_space<vmem>>
    %dma_wait3A_857 = arith.constant 0 : i32
    %dma_wait3A_858 = tpu.memref_slice %arg5[%dma_wait3A_857] : memref<3200xi32, #tpu.memory_space<vmem>> -> memref<128xi32, #tpu.memory_space<vmem>>
    %dma_wait3A_859 = arith.constant 0 : i32
    %dma_wait3A_860 = arith.constant 0 : i32
    %dma_wait3A_861 = tpu.memref_slice %arg3[%dma_wait3A_859, %dma_wait3A_860] : memref<100000x64xf32, #tpu.memory_space<hbm>> -> memref<100000x64xf32, #tpu.memory_space<hbm>>
    %dma_wait3A_862 = tpu.memref_slice %arg7[%dma_wait3A_852] : memref<12x!tpu.dma_semaphore, #tpu.memory_space<semaphore_mem>> -> memref<1x!tpu.dma_semaphore, #tpu.memory_space<semaphore_mem>>
    %dma_wait3A_863 = tpu.memref_squeeze %dma_wait3A_862 : memref<1x!tpu.dma_semaphore, #tpu.memory_space<semaphore_mem>> -> memref<!tpu.dma_semaphore, #tpu.memory_space<semaphore_mem>>
    tpu.wait_indirect_dma semaphore(%dma_wait3A_863 : memref<!tpu.dma_semaphore, #tpu.memory_space<semaphore_mem>>) src(%dma_wait3A_861 : memref<100000x64xf32, #tpu.memory_space<hbm>>) dst(%dma_wait3A_856 : memref<128x64xf32, #tpu.memory_space<vmem>>)
    %add3A_864 = arith.constant 1664 : i32
    %add3A_865 = arith.addi %min3A_3, %add3A_864 : i32
    %dma_start3A_866 = arith.constant 1 : i32
    %dma_start3A_867 = arith.constant 1 : i32
    %dma_start3A_868 = arith.constant 0 : i32
    %dma_start3A_869 = arith.constant 0 : i32
    %dma_start3A_870 = tpu.memref_slice %arg6[%dma_start3A_866, %dma_start3A_868, %dma_start3A_869] : memref<12x128x64xf32, #tpu.memory_space<vmem>> -> memref<1x128x64xf32, #tpu.memory_space<vmem>>
    %dma_start3A_871 = tpu.memref_squeeze %dma_start3A_870 : memref<1x128x64xf32, #tpu.memory_space<vmem>> -> memref<128x64xf32, #tpu.memory_space<vmem>>
    %dma_start3A_872 = arith.constant 0 : i32
    %dma_start3A_873 = tpu.memref_slice %arg4[%add3A_865, %dma_start3A_872] : memref<100000x64xf32, #tpu.memory_space<hbm>> -> memref<128x64xf32, #tpu.memory_space<hbm>>
    %dma_start3A_874 = tpu.memref_slice %arg8[%dma_start3A_867] : memref<12x!tpu.dma_semaphore, #tpu.memory_space<semaphore_mem>> -> memref<1x!tpu.dma_semaphore, #tpu.memory_space<semaphore_mem>>
    %dma_start3A_875 = tpu.memref_squeeze %dma_start3A_874 : memref<1x!tpu.dma_semaphore, #tpu.memory_space<semaphore_mem>> -> memref<!tpu.dma_semaphore, #tpu.memory_space<semaphore_mem>>
    %dma_start3A_876 = arith.constant 0 : i32
    %dma_start3A_877 = tpu.memref_slice %arg4[%add3A_865, %dma_start3A_876] : memref<100000x64xf32, #tpu.memory_space<hbm>> -> memref<128x64xf32, #tpu.memory_space<hbm>>
    %dma_start3A_878 = arith.constant 0 : i32
    %dma_start3A_879 = arith.constant 0 : i32
    %dma_start3A_880 = tpu.memref_slice %arg6[%dma_start3A_866, %dma_start3A_878, %dma_start3A_879] : memref<12x128x64xf32, #tpu.memory_space<vmem>> -> memref<1x128x64xf32, #tpu.memory_space<vmem>>
    %dma_start3A_881 = tpu.memref_squeeze %dma_start3A_880 : memref<1x128x64xf32, #tpu.memory_space<vmem>> -> memref<128x64xf32, #tpu.memory_space<vmem>>
    tpu.enqueue_dma source(%dma_start3A_881 : memref<128x64xf32, #tpu.memory_space<vmem>>) target(%dma_start3A_877 : memref<128x64xf32, #tpu.memory_space<hbm>>) target_semaphore(%dma_start3A_875 : memref<!tpu.dma_semaphore, #tpu.memory_space<semaphore_mem>>)
    %dma_wait3A_882 = arith.constant 10 : i32
    %dma_wait3A_883 = arith.constant 10 : i32
    %dma_wait3A_884 = arith.constant 0 : i32
    %dma_wait3A_885 = arith.constant 0 : i32
    %dma_wait3A_886 = tpu.memref_slice %arg6[%dma_wait3A_882, %dma_wait3A_884, %dma_wait3A_885] : memref<12x128x64xf32, #tpu.memory_space<vmem>> -> memref<1x128x64xf32, #tpu.memory_space<vmem>>
    %dma_wait3A_887 = tpu.memref_squeeze %dma_wait3A_886 : memref<1x128x64xf32, #tpu.memory_space<vmem>> -> memref<128x64xf32, #tpu.memory_space<vmem>>
    %dma_wait3A_888 = arith.constant 0 : i32
    %dma_wait3A_889 = tpu.memref_slice %arg4[%min3A_3, %dma_wait3A_888] : memref<100000x64xf32, #tpu.memory_space<hbm>> -> memref<128x64xf32, #tpu.memory_space<hbm>>
    %dma_wait3A_890 = tpu.memref_slice %arg8[%dma_wait3A_883] : memref<12x!tpu.dma_semaphore, #tpu.memory_space<semaphore_mem>> -> memref<1x!tpu.dma_semaphore, #tpu.memory_space<semaphore_mem>>
    %dma_wait3A_891 = tpu.memref_squeeze %dma_wait3A_890 : memref<1x!tpu.dma_semaphore, #tpu.memory_space<semaphore_mem>> -> memref<!tpu.dma_semaphore, #tpu.memory_space<semaphore_mem>>
    %dma_wait3A_892 = arith.constant 0 : i32
    %dma_wait3A_893 = arith.constant 0 : i32
    %dma_wait3A_894 = tpu.memref_slice %arg6[%dma_wait3A_882, %dma_wait3A_892, %dma_wait3A_893] : memref<12x128x64xf32, #tpu.memory_space<vmem>> -> memref<1x128x64xf32, #tpu.memory_space<vmem>>
    %dma_wait3A_895 = tpu.memref_squeeze %dma_wait3A_894 : memref<1x128x64xf32, #tpu.memory_space<vmem>> -> memref<128x64xf32, #tpu.memory_space<vmem>>
    %dma_wait3A_896 = arith.constant 0 : i32
    %dma_wait3A_897 = tpu.memref_slice %arg4[%min3A_3, %dma_wait3A_896] : memref<100000x64xf32, #tpu.memory_space<hbm>> -> memref<128x64xf32, #tpu.memory_space<hbm>>
    tpu.wait_dma2 semaphore(%dma_wait3A_891 : memref<!tpu.dma_semaphore, #tpu.memory_space<semaphore_mem>>) src(%dma_wait3A_897 : memref<128x64xf32, #tpu.memory_space<hbm>>) dst(%dma_wait3A_895 : memref<128x64xf32, #tpu.memory_space<vmem>>)
    %dma_start3A_898 = arith.constant 10 : i32
    %dma_start3A_899 = arith.constant 10 : i32
    %dma_start3A_900 = arith.constant 0 : i32
    %dma_start3A_901 = arith.constant 0 : i32
    %dma_start3A_902 = tpu.memref_slice %arg6[%dma_start3A_898, %dma_start3A_900, %dma_start3A_901] : memref<12x128x64xf32, #tpu.memory_space<vmem>> -> memref<1x128x64xf32, #tpu.memory_space<vmem>>
    %dma_start3A_903 = tpu.memref_squeeze %dma_start3A_902 : memref<1x128x64xf32, #tpu.memory_space<vmem>> -> memref<128x64xf32, #tpu.memory_space<vmem>>
    %dma_start3A_904 = arith.constant 2816 : i32
    %dma_start3A_905 = tpu.memref_slice %arg5[%dma_start3A_904] : memref<3200xi32, #tpu.memory_space<vmem>> -> memref<128xi32, #tpu.memory_space<vmem>>
    %dma_start3A_906 = arith.constant 0 : i32
    %dma_start3A_907 = arith.constant 0 : i32
    %dma_start3A_908 = tpu.memref_slice %arg3[%dma_start3A_906, %dma_start3A_907] : memref<100000x64xf32, #tpu.memory_space<hbm>> -> memref<100000x64xf32, #tpu.memory_space<hbm>>
    %dma_start3A_909 = tpu.memref_slice %arg7[%dma_start3A_899] : memref<12x!tpu.dma_semaphore, #tpu.memory_space<semaphore_mem>> -> memref<1x!tpu.dma_semaphore, #tpu.memory_space<semaphore_mem>>
    %dma_start3A_910 = tpu.memref_squeeze %dma_start3A_909 : memref<1x!tpu.dma_semaphore, #tpu.memory_space<semaphore_mem>> -> memref<!tpu.dma_semaphore, #tpu.memory_space<semaphore_mem>>
    tpu.enqueue_indirect_dma source(%dma_start3A_908 : memref<100000x64xf32, #tpu.memory_space<hbm>>) target(%dma_start3A_903 : memref<128x64xf32, #tpu.memory_space<vmem>>) offsets(%dma_start3A_905 : memref<128xi32, #tpu.memory_space<vmem>>) semaphore(%dma_start3A_910 : memref<!tpu.dma_semaphore, #tpu.memory_space<semaphore_mem>>)
    %dma_wait3A_911 = arith.constant 2 : i32
    %dma_wait3A_912 = arith.constant 2 : i32
    %dma_wait3A_913 = arith.constant 0 : i32
    %dma_wait3A_914 = arith.constant 0 : i32
    %dma_wait3A_915 = tpu.memref_slice %arg6[%dma_wait3A_911, %dma_wait3A_913, %dma_wait3A_914] : memref<12x128x64xf32, #tpu.memory_space<vmem>> -> memref<1x128x64xf32, #tpu.memory_space<vmem>>
    %dma_wait3A_916 = tpu.memref_squeeze %dma_wait3A_915 : memref<1x128x64xf32, #tpu.memory_space<vmem>> -> memref<128x64xf32, #tpu.memory_space<vmem>>
    %dma_wait3A_917 = arith.constant 0 : i32
    %dma_wait3A_918 = tpu.memref_slice %arg5[%dma_wait3A_917] : memref<3200xi32, #tpu.memory_space<vmem>> -> memref<128xi32, #tpu.memory_space<vmem>>
    %dma_wait3A_919 = arith.constant 0 : i32
    %dma_wait3A_920 = arith.constant 0 : i32
    %dma_wait3A_921 = tpu.memref_slice %arg3[%dma_wait3A_919, %dma_wait3A_920] : memref<100000x64xf32, #tpu.memory_space<hbm>> -> memref<100000x64xf32, #tpu.memory_space<hbm>>
    %dma_wait3A_922 = tpu.memref_slice %arg7[%dma_wait3A_912] : memref<12x!tpu.dma_semaphore, #tpu.memory_space<semaphore_mem>> -> memref<1x!tpu.dma_semaphore, #tpu.memory_space<semaphore_mem>>
    %dma_wait3A_923 = tpu.memref_squeeze %dma_wait3A_922 : memref<1x!tpu.dma_semaphore, #tpu.memory_space<semaphore_mem>> -> memref<!tpu.dma_semaphore, #tpu.memory_space<semaphore_mem>>
    tpu.wait_indirect_dma semaphore(%dma_wait3A_923 : memref<!tpu.dma_semaphore, #tpu.memory_space<semaphore_mem>>) src(%dma_wait3A_921 : memref<100000x64xf32, #tpu.memory_space<hbm>>) dst(%dma_wait3A_916 : memref<128x64xf32, #tpu.memory_space<vmem>>)
    %add3A_924 = arith.constant 1792 : i32
    %add3A_925 = arith.addi %min3A_3, %add3A_924 : i32
    %dma_start3A_926 = arith.constant 2 : i32
    %dma_start3A_927 = arith.constant 2 : i32
    %dma_start3A_928 = arith.constant 0 : i32
    %dma_start3A_929 = arith.constant 0 : i32
    %dma_start3A_930 = tpu.memref_slice %arg6[%dma_start3A_926, %dma_start3A_928, %dma_start3A_929] : memref<12x128x64xf32, #tpu.memory_space<vmem>> -> memref<1x128x64xf32, #tpu.memory_space<vmem>>
    %dma_start3A_931 = tpu.memref_squeeze %dma_start3A_930 : memref<1x128x64xf32, #tpu.memory_space<vmem>> -> memref<128x64xf32, #tpu.memory_space<vmem>>
    %dma_start3A_932 = arith.constant 0 : i32
    %dma_start3A_933 = tpu.memref_slice %arg4[%add3A_925, %dma_start3A_932] : memref<100000x64xf32, #tpu.memory_space<hbm>> -> memref<128x64xf32, #tpu.memory_space<hbm>>
    %dma_start3A_934 = tpu.memref_slice %arg8[%dma_start3A_927] : memref<12x!tpu.dma_semaphore, #tpu.memory_space<semaphore_mem>> -> memref<1x!tpu.dma_semaphore, #tpu.memory_space<semaphore_mem>>
    %dma_start3A_935 = tpu.memref_squeeze %dma_start3A_934 : memref<1x!tpu.dma_semaphore, #tpu.memory_space<semaphore_mem>> -> memref<!tpu.dma_semaphore, #tpu.memory_space<semaphore_mem>>
    %dma_start3A_936 = arith.constant 0 : i32
    %dma_start3A_937 = tpu.memref_slice %arg4[%add3A_925, %dma_start3A_936] : memref<100000x64xf32, #tpu.memory_space<hbm>> -> memref<128x64xf32, #tpu.memory_space<hbm>>
    %dma_start3A_938 = arith.constant 0 : i32
    %dma_start3A_939 = arith.constant 0 : i32
    %dma_start3A_940 = tpu.memref_slice %arg6[%dma_start3A_926, %dma_start3A_938, %dma_start3A_939] : memref<12x128x64xf32, #tpu.memory_space<vmem>> -> memref<1x128x64xf32, #tpu.memory_space<vmem>>
    %dma_start3A_941 = tpu.memref_squeeze %dma_start3A_940 : memref<1x128x64xf32, #tpu.memory_space<vmem>> -> memref<128x64xf32, #tpu.memory_space<vmem>>
    tpu.enqueue_dma source(%dma_start3A_941 : memref<128x64xf32, #tpu.memory_space<vmem>>) target(%dma_start3A_937 : memref<128x64xf32, #tpu.memory_space<hbm>>) target_semaphore(%dma_start3A_935 : memref<!tpu.dma_semaphore, #tpu.memory_space<semaphore_mem>>)
    %dma_wait3A_942 = arith.constant 11 : i32
    %dma_wait3A_943 = arith.constant 11 : i32
    %dma_wait3A_944 = arith.constant 0 : i32
    %dma_wait3A_945 = arith.constant 0 : i32
    %dma_wait3A_946 = tpu.memref_slice %arg6[%dma_wait3A_942, %dma_wait3A_944, %dma_wait3A_945] : memref<12x128x64xf32, #tpu.memory_space<vmem>> -> memref<1x128x64xf32, #tpu.memory_space<vmem>>
    %dma_wait3A_947 = tpu.memref_squeeze %dma_wait3A_946 : memref<1x128x64xf32, #tpu.memory_space<vmem>> -> memref<128x64xf32, #tpu.memory_space<vmem>>
    %dma_wait3A_948 = arith.constant 0 : i32
    %dma_wait3A_949 = tpu.memref_slice %arg4[%min3A_3, %dma_wait3A_948] : memref<100000x64xf32, #tpu.memory_space<hbm>> -> memref<128x64xf32, #tpu.memory_space<hbm>>
    %dma_wait3A_950 = tpu.memref_slice %arg8[%dma_wait3A_943] : memref<12x!tpu.dma_semaphore, #tpu.memory_space<semaphore_mem>> -> memref<1x!tpu.dma_semaphore, #tpu.memory_space<semaphore_mem>>
    %dma_wait3A_951 = tpu.memref_squeeze %dma_wait3A_950 : memref<1x!tpu.dma_semaphore, #tpu.memory_space<semaphore_mem>> -> memref<!tpu.dma_semaphore, #tpu.memory_space<semaphore_mem>>
    %dma_wait3A_952 = arith.constant 0 : i32
    %dma_wait3A_953 = arith.constant 0 : i32
    %dma_wait3A_954 = tpu.memref_slice %arg6[%dma_wait3A_942, %dma_wait3A_952, %dma_wait3A_953] : memref<12x128x64xf32, #tpu.memory_space<vmem>> -> memref<1x128x64xf32, #tpu.memory_space<vmem>>
    %dma_wait3A_955 = tpu.memref_squeeze %dma_wait3A_954 : memref<1x128x64xf32, #tpu.memory_space<vmem>> -> memref<128x64xf32, #tpu.memory_space<vmem>>
    %dma_wait3A_956 = arith.constant 0 : i32
    %dma_wait3A_957 = tpu.memref_slice %arg4[%min3A_3, %dma_wait3A_956] : memref<100000x64xf32, #tpu.memory_space<hbm>> -> memref<128x64xf32, #tpu.memory_space<hbm>>
    tpu.wait_dma2 semaphore(%dma_wait3A_951 : memref<!tpu.dma_semaphore, #tpu.memory_space<semaphore_mem>>) src(%dma_wait3A_957 : memref<128x64xf32, #tpu.memory_space<hbm>>) dst(%dma_wait3A_955 : memref<128x64xf32, #tpu.memory_space<vmem>>)
    %dma_start3A_958 = arith.constant 11 : i32
    %dma_start3A_959 = arith.constant 11 : i32
    %dma_start3A_960 = arith.constant 0 : i32
    %dma_start3A_961 = arith.constant 0 : i32
    %dma_start3A_962 = tpu.memref_slice %arg6[%dma_start3A_958, %dma_start3A_960, %dma_start3A_961] : memref<12x128x64xf32, #tpu.memory_space<vmem>> -> memref<1x128x64xf32, #tpu.memory_space<vmem>>
    %dma_start3A_963 = tpu.memref_squeeze %dma_start3A_962 : memref<1x128x64xf32, #tpu.memory_space<vmem>> -> memref<128x64xf32, #tpu.memory_space<vmem>>
    %dma_start3A_964 = arith.constant 2944 : i32
    %dma_start3A_965 = tpu.memref_slice %arg5[%dma_start3A_964] : memref<3200xi32, #tpu.memory_space<vmem>> -> memref<128xi32, #tpu.memory_space<vmem>>
    %dma_start3A_966 = arith.constant 0 : i32
    %dma_start3A_967 = arith.constant 0 : i32
    %dma_start3A_968 = tpu.memref_slice %arg3[%dma_start3A_966, %dma_start3A_967] : memref<100000x64xf32, #tpu.memory_space<hbm>> -> memref<100000x64xf32, #tpu.memory_space<hbm>>
    %dma_start3A_969 = tpu.memref_slice %arg7[%dma_start3A_959] : memref<12x!tpu.dma_semaphore, #tpu.memory_space<semaphore_mem>> -> memref<1x!tpu.dma_semaphore, #tpu.memory_space<semaphore_mem>>
    %dma_start3A_970 = tpu.memref_squeeze %dma_start3A_969 : memref<1x!tpu.dma_semaphore, #tpu.memory_space<semaphore_mem>> -> memref<!tpu.dma_semaphore, #tpu.memory_space<semaphore_mem>>
    tpu.enqueue_indirect_dma source(%dma_start3A_968 : memref<100000x64xf32, #tpu.memory_space<hbm>>) target(%dma_start3A_963 : memref<128x64xf32, #tpu.memory_space<vmem>>) offsets(%dma_start3A_965 : memref<128xi32, #tpu.memory_space<vmem>>) semaphore(%dma_start3A_970 : memref<!tpu.dma_semaphore, #tpu.memory_space<semaphore_mem>>)
    %dma_wait3A_971 = arith.constant 3 : i32
    %dma_wait3A_972 = arith.constant 3 : i32
    %dma_wait3A_973 = arith.constant 0 : i32
    %dma_wait3A_974 = arith.constant 0 : i32
    %dma_wait3A_975 = tpu.memref_slice %arg6[%dma_wait3A_971, %dma_wait3A_973, %dma_wait3A_974] : memref<12x128x64xf32, #tpu.memory_space<vmem>> -> memref<1x128x64xf32, #tpu.memory_space<vmem>>
    %dma_wait3A_976 = tpu.memref_squeeze %dma_wait3A_975 : memref<1x128x64xf32, #tpu.memory_space<vmem>> -> memref<128x64xf32, #tpu.memory_space<vmem>>
    %dma_wait3A_977 = arith.constant 0 : i32
    %dma_wait3A_978 = tpu.memref_slice %arg5[%dma_wait3A_977] : memref<3200xi32, #tpu.memory_space<vmem>> -> memref<128xi32, #tpu.memory_space<vmem>>
    %dma_wait3A_979 = arith.constant 0 : i32
    %dma_wait3A_980 = arith.constant 0 : i32
    %dma_wait3A_981 = tpu.memref_slice %arg3[%dma_wait3A_979, %dma_wait3A_980] : memref<100000x64xf32, #tpu.memory_space<hbm>> -> memref<100000x64xf32, #tpu.memory_space<hbm>>
    %dma_wait3A_982 = tpu.memref_slice %arg7[%dma_wait3A_972] : memref<12x!tpu.dma_semaphore, #tpu.memory_space<semaphore_mem>> -> memref<1x!tpu.dma_semaphore, #tpu.memory_space<semaphore_mem>>
    %dma_wait3A_983 = tpu.memref_squeeze %dma_wait3A_982 : memref<1x!tpu.dma_semaphore, #tpu.memory_space<semaphore_mem>> -> memref<!tpu.dma_semaphore, #tpu.memory_space<semaphore_mem>>
    tpu.wait_indirect_dma semaphore(%dma_wait3A_983 : memref<!tpu.dma_semaphore, #tpu.memory_space<semaphore_mem>>) src(%dma_wait3A_981 : memref<100000x64xf32, #tpu.memory_space<hbm>>) dst(%dma_wait3A_976 : memref<128x64xf32, #tpu.memory_space<vmem>>)
    %add3A_984 = arith.constant 1920 : i32
    %add3A_985 = arith.addi %min3A_3, %add3A_984 : i32
    %dma_start3A_986 = arith.constant 3 : i32
    %dma_start3A_987 = arith.constant 3 : i32
    %dma_start3A_988 = arith.constant 0 : i32
    %dma_start3A_989 = arith.constant 0 : i32
    %dma_start3A_990 = tpu.memref_slice %arg6[%dma_start3A_986, %dma_start3A_988, %dma_start3A_989] : memref<12x128x64xf32, #tpu.memory_space<vmem>> -> memref<1x128x64xf32, #tpu.memory_space<vmem>>
    %dma_start3A_991 = tpu.memref_squeeze %dma_start3A_990 : memref<1x128x64xf32, #tpu.memory_space<vmem>> -> memref<128x64xf32, #tpu.memory_space<vmem>>
    %dma_start3A_992 = arith.constant 0 : i32
    %dma_start3A_993 = tpu.memref_slice %arg4[%add3A_985, %dma_start3A_992] : memref<100000x64xf32, #tpu.memory_space<hbm>> -> memref<128x64xf32, #tpu.memory_space<hbm>>
    %dma_start3A_994 = tpu.memref_slice %arg8[%dma_start3A_987] : memref<12x!tpu.dma_semaphore, #tpu.memory_space<semaphore_mem>> -> memref<1x!tpu.dma_semaphore, #tpu.memory_space<semaphore_mem>>
    %dma_start3A_995 = tpu.memref_squeeze %dma_start3A_994 : memref<1x!tpu.dma_semaphore, #tpu.memory_space<semaphore_mem>> -> memref<!tpu.dma_semaphore, #tpu.memory_space<semaphore_mem>>
    %dma_start3A_996 = arith.constant 0 : i32
    %dma_start3A_997 = tpu.memref_slice %arg4[%add3A_985, %dma_start3A_996] : memref<100000x64xf32, #tpu.memory_space<hbm>> -> memref<128x64xf32, #tpu.memory_space<hbm>>
    %dma_start3A_998 = arith.constant 0 : i32
    %dma_start3A_999 = arith.constant 0 : i32
    %dma_start3A_1000 = tpu.memref_slice %arg6[%dma_start3A_986, %dma_start3A_998, %dma_start3A_999] : memref<12x128x64xf32, #tpu.memory_space<vmem>> -> memref<1x128x64xf32, #tpu.memory_space<vmem>>
    %dma_start3A_1001 = tpu.memref_squeeze %dma_start3A_1000 : memref<1x128x64xf32, #tpu.memory_space<vmem>> -> memref<128x64xf32, #tpu.memory_space<vmem>>
    tpu.enqueue_dma source(%dma_start3A_1001 : memref<128x64xf32, #tpu.memory_space<vmem>>) target(%dma_start3A_997 : memref<128x64xf32, #tpu.memory_space<hbm>>) target_semaphore(%dma_start3A_995 : memref<!tpu.dma_semaphore, #tpu.memory_space<semaphore_mem>>)
    %dma_wait3A_1002 = arith.constant 0 : i32
    %dma_wait3A_1003 = arith.constant 0 : i32
    %dma_wait3A_1004 = arith.constant 0 : i32
    %dma_wait3A_1005 = arith.constant 0 : i32
    %dma_wait3A_1006 = tpu.memref_slice %arg6[%dma_wait3A_1002, %dma_wait3A_1004, %dma_wait3A_1005] : memref<12x128x64xf32, #tpu.memory_space<vmem>> -> memref<1x128x64xf32, #tpu.memory_space<vmem>>
    %dma_wait3A_1007 = tpu.memref_squeeze %dma_wait3A_1006 : memref<1x128x64xf32, #tpu.memory_space<vmem>> -> memref<128x64xf32, #tpu.memory_space<vmem>>
    %dma_wait3A_1008 = arith.constant 0 : i32
    %dma_wait3A_1009 = tpu.memref_slice %arg4[%min3A_3, %dma_wait3A_1008] : memref<100000x64xf32, #tpu.memory_space<hbm>> -> memref<128x64xf32, #tpu.memory_space<hbm>>
    %dma_wait3A_1010 = tpu.memref_slice %arg8[%dma_wait3A_1003] : memref<12x!tpu.dma_semaphore, #tpu.memory_space<semaphore_mem>> -> memref<1x!tpu.dma_semaphore, #tpu.memory_space<semaphore_mem>>
    %dma_wait3A_1011 = tpu.memref_squeeze %dma_wait3A_1010 : memref<1x!tpu.dma_semaphore, #tpu.memory_space<semaphore_mem>> -> memref<!tpu.dma_semaphore, #tpu.memory_space<semaphore_mem>>
    %dma_wait3A_1012 = arith.constant 0 : i32
    %dma_wait3A_1013 = arith.constant 0 : i32
    %dma_wait3A_1014 = tpu.memref_slice %arg6[%dma_wait3A_1002, %dma_wait3A_1012, %dma_wait3A_1013] : memref<12x128x64xf32, #tpu.memory_space<vmem>> -> memref<1x128x64xf32, #tpu.memory_space<vmem>>
    %dma_wait3A_1015 = tpu.memref_squeeze %dma_wait3A_1014 : memref<1x128x64xf32, #tpu.memory_space<vmem>> -> memref<128x64xf32, #tpu.memory_space<vmem>>
    %dma_wait3A_1016 = arith.constant 0 : i32
    %dma_wait3A_1017 = tpu.memref_slice %arg4[%min3A_3, %dma_wait3A_1016] : memref<100000x64xf32, #tpu.memory_space<hbm>> -> memref<128x64xf32, #tpu.memory_space<hbm>>
    tpu.wait_dma2 semaphore(%dma_wait3A_1011 : memref<!tpu.dma_semaphore, #tpu.memory_space<semaphore_mem>>) src(%dma_wait3A_1017 : memref<128x64xf32, #tpu.memory_space<hbm>>) dst(%dma_wait3A_1015 : memref<128x64xf32, #tpu.memory_space<vmem>>)
    %dma_start3A_1018 = arith.constant 0 : i32
    %dma_start3A_1019 = arith.constant 0 : i32
    %dma_start3A_1020 = arith.constant 0 : i32
    %dma_start3A_1021 = arith.constant 0 : i32
    %dma_start3A_1022 = tpu.memref_slice %arg6[%dma_start3A_1018, %dma_start3A_1020, %dma_start3A_1021] : memref<12x128x64xf32, #tpu.memory_space<vmem>> -> memref<1x128x64xf32, #tpu.memory_space<vmem>>
    %dma_start3A_1023 = tpu.memref_squeeze %dma_start3A_1022 : memref<1x128x64xf32, #tpu.memory_space<vmem>> -> memref<128x64xf32, #tpu.memory_space<vmem>>
    %dma_start3A_1024 = arith.constant 3072 : i32
    %dma_start3A_1025 = tpu.memref_slice %arg5[%dma_start3A_1024] : memref<3200xi32, #tpu.memory_space<vmem>> -> memref<128xi32, #tpu.memory_space<vmem>>
    %dma_start3A_1026 = arith.constant 0 : i32
    %dma_start3A_1027 = arith.constant 0 : i32
    %dma_start3A_1028 = tpu.memref_slice %arg3[%dma_start3A_1026, %dma_start3A_1027] : memref<100000x64xf32, #tpu.memory_space<hbm>> -> memref<100000x64xf32, #tpu.memory_space<hbm>>
    %dma_start3A_1029 = tpu.memref_slice %arg7[%dma_start3A_1019] : memref<12x!tpu.dma_semaphore, #tpu.memory_space<semaphore_mem>> -> memref<1x!tpu.dma_semaphore, #tpu.memory_space<semaphore_mem>>
    %dma_start3A_1030 = tpu.memref_squeeze %dma_start3A_1029 : memref<1x!tpu.dma_semaphore, #tpu.memory_space<semaphore_mem>> -> memref<!tpu.dma_semaphore, #tpu.memory_space<semaphore_mem>>
    tpu.enqueue_indirect_dma source(%dma_start3A_1028 : memref<100000x64xf32, #tpu.memory_space<hbm>>) target(%dma_start3A_1023 : memref<128x64xf32, #tpu.memory_space<vmem>>) offsets(%dma_start3A_1025 : memref<128xi32, #tpu.memory_space<vmem>>) semaphore(%dma_start3A_1030 : memref<!tpu.dma_semaphore, #tpu.memory_space<semaphore_mem>>)
    %dma_wait3A_1031 = arith.constant 4 : i32
    %dma_wait3A_1032 = arith.constant 4 : i32
    %dma_wait3A_1033 = arith.constant 0 : i32
    %dma_wait3A_1034 = arith.constant 0 : i32
    %dma_wait3A_1035 = tpu.memref_slice %arg6[%dma_wait3A_1031, %dma_wait3A_1033, %dma_wait3A_1034] : memref<12x128x64xf32, #tpu.memory_space<vmem>> -> memref<1x128x64xf32, #tpu.memory_space<vmem>>
    %dma_wait3A_1036 = tpu.memref_squeeze %dma_wait3A_1035 : memref<1x128x64xf32, #tpu.memory_space<vmem>> -> memref<128x64xf32, #tpu.memory_space<vmem>>
    %dma_wait3A_1037 = arith.constant 0 : i32
    %dma_wait3A_1038 = tpu.memref_slice %arg5[%dma_wait3A_1037] : memref<3200xi32, #tpu.memory_space<vmem>> -> memref<128xi32, #tpu.memory_space<vmem>>
    %dma_wait3A_1039 = arith.constant 0 : i32
    %dma_wait3A_1040 = arith.constant 0 : i32
    %dma_wait3A_1041 = tpu.memref_slice %arg3[%dma_wait3A_1039, %dma_wait3A_1040] : memref<100000x64xf32, #tpu.memory_space<hbm>> -> memref<100000x64xf32, #tpu.memory_space<hbm>>
    %dma_wait3A_1042 = tpu.memref_slice %arg7[%dma_wait3A_1032] : memref<12x!tpu.dma_semaphore, #tpu.memory_space<semaphore_mem>> -> memref<1x!tpu.dma_semaphore, #tpu.memory_space<semaphore_mem>>
    %dma_wait3A_1043 = tpu.memref_squeeze %dma_wait3A_1042 : memref<1x!tpu.dma_semaphore, #tpu.memory_space<semaphore_mem>> -> memref<!tpu.dma_semaphore, #tpu.memory_space<semaphore_mem>>
    tpu.wait_indirect_dma semaphore(%dma_wait3A_1043 : memref<!tpu.dma_semaphore, #tpu.memory_space<semaphore_mem>>) src(%dma_wait3A_1041 : memref<100000x64xf32, #tpu.memory_space<hbm>>) dst(%dma_wait3A_1036 : memref<128x64xf32, #tpu.memory_space<vmem>>)
    %add3A_1044 = arith.constant 2048 : i32
    %add3A_1045 = arith.addi %min3A_3, %add3A_1044 : i32
    %dma_start3A_1046 = arith.constant 4 : i32
    %dma_start3A_1047 = arith.constant 4 : i32
    %dma_start3A_1048 = arith.constant 0 : i32
    %dma_start3A_1049 = arith.constant 0 : i32
    %dma_start3A_1050 = tpu.memref_slice %arg6[%dma_start3A_1046, %dma_start3A_1048, %dma_start3A_1049] : memref<12x128x64xf32, #tpu.memory_space<vmem>> -> memref<1x128x64xf32, #tpu.memory_space<vmem>>
    %dma_start3A_1051 = tpu.memref_squeeze %dma_start3A_1050 : memref<1x128x64xf32, #tpu.memory_space<vmem>> -> memref<128x64xf32, #tpu.memory_space<vmem>>
    %dma_start3A_1052 = arith.constant 0 : i32
    %dma_start3A_1053 = tpu.memref_slice %arg4[%add3A_1045, %dma_start3A_1052] : memref<100000x64xf32, #tpu.memory_space<hbm>> -> memref<128x64xf32, #tpu.memory_space<hbm>>
    %dma_start3A_1054 = tpu.memref_slice %arg8[%dma_start3A_1047] : memref<12x!tpu.dma_semaphore, #tpu.memory_space<semaphore_mem>> -> memref<1x!tpu.dma_semaphore, #tpu.memory_space<semaphore_mem>>
    %dma_start3A_1055 = tpu.memref_squeeze %dma_start3A_1054 : memref<1x!tpu.dma_semaphore, #tpu.memory_space<semaphore_mem>> -> memref<!tpu.dma_semaphore, #tpu.memory_space<semaphore_mem>>
    %dma_start3A_1056 = arith.constant 0 : i32
    %dma_start3A_1057 = tpu.memref_slice %arg4[%add3A_1045, %dma_start3A_1056] : memref<100000x64xf32, #tpu.memory_space<hbm>> -> memref<128x64xf32, #tpu.memory_space<hbm>>
    %dma_start3A_1058 = arith.constant 0 : i32
    %dma_start3A_1059 = arith.constant 0 : i32
    %dma_start3A_1060 = tpu.memref_slice %arg6[%dma_start3A_1046, %dma_start3A_1058, %dma_start3A_1059] : memref<12x128x64xf32, #tpu.memory_space<vmem>> -> memref<1x128x64xf32, #tpu.memory_space<vmem>>
    %dma_start3A_1061 = tpu.memref_squeeze %dma_start3A_1060 : memref<1x128x64xf32, #tpu.memory_space<vmem>> -> memref<128x64xf32, #tpu.memory_space<vmem>>
    tpu.enqueue_dma source(%dma_start3A_1061 : memref<128x64xf32, #tpu.memory_space<vmem>>) target(%dma_start3A_1057 : memref<128x64xf32, #tpu.memory_space<hbm>>) target_semaphore(%dma_start3A_1055 : memref<!tpu.dma_semaphore, #tpu.memory_space<semaphore_mem>>)
    %dma_wait3A_1062 = arith.constant 5 : i32
    %dma_wait3A_1063 = arith.constant 5 : i32
    %dma_wait3A_1064 = arith.constant 0 : i32
    %dma_wait3A_1065 = arith.constant 0 : i32
    %dma_wait3A_1066 = tpu.memref_slice %arg6[%dma_wait3A_1062, %dma_wait3A_1064, %dma_wait3A_1065] : memref<12x128x64xf32, #tpu.memory_space<vmem>> -> memref<1x128x64xf32, #tpu.memory_space<vmem>>
    %dma_wait3A_1067 = tpu.memref_squeeze %dma_wait3A_1066 : memref<1x128x64xf32, #tpu.memory_space<vmem>> -> memref<128x64xf32, #tpu.memory_space<vmem>>
    %dma_wait3A_1068 = arith.constant 0 : i32
    %dma_wait3A_1069 = tpu.memref_slice %arg5[%dma_wait3A_1068] : memref<3200xi32, #tpu.memory_space<vmem>> -> memref<128xi32, #tpu.memory_space<vmem>>
    %dma_wait3A_1070 = arith.constant 0 : i32
    %dma_wait3A_1071 = arith.constant 0 : i32
    %dma_wait3A_1072 = tpu.memref_slice %arg3[%dma_wait3A_1070, %dma_wait3A_1071] : memref<100000x64xf32, #tpu.memory_space<hbm>> -> memref<100000x64xf32, #tpu.memory_space<hbm>>
    %dma_wait3A_1073 = tpu.memref_slice %arg7[%dma_wait3A_1063] : memref<12x!tpu.dma_semaphore, #tpu.memory_space<semaphore_mem>> -> memref<1x!tpu.dma_semaphore, #tpu.memory_space<semaphore_mem>>
    %dma_wait3A_1074 = tpu.memref_squeeze %dma_wait3A_1073 : memref<1x!tpu.dma_semaphore, #tpu.memory_space<semaphore_mem>> -> memref<!tpu.dma_semaphore, #tpu.memory_space<semaphore_mem>>
    tpu.wait_indirect_dma semaphore(%dma_wait3A_1074 : memref<!tpu.dma_semaphore, #tpu.memory_space<semaphore_mem>>) src(%dma_wait3A_1072 : memref<100000x64xf32, #tpu.memory_space<hbm>>) dst(%dma_wait3A_1067 : memref<128x64xf32, #tpu.memory_space<vmem>>)
    %add3A_1075 = arith.constant 2176 : i32
    %add3A_1076 = arith.addi %min3A_3, %add3A_1075 : i32
    %dma_start3A_1077 = arith.constant 5 : i32
    %dma_start3A_1078 = arith.constant 5 : i32
    %dma_start3A_1079 = arith.constant 0 : i32
    %dma_start3A_1080 = arith.constant 0 : i32
    %dma_start3A_1081 = tpu.memref_slice %arg6[%dma_start3A_1077, %dma_start3A_1079, %dma_start3A_1080] : memref<12x128x64xf32, #tpu.memory_space<vmem>> -> memref<1x128x64xf32, #tpu.memory_space<vmem>>
    %dma_start3A_1082 = tpu.memref_squeeze %dma_start3A_1081 : memref<1x128x64xf32, #tpu.memory_space<vmem>> -> memref<128x64xf32, #tpu.memory_space<vmem>>
    %dma_start3A_1083 = arith.constant 0 : i32
    %dma_start3A_1084 = tpu.memref_slice %arg4[%add3A_1076, %dma_start3A_1083] : memref<100000x64xf32, #tpu.memory_space<hbm>> -> memref<128x64xf32, #tpu.memory_space<hbm>>
    %dma_start3A_1085 = tpu.memref_slice %arg8[%dma_start3A_1078] : memref<12x!tpu.dma_semaphore, #tpu.memory_space<semaphore_mem>> -> memref<1x!tpu.dma_semaphore, #tpu.memory_space<semaphore_mem>>
    %dma_start3A_1086 = tpu.memref_squeeze %dma_start3A_1085 : memref<1x!tpu.dma_semaphore, #tpu.memory_space<semaphore_mem>> -> memref<!tpu.dma_semaphore, #tpu.memory_space<semaphore_mem>>
    %dma_start3A_1087 = arith.constant 0 : i32
    %dma_start3A_1088 = tpu.memref_slice %arg4[%add3A_1076, %dma_start3A_1087] : memref<100000x64xf32, #tpu.memory_space<hbm>> -> memref<128x64xf32, #tpu.memory_space<hbm>>
    %dma_start3A_1089 = arith.constant 0 : i32
    %dma_start3A_1090 = arith.constant 0 : i32
    %dma_start3A_1091 = tpu.memref_slice %arg6[%dma_start3A_1077, %dma_start3A_1089, %dma_start3A_1090] : memref<12x128x64xf32, #tpu.memory_space<vmem>> -> memref<1x128x64xf32, #tpu.memory_space<vmem>>
    %dma_start3A_1092 = tpu.memref_squeeze %dma_start3A_1091 : memref<1x128x64xf32, #tpu.memory_space<vmem>> -> memref<128x64xf32, #tpu.memory_space<vmem>>
    tpu.enqueue_dma source(%dma_start3A_1092 : memref<128x64xf32, #tpu.memory_space<vmem>>) target(%dma_start3A_1088 : memref<128x64xf32, #tpu.memory_space<hbm>>) target_semaphore(%dma_start3A_1086 : memref<!tpu.dma_semaphore, #tpu.memory_space<semaphore_mem>>)
    %dma_wait3A_1093 = arith.constant 6 : i32
    %dma_wait3A_1094 = arith.constant 6 : i32
    %dma_wait3A_1095 = arith.constant 0 : i32
    %dma_wait3A_1096 = arith.constant 0 : i32
    %dma_wait3A_1097 = tpu.memref_slice %arg6[%dma_wait3A_1093, %dma_wait3A_1095, %dma_wait3A_1096] : memref<12x128x64xf32, #tpu.memory_space<vmem>> -> memref<1x128x64xf32, #tpu.memory_space<vmem>>
    %dma_wait3A_1098 = tpu.memref_squeeze %dma_wait3A_1097 : memref<1x128x64xf32, #tpu.memory_space<vmem>> -> memref<128x64xf32, #tpu.memory_space<vmem>>
    %dma_wait3A_1099 = arith.constant 0 : i32
    %dma_wait3A_1100 = tpu.memref_slice %arg5[%dma_wait3A_1099] : memref<3200xi32, #tpu.memory_space<vmem>> -> memref<128xi32, #tpu.memory_space<vmem>>
    %dma_wait3A_1101 = arith.constant 0 : i32
    %dma_wait3A_1102 = arith.constant 0 : i32
    %dma_wait3A_1103 = tpu.memref_slice %arg3[%dma_wait3A_1101, %dma_wait3A_1102] : memref<100000x64xf32, #tpu.memory_space<hbm>> -> memref<100000x64xf32, #tpu.memory_space<hbm>>
    %dma_wait3A_1104 = tpu.memref_slice %arg7[%dma_wait3A_1094] : memref<12x!tpu.dma_semaphore, #tpu.memory_space<semaphore_mem>> -> memref<1x!tpu.dma_semaphore, #tpu.memory_space<semaphore_mem>>
    %dma_wait3A_1105 = tpu.memref_squeeze %dma_wait3A_1104 : memref<1x!tpu.dma_semaphore, #tpu.memory_space<semaphore_mem>> -> memref<!tpu.dma_semaphore, #tpu.memory_space<semaphore_mem>>
    tpu.wait_indirect_dma semaphore(%dma_wait3A_1105 : memref<!tpu.dma_semaphore, #tpu.memory_space<semaphore_mem>>) src(%dma_wait3A_1103 : memref<100000x64xf32, #tpu.memory_space<hbm>>) dst(%dma_wait3A_1098 : memref<128x64xf32, #tpu.memory_space<vmem>>)
    %add3A_1106 = arith.constant 2304 : i32
    %add3A_1107 = arith.addi %min3A_3, %add3A_1106 : i32
    %dma_start3A_1108 = arith.constant 6 : i32
    %dma_start3A_1109 = arith.constant 6 : i32
    %dma_start3A_1110 = arith.constant 0 : i32
    %dma_start3A_1111 = arith.constant 0 : i32
    %dma_start3A_1112 = tpu.memref_slice %arg6[%dma_start3A_1108, %dma_start3A_1110, %dma_start3A_1111] : memref<12x128x64xf32, #tpu.memory_space<vmem>> -> memref<1x128x64xf32, #tpu.memory_space<vmem>>
    %dma_start3A_1113 = tpu.memref_squeeze %dma_start3A_1112 : memref<1x128x64xf32, #tpu.memory_space<vmem>> -> memref<128x64xf32, #tpu.memory_space<vmem>>
    %dma_start3A_1114 = arith.constant 0 : i32
    %dma_start3A_1115 = tpu.memref_slice %arg4[%add3A_1107, %dma_start3A_1114] : memref<100000x64xf32, #tpu.memory_space<hbm>> -> memref<128x64xf32, #tpu.memory_space<hbm>>
    %dma_start3A_1116 = tpu.memref_slice %arg8[%dma_start3A_1109] : memref<12x!tpu.dma_semaphore, #tpu.memory_space<semaphore_mem>> -> memref<1x!tpu.dma_semaphore, #tpu.memory_space<semaphore_mem>>
    %dma_start3A_1117 = tpu.memref_squeeze %dma_start3A_1116 : memref<1x!tpu.dma_semaphore, #tpu.memory_space<semaphore_mem>> -> memref<!tpu.dma_semaphore, #tpu.memory_space<semaphore_mem>>
    %dma_start3A_1118 = arith.constant 0 : i32
    %dma_start3A_1119 = tpu.memref_slice %arg4[%add3A_1107, %dma_start3A_1118] : memref<100000x64xf32, #tpu.memory_space<hbm>> -> memref<128x64xf32, #tpu.memory_space<hbm>>
    %dma_start3A_1120 = arith.constant 0 : i32
    %dma_start3A_1121 = arith.constant 0 : i32
    %dma_start3A_1122 = tpu.memref_slice %arg6[%dma_start3A_1108, %dma_start3A_1120, %dma_start3A_1121] : memref<12x128x64xf32, #tpu.memory_space<vmem>> -> memref<1x128x64xf32, #tpu.memory_space<vmem>>
    %dma_start3A_1123 = tpu.memref_squeeze %dma_start3A_1122 : memref<1x128x64xf32, #tpu.memory_space<vmem>> -> memref<128x64xf32, #tpu.memory_space<vmem>>
    tpu.enqueue_dma source(%dma_start3A_1123 : memref<128x64xf32, #tpu.memory_space<vmem>>) target(%dma_start3A_1119 : memref<128x64xf32, #tpu.memory_space<hbm>>) target_semaphore(%dma_start3A_1117 : memref<!tpu.dma_semaphore, #tpu.memory_space<semaphore_mem>>)
    %dma_wait3A_1124 = arith.constant 7 : i32
    %dma_wait3A_1125 = arith.constant 7 : i32
    %dma_wait3A_1126 = arith.constant 0 : i32
    %dma_wait3A_1127 = arith.constant 0 : i32
    %dma_wait3A_1128 = tpu.memref_slice %arg6[%dma_wait3A_1124, %dma_wait3A_1126, %dma_wait3A_1127] : memref<12x128x64xf32, #tpu.memory_space<vmem>> -> memref<1x128x64xf32, #tpu.memory_space<vmem>>
    %dma_wait3A_1129 = tpu.memref_squeeze %dma_wait3A_1128 : memref<1x128x64xf32, #tpu.memory_space<vmem>> -> memref<128x64xf32, #tpu.memory_space<vmem>>
    %dma_wait3A_1130 = arith.constant 0 : i32
    %dma_wait3A_1131 = tpu.memref_slice %arg5[%dma_wait3A_1130] : memref<3200xi32, #tpu.memory_space<vmem>> -> memref<128xi32, #tpu.memory_space<vmem>>
    %dma_wait3A_1132 = arith.constant 0 : i32
    %dma_wait3A_1133 = arith.constant 0 : i32
    %dma_wait3A_1134 = tpu.memref_slice %arg3[%dma_wait3A_1132, %dma_wait3A_1133] : memref<100000x64xf32, #tpu.memory_space<hbm>> -> memref<100000x64xf32, #tpu.memory_space<hbm>>
    %dma_wait3A_1135 = tpu.memref_slice %arg7[%dma_wait3A_1125] : memref<12x!tpu.dma_semaphore, #tpu.memory_space<semaphore_mem>> -> memref<1x!tpu.dma_semaphore, #tpu.memory_space<semaphore_mem>>
    %dma_wait3A_1136 = tpu.memref_squeeze %dma_wait3A_1135 : memref<1x!tpu.dma_semaphore, #tpu.memory_space<semaphore_mem>> -> memref<!tpu.dma_semaphore, #tpu.memory_space<semaphore_mem>>
    tpu.wait_indirect_dma semaphore(%dma_wait3A_1136 : memref<!tpu.dma_semaphore, #tpu.memory_space<semaphore_mem>>) src(%dma_wait3A_1134 : memref<100000x64xf32, #tpu.memory_space<hbm>>) dst(%dma_wait3A_1129 : memref<128x64xf32, #tpu.memory_space<vmem>>)
    %add3A_1137 = arith.constant 2432 : i32
    %add3A_1138 = arith.addi %min3A_3, %add3A_1137 : i32
    %dma_start3A_1139 = arith.constant 7 : i32
    %dma_start3A_1140 = arith.constant 7 : i32
    %dma_start3A_1141 = arith.constant 0 : i32
    %dma_start3A_1142 = arith.constant 0 : i32
    %dma_start3A_1143 = tpu.memref_slice %arg6[%dma_start3A_1139, %dma_start3A_1141, %dma_start3A_1142] : memref<12x128x64xf32, #tpu.memory_space<vmem>> -> memref<1x128x64xf32, #tpu.memory_space<vmem>>
    %dma_start3A_1144 = tpu.memref_squeeze %dma_start3A_1143 : memref<1x128x64xf32, #tpu.memory_space<vmem>> -> memref<128x64xf32, #tpu.memory_space<vmem>>
    %dma_start3A_1145 = arith.constant 0 : i32
    %dma_start3A_1146 = tpu.memref_slice %arg4[%add3A_1138, %dma_start3A_1145] : memref<100000x64xf32, #tpu.memory_space<hbm>> -> memref<128x64xf32, #tpu.memory_space<hbm>>
    %dma_start3A_1147 = tpu.memref_slice %arg8[%dma_start3A_1140] : memref<12x!tpu.dma_semaphore, #tpu.memory_space<semaphore_mem>> -> memref<1x!tpu.dma_semaphore, #tpu.memory_space<semaphore_mem>>
    %dma_start3A_1148 = tpu.memref_squeeze %dma_start3A_1147 : memref<1x!tpu.dma_semaphore, #tpu.memory_space<semaphore_mem>> -> memref<!tpu.dma_semaphore, #tpu.memory_space<semaphore_mem>>
    %dma_start3A_1149 = arith.constant 0 : i32
    %dma_start3A_1150 = tpu.memref_slice %arg4[%add3A_1138, %dma_start3A_1149] : memref<100000x64xf32, #tpu.memory_space<hbm>> -> memref<128x64xf32, #tpu.memory_space<hbm>>
    %dma_start3A_1151 = arith.constant 0 : i32
    %dma_start3A_1152 = arith.constant 0 : i32
    %dma_start3A_1153 = tpu.memref_slice %arg6[%dma_start3A_1139, %dma_start3A_1151, %dma_start3A_1152] : memref<12x128x64xf32, #tpu.memory_space<vmem>> -> memref<1x128x64xf32, #tpu.memory_space<vmem>>
    %dma_start3A_1154 = tpu.memref_squeeze %dma_start3A_1153 : memref<1x128x64xf32, #tpu.memory_space<vmem>> -> memref<128x64xf32, #tpu.memory_space<vmem>>
    tpu.enqueue_dma source(%dma_start3A_1154 : memref<128x64xf32, #tpu.memory_space<vmem>>) target(%dma_start3A_1150 : memref<128x64xf32, #tpu.memory_space<hbm>>) target_semaphore(%dma_start3A_1148 : memref<!tpu.dma_semaphore, #tpu.memory_space<semaphore_mem>>)
    %dma_wait3A_1155 = arith.constant 8 : i32
    %dma_wait3A_1156 = arith.constant 8 : i32
    %dma_wait3A_1157 = arith.constant 0 : i32
    %dma_wait3A_1158 = arith.constant 0 : i32
    %dma_wait3A_1159 = tpu.memref_slice %arg6[%dma_wait3A_1155, %dma_wait3A_1157, %dma_wait3A_1158] : memref<12x128x64xf32, #tpu.memory_space<vmem>> -> memref<1x128x64xf32, #tpu.memory_space<vmem>>
    %dma_wait3A_1160 = tpu.memref_squeeze %dma_wait3A_1159 : memref<1x128x64xf32, #tpu.memory_space<vmem>> -> memref<128x64xf32, #tpu.memory_space<vmem>>
    %dma_wait3A_1161 = arith.constant 0 : i32
    %dma_wait3A_1162 = tpu.memref_slice %arg5[%dma_wait3A_1161] : memref<3200xi32, #tpu.memory_space<vmem>> -> memref<128xi32, #tpu.memory_space<vmem>>
    %dma_wait3A_1163 = arith.constant 0 : i32
    %dma_wait3A_1164 = arith.constant 0 : i32
    %dma_wait3A_1165 = tpu.memref_slice %arg3[%dma_wait3A_1163, %dma_wait3A_1164] : memref<100000x64xf32, #tpu.memory_space<hbm>> -> memref<100000x64xf32, #tpu.memory_space<hbm>>
    %dma_wait3A_1166 = tpu.memref_slice %arg7[%dma_wait3A_1156] : memref<12x!tpu.dma_semaphore, #tpu.memory_space<semaphore_mem>> -> memref<1x!tpu.dma_semaphore, #tpu.memory_space<semaphore_mem>>
    %dma_wait3A_1167 = tpu.memref_squeeze %dma_wait3A_1166 : memref<1x!tpu.dma_semaphore, #tpu.memory_space<semaphore_mem>> -> memref<!tpu.dma_semaphore, #tpu.memory_space<semaphore_mem>>
    tpu.wait_indirect_dma semaphore(%dma_wait3A_1167 : memref<!tpu.dma_semaphore, #tpu.memory_space<semaphore_mem>>) src(%dma_wait3A_1165 : memref<100000x64xf32, #tpu.memory_space<hbm>>) dst(%dma_wait3A_1160 : memref<128x64xf32, #tpu.memory_space<vmem>>)
    %add3A_1168 = arith.constant 2560 : i32
    %add3A_1169 = arith.addi %min3A_3, %add3A_1168 : i32
    %dma_start3A_1170 = arith.constant 8 : i32
    %dma_start3A_1171 = arith.constant 8 : i32
    %dma_start3A_1172 = arith.constant 0 : i32
    %dma_start3A_1173 = arith.constant 0 : i32
    %dma_start3A_1174 = tpu.memref_slice %arg6[%dma_start3A_1170, %dma_start3A_1172, %dma_start3A_1173] : memref<12x128x64xf32, #tpu.memory_space<vmem>> -> memref<1x128x64xf32, #tpu.memory_space<vmem>>
    %dma_start3A_1175 = tpu.memref_squeeze %dma_start3A_1174 : memref<1x128x64xf32, #tpu.memory_space<vmem>> -> memref<128x64xf32, #tpu.memory_space<vmem>>
    %dma_start3A_1176 = arith.constant 0 : i32
    %dma_start3A_1177 = tpu.memref_slice %arg4[%add3A_1169, %dma_start3A_1176] : memref<100000x64xf32, #tpu.memory_space<hbm>> -> memref<128x64xf32, #tpu.memory_space<hbm>>
    %dma_start3A_1178 = tpu.memref_slice %arg8[%dma_start3A_1171] : memref<12x!tpu.dma_semaphore, #tpu.memory_space<semaphore_mem>> -> memref<1x!tpu.dma_semaphore, #tpu.memory_space<semaphore_mem>>
    %dma_start3A_1179 = tpu.memref_squeeze %dma_start3A_1178 : memref<1x!tpu.dma_semaphore, #tpu.memory_space<semaphore_mem>> -> memref<!tpu.dma_semaphore, #tpu.memory_space<semaphore_mem>>
    %dma_start3A_1180 = arith.constant 0 : i32
    %dma_start3A_1181 = tpu.memref_slice %arg4[%add3A_1169, %dma_start3A_1180] : memref<100000x64xf32, #tpu.memory_space<hbm>> -> memref<128x64xf32, #tpu.memory_space<hbm>>
    %dma_start3A_1182 = arith.constant 0 : i32
    %dma_start3A_1183 = arith.constant 0 : i32
    %dma_start3A_1184 = tpu.memref_slice %arg6[%dma_start3A_1170, %dma_start3A_1182, %dma_start3A_1183] : memref<12x128x64xf32, #tpu.memory_space<vmem>> -> memref<1x128x64xf32, #tpu.memory_space<vmem>>
    %dma_start3A_1185 = tpu.memref_squeeze %dma_start3A_1184 : memref<1x128x64xf32, #tpu.memory_space<vmem>> -> memref<128x64xf32, #tpu.memory_space<vmem>>
    tpu.enqueue_dma source(%dma_start3A_1185 : memref<128x64xf32, #tpu.memory_space<vmem>>) target(%dma_start3A_1181 : memref<128x64xf32, #tpu.memory_space<hbm>>) target_semaphore(%dma_start3A_1179 : memref<!tpu.dma_semaphore, #tpu.memory_space<semaphore_mem>>)
    %dma_wait3A_1186 = arith.constant 9 : i32
    %dma_wait3A_1187 = arith.constant 9 : i32
    %dma_wait3A_1188 = arith.constant 0 : i32
    %dma_wait3A_1189 = arith.constant 0 : i32
    %dma_wait3A_1190 = tpu.memref_slice %arg6[%dma_wait3A_1186, %dma_wait3A_1188, %dma_wait3A_1189] : memref<12x128x64xf32, #tpu.memory_space<vmem>> -> memref<1x128x64xf32, #tpu.memory_space<vmem>>
    %dma_wait3A_1191 = tpu.memref_squeeze %dma_wait3A_1190 : memref<1x128x64xf32, #tpu.memory_space<vmem>> -> memref<128x64xf32, #tpu.memory_space<vmem>>
    %dma_wait3A_1192 = arith.constant 0 : i32
    %dma_wait3A_1193 = tpu.memref_slice %arg5[%dma_wait3A_1192] : memref<3200xi32, #tpu.memory_space<vmem>> -> memref<128xi32, #tpu.memory_space<vmem>>
    %dma_wait3A_1194 = arith.constant 0 : i32
    %dma_wait3A_1195 = arith.constant 0 : i32
    %dma_wait3A_1196 = tpu.memref_slice %arg3[%dma_wait3A_1194, %dma_wait3A_1195] : memref<100000x64xf32, #tpu.memory_space<hbm>> -> memref<100000x64xf32, #tpu.memory_space<hbm>>
    %dma_wait3A_1197 = tpu.memref_slice %arg7[%dma_wait3A_1187] : memref<12x!tpu.dma_semaphore, #tpu.memory_space<semaphore_mem>> -> memref<1x!tpu.dma_semaphore, #tpu.memory_space<semaphore_mem>>
    %dma_wait3A_1198 = tpu.memref_squeeze %dma_wait3A_1197 : memref<1x!tpu.dma_semaphore, #tpu.memory_space<semaphore_mem>> -> memref<!tpu.dma_semaphore, #tpu.memory_space<semaphore_mem>>
    tpu.wait_indirect_dma semaphore(%dma_wait3A_1198 : memref<!tpu.dma_semaphore, #tpu.memory_space<semaphore_mem>>) src(%dma_wait3A_1196 : memref<100000x64xf32, #tpu.memory_space<hbm>>) dst(%dma_wait3A_1191 : memref<128x64xf32, #tpu.memory_space<vmem>>)
    %add3A_1199 = arith.constant 2688 : i32
    %add3A_1200 = arith.addi %min3A_3, %add3A_1199 : i32
    %dma_start3A_1201 = arith.constant 9 : i32
    %dma_start3A_1202 = arith.constant 9 : i32
    %dma_start3A_1203 = arith.constant 0 : i32
    %dma_start3A_1204 = arith.constant 0 : i32
    %dma_start3A_1205 = tpu.memref_slice %arg6[%dma_start3A_1201, %dma_start3A_1203, %dma_start3A_1204] : memref<12x128x64xf32, #tpu.memory_space<vmem>> -> memref<1x128x64xf32, #tpu.memory_space<vmem>>
    %dma_start3A_1206 = tpu.memref_squeeze %dma_start3A_1205 : memref<1x128x64xf32, #tpu.memory_space<vmem>> -> memref<128x64xf32, #tpu.memory_space<vmem>>
    %dma_start3A_1207 = arith.constant 0 : i32
    %dma_start3A_1208 = tpu.memref_slice %arg4[%add3A_1200, %dma_start3A_1207] : memref<100000x64xf32, #tpu.memory_space<hbm>> -> memref<128x64xf32, #tpu.memory_space<hbm>>
    %dma_start3A_1209 = tpu.memref_slice %arg8[%dma_start3A_1202] : memref<12x!tpu.dma_semaphore, #tpu.memory_space<semaphore_mem>> -> memref<1x!tpu.dma_semaphore, #tpu.memory_space<semaphore_mem>>
    %dma_start3A_1210 = tpu.memref_squeeze %dma_start3A_1209 : memref<1x!tpu.dma_semaphore, #tpu.memory_space<semaphore_mem>> -> memref<!tpu.dma_semaphore, #tpu.memory_space<semaphore_mem>>
    %dma_start3A_1211 = arith.constant 0 : i32
    %dma_start3A_1212 = tpu.memref_slice %arg4[%add3A_1200, %dma_start3A_1211] : memref<100000x64xf32, #tpu.memory_space<hbm>> -> memref<128x64xf32, #tpu.memory_space<hbm>>
    %dma_start3A_1213 = arith.constant 0 : i32
    %dma_start3A_1214 = arith.constant 0 : i32
    %dma_start3A_1215 = tpu.memref_slice %arg6[%dma_start3A_1201, %dma_start3A_1213, %dma_start3A_1214] : memref<12x128x64xf32, #tpu.memory_space<vmem>> -> memref<1x128x64xf32, #tpu.memory_space<vmem>>
    %dma_start3A_1216 = tpu.memref_squeeze %dma_start3A_1215 : memref<1x128x64xf32, #tpu.memory_space<vmem>> -> memref<128x64xf32, #tpu.memory_space<vmem>>
    tpu.enqueue_dma source(%dma_start3A_1216 : memref<128x64xf32, #tpu.memory_space<vmem>>) target(%dma_start3A_1212 : memref<128x64xf32, #tpu.memory_space<hbm>>) target_semaphore(%dma_start3A_1210 : memref<!tpu.dma_semaphore, #tpu.memory_space<semaphore_mem>>)
    %dma_wait3A_1217 = arith.constant 10 : i32
    %dma_wait3A_1218 = arith.constant 10 : i32
    %dma_wait3A_1219 = arith.constant 0 : i32
    %dma_wait3A_1220 = arith.constant 0 : i32
    %dma_wait3A_1221 = tpu.memref_slice %arg6[%dma_wait3A_1217, %dma_wait3A_1219, %dma_wait3A_1220] : memref<12x128x64xf32, #tpu.memory_space<vmem>> -> memref<1x128x64xf32, #tpu.memory_space<vmem>>
    %dma_wait3A_1222 = tpu.memref_squeeze %dma_wait3A_1221 : memref<1x128x64xf32, #tpu.memory_space<vmem>> -> memref<128x64xf32, #tpu.memory_space<vmem>>
    %dma_wait3A_1223 = arith.constant 0 : i32
    %dma_wait3A_1224 = tpu.memref_slice %arg5[%dma_wait3A_1223] : memref<3200xi32, #tpu.memory_space<vmem>> -> memref<128xi32, #tpu.memory_space<vmem>>
    %dma_wait3A_1225 = arith.constant 0 : i32
    %dma_wait3A_1226 = arith.constant 0 : i32
    %dma_wait3A_1227 = tpu.memref_slice %arg3[%dma_wait3A_1225, %dma_wait3A_1226] : memref<100000x64xf32, #tpu.memory_space<hbm>> -> memref<100000x64xf32, #tpu.memory_space<hbm>>
    %dma_wait3A_1228 = tpu.memref_slice %arg7[%dma_wait3A_1218] : memref<12x!tpu.dma_semaphore, #tpu.memory_space<semaphore_mem>> -> memref<1x!tpu.dma_semaphore, #tpu.memory_space<semaphore_mem>>
    %dma_wait3A_1229 = tpu.memref_squeeze %dma_wait3A_1228 : memref<1x!tpu.dma_semaphore, #tpu.memory_space<semaphore_mem>> -> memref<!tpu.dma_semaphore, #tpu.memory_space<semaphore_mem>>
    tpu.wait_indirect_dma semaphore(%dma_wait3A_1229 : memref<!tpu.dma_semaphore, #tpu.memory_space<semaphore_mem>>) src(%dma_wait3A_1227 : memref<100000x64xf32, #tpu.memory_space<hbm>>) dst(%dma_wait3A_1222 : memref<128x64xf32, #tpu.memory_space<vmem>>)
    %add3A_1230 = arith.constant 2816 : i32
    %add3A_1231 = arith.addi %min3A_3, %add3A_1230 : i32
    %dma_start3A_1232 = arith.constant 10 : i32
    %dma_start3A_1233 = arith.constant 10 : i32
    %dma_start3A_1234 = arith.constant 0 : i32
    %dma_start3A_1235 = arith.constant 0 : i32
    %dma_start3A_1236 = tpu.memref_slice %arg6[%dma_start3A_1232, %dma_start3A_1234, %dma_start3A_1235] : memref<12x128x64xf32, #tpu.memory_space<vmem>> -> memref<1x128x64xf32, #tpu.memory_space<vmem>>
    %dma_start3A_1237 = tpu.memref_squeeze %dma_start3A_1236 : memref<1x128x64xf32, #tpu.memory_space<vmem>> -> memref<128x64xf32, #tpu.memory_space<vmem>>
    %dma_start3A_1238 = arith.constant 0 : i32
    %dma_start3A_1239 = tpu.memref_slice %arg4[%add3A_1231, %dma_start3A_1238] : memref<100000x64xf32, #tpu.memory_space<hbm>> -> memref<128x64xf32, #tpu.memory_space<hbm>>
    %dma_start3A_1240 = tpu.memref_slice %arg8[%dma_start3A_1233] : memref<12x!tpu.dma_semaphore, #tpu.memory_space<semaphore_mem>> -> memref<1x!tpu.dma_semaphore, #tpu.memory_space<semaphore_mem>>
    %dma_start3A_1241 = tpu.memref_squeeze %dma_start3A_1240 : memref<1x!tpu.dma_semaphore, #tpu.memory_space<semaphore_mem>> -> memref<!tpu.dma_semaphore, #tpu.memory_space<semaphore_mem>>
    %dma_start3A_1242 = arith.constant 0 : i32
    %dma_start3A_1243 = tpu.memref_slice %arg4[%add3A_1231, %dma_start3A_1242] : memref<100000x64xf32, #tpu.memory_space<hbm>> -> memref<128x64xf32, #tpu.memory_space<hbm>>
    %dma_start3A_1244 = arith.constant 0 : i32
    %dma_start3A_1245 = arith.constant 0 : i32
    %dma_start3A_1246 = tpu.memref_slice %arg6[%dma_start3A_1232, %dma_start3A_1244, %dma_start3A_1245] : memref<12x128x64xf32, #tpu.memory_space<vmem>> -> memref<1x128x64xf32, #tpu.memory_space<vmem>>
    %dma_start3A_1247 = tpu.memref_squeeze %dma_start3A_1246 : memref<1x128x64xf32, #tpu.memory_space<vmem>> -> memref<128x64xf32, #tpu.memory_space<vmem>>
    tpu.enqueue_dma source(%dma_start3A_1247 : memref<128x64xf32, #tpu.memory_space<vmem>>) target(%dma_start3A_1243 : memref<128x64xf32, #tpu.memory_space<hbm>>) target_semaphore(%dma_start3A_1241 : memref<!tpu.dma_semaphore, #tpu.memory_space<semaphore_mem>>)
    %dma_wait3A_1248 = arith.constant 11 : i32
    %dma_wait3A_1249 = arith.constant 11 : i32
    %dma_wait3A_1250 = arith.constant 0 : i32
    %dma_wait3A_1251 = arith.constant 0 : i32
    %dma_wait3A_1252 = tpu.memref_slice %arg6[%dma_wait3A_1248, %dma_wait3A_1250, %dma_wait3A_1251] : memref<12x128x64xf32, #tpu.memory_space<vmem>> -> memref<1x128x64xf32, #tpu.memory_space<vmem>>
    %dma_wait3A_1253 = tpu.memref_squeeze %dma_wait3A_1252 : memref<1x128x64xf32, #tpu.memory_space<vmem>> -> memref<128x64xf32, #tpu.memory_space<vmem>>
    %dma_wait3A_1254 = arith.constant 0 : i32
    %dma_wait3A_1255 = tpu.memref_slice %arg5[%dma_wait3A_1254] : memref<3200xi32, #tpu.memory_space<vmem>> -> memref<128xi32, #tpu.memory_space<vmem>>
    %dma_wait3A_1256 = arith.constant 0 : i32
    %dma_wait3A_1257 = arith.constant 0 : i32
    %dma_wait3A_1258 = tpu.memref_slice %arg3[%dma_wait3A_1256, %dma_wait3A_1257] : memref<100000x64xf32, #tpu.memory_space<hbm>> -> memref<100000x64xf32, #tpu.memory_space<hbm>>
    %dma_wait3A_1259 = tpu.memref_slice %arg7[%dma_wait3A_1249] : memref<12x!tpu.dma_semaphore, #tpu.memory_space<semaphore_mem>> -> memref<1x!tpu.dma_semaphore, #tpu.memory_space<semaphore_mem>>
    %dma_wait3A_1260 = tpu.memref_squeeze %dma_wait3A_1259 : memref<1x!tpu.dma_semaphore, #tpu.memory_space<semaphore_mem>> -> memref<!tpu.dma_semaphore, #tpu.memory_space<semaphore_mem>>
    tpu.wait_indirect_dma semaphore(%dma_wait3A_1260 : memref<!tpu.dma_semaphore, #tpu.memory_space<semaphore_mem>>) src(%dma_wait3A_1258 : memref<100000x64xf32, #tpu.memory_space<hbm>>) dst(%dma_wait3A_1253 : memref<128x64xf32, #tpu.memory_space<vmem>>)
    %add3A_1261 = arith.constant 2944 : i32
    %add3A_1262 = arith.addi %min3A_3, %add3A_1261 : i32
    %dma_start3A_1263 = arith.constant 11 : i32
    %dma_start3A_1264 = arith.constant 11 : i32
    %dma_start3A_1265 = arith.constant 0 : i32
    %dma_start3A_1266 = arith.constant 0 : i32
    %dma_start3A_1267 = tpu.memref_slice %arg6[%dma_start3A_1263, %dma_start3A_1265, %dma_start3A_1266] : memref<12x128x64xf32, #tpu.memory_space<vmem>> -> memref<1x128x64xf32, #tpu.memory_space<vmem>>
    %dma_start3A_1268 = tpu.memref_squeeze %dma_start3A_1267 : memref<1x128x64xf32, #tpu.memory_space<vmem>> -> memref<128x64xf32, #tpu.memory_space<vmem>>
    %dma_start3A_1269 = arith.constant 0 : i32
    %dma_start3A_1270 = tpu.memref_slice %arg4[%add3A_1262, %dma_start3A_1269] : memref<100000x64xf32, #tpu.memory_space<hbm>> -> memref<128x64xf32, #tpu.memory_space<hbm>>
    %dma_start3A_1271 = tpu.memref_slice %arg8[%dma_start3A_1264] : memref<12x!tpu.dma_semaphore, #tpu.memory_space<semaphore_mem>> -> memref<1x!tpu.dma_semaphore, #tpu.memory_space<semaphore_mem>>
    %dma_start3A_1272 = tpu.memref_squeeze %dma_start3A_1271 : memref<1x!tpu.dma_semaphore, #tpu.memory_space<semaphore_mem>> -> memref<!tpu.dma_semaphore, #tpu.memory_space<semaphore_mem>>
    %dma_start3A_1273 = arith.constant 0 : i32
    %dma_start3A_1274 = tpu.memref_slice %arg4[%add3A_1262, %dma_start3A_1273] : memref<100000x64xf32, #tpu.memory_space<hbm>> -> memref<128x64xf32, #tpu.memory_space<hbm>>
    %dma_start3A_1275 = arith.constant 0 : i32
    %dma_start3A_1276 = arith.constant 0 : i32
    %dma_start3A_1277 = tpu.memref_slice %arg6[%dma_start3A_1263, %dma_start3A_1275, %dma_start3A_1276] : memref<12x128x64xf32, #tpu.memory_space<vmem>> -> memref<1x128x64xf32, #tpu.memory_space<vmem>>
    %dma_start3A_1278 = tpu.memref_squeeze %dma_start3A_1277 : memref<1x128x64xf32, #tpu.memory_space<vmem>> -> memref<128x64xf32, #tpu.memory_space<vmem>>
    tpu.enqueue_dma source(%dma_start3A_1278 : memref<128x64xf32, #tpu.memory_space<vmem>>) target(%dma_start3A_1274 : memref<128x64xf32, #tpu.memory_space<hbm>>) target_semaphore(%dma_start3A_1272 : memref<!tpu.dma_semaphore, #tpu.memory_space<semaphore_mem>>)
    %dma_wait3A_1279 = arith.constant 0 : i32
    %dma_wait3A_1280 = arith.constant 0 : i32
    %dma_wait3A_1281 = arith.constant 0 : i32
    %dma_wait3A_1282 = arith.constant 0 : i32
    %dma_wait3A_1283 = tpu.memref_slice %arg6[%dma_wait3A_1279, %dma_wait3A_1281, %dma_wait3A_1282] : memref<12x128x64xf32, #tpu.memory_space<vmem>> -> memref<1x128x64xf32, #tpu.memory_space<vmem>>
    %dma_wait3A_1284 = tpu.memref_squeeze %dma_wait3A_1283 : memref<1x128x64xf32, #tpu.memory_space<vmem>> -> memref<128x64xf32, #tpu.memory_space<vmem>>
    %dma_wait3A_1285 = arith.constant 0 : i32
    %dma_wait3A_1286 = tpu.memref_slice %arg5[%dma_wait3A_1285] : memref<3200xi32, #tpu.memory_space<vmem>> -> memref<128xi32, #tpu.memory_space<vmem>>
    %dma_wait3A_1287 = arith.constant 0 : i32
    %dma_wait3A_1288 = arith.constant 0 : i32
    %dma_wait3A_1289 = tpu.memref_slice %arg3[%dma_wait3A_1287, %dma_wait3A_1288] : memref<100000x64xf32, #tpu.memory_space<hbm>> -> memref<100000x64xf32, #tpu.memory_space<hbm>>
    %dma_wait3A_1290 = tpu.memref_slice %arg7[%dma_wait3A_1280] : memref<12x!tpu.dma_semaphore, #tpu.memory_space<semaphore_mem>> -> memref<1x!tpu.dma_semaphore, #tpu.memory_space<semaphore_mem>>
    %dma_wait3A_1291 = tpu.memref_squeeze %dma_wait3A_1290 : memref<1x!tpu.dma_semaphore, #tpu.memory_space<semaphore_mem>> -> memref<!tpu.dma_semaphore, #tpu.memory_space<semaphore_mem>>
    tpu.wait_indirect_dma semaphore(%dma_wait3A_1291 : memref<!tpu.dma_semaphore, #tpu.memory_space<semaphore_mem>>) src(%dma_wait3A_1289 : memref<100000x64xf32, #tpu.memory_space<hbm>>) dst(%dma_wait3A_1284 : memref<128x64xf32, #tpu.memory_space<vmem>>)
    %add3A_1292 = arith.constant 3072 : i32
    %add3A_1293 = arith.addi %min3A_3, %add3A_1292 : i32
    %dma_start3A_1294 = arith.constant 0 : i32
    %dma_start3A_1295 = arith.constant 0 : i32
    %dma_start3A_1296 = arith.constant 0 : i32
    %dma_start3A_1297 = arith.constant 0 : i32
    %dma_start3A_1298 = tpu.memref_slice %arg6[%dma_start3A_1294, %dma_start3A_1296, %dma_start3A_1297] : memref<12x128x64xf32, #tpu.memory_space<vmem>> -> memref<1x128x64xf32, #tpu.memory_space<vmem>>
    %dma_start3A_1299 = tpu.memref_squeeze %dma_start3A_1298 : memref<1x128x64xf32, #tpu.memory_space<vmem>> -> memref<128x64xf32, #tpu.memory_space<vmem>>
    %dma_start3A_1300 = arith.constant 0 : i32
    %dma_start3A_1301 = tpu.memref_slice %arg4[%add3A_1293, %dma_start3A_1300] : memref<100000x64xf32, #tpu.memory_space<hbm>> -> memref<128x64xf32, #tpu.memory_space<hbm>>
    %dma_start3A_1302 = tpu.memref_slice %arg8[%dma_start3A_1295] : memref<12x!tpu.dma_semaphore, #tpu.memory_space<semaphore_mem>> -> memref<1x!tpu.dma_semaphore, #tpu.memory_space<semaphore_mem>>
    %dma_start3A_1303 = tpu.memref_squeeze %dma_start3A_1302 : memref<1x!tpu.dma_semaphore, #tpu.memory_space<semaphore_mem>> -> memref<!tpu.dma_semaphore, #tpu.memory_space<semaphore_mem>>
    %dma_start3A_1304 = arith.constant 0 : i32
    %dma_start3A_1305 = tpu.memref_slice %arg4[%add3A_1293, %dma_start3A_1304] : memref<100000x64xf32, #tpu.memory_space<hbm>> -> memref<128x64xf32, #tpu.memory_space<hbm>>
    %dma_start3A_1306 = arith.constant 0 : i32
    %dma_start3A_1307 = arith.constant 0 : i32
    %dma_start3A_1308 = tpu.memref_slice %arg6[%dma_start3A_1294, %dma_start3A_1306, %dma_start3A_1307] : memref<12x128x64xf32, #tpu.memory_space<vmem>> -> memref<1x128x64xf32, #tpu.memory_space<vmem>>
    %dma_start3A_1309 = tpu.memref_squeeze %dma_start3A_1308 : memref<1x128x64xf32, #tpu.memory_space<vmem>> -> memref<128x64xf32, #tpu.memory_space<vmem>>
    tpu.enqueue_dma source(%dma_start3A_1309 : memref<128x64xf32, #tpu.memory_space<vmem>>) target(%dma_start3A_1305 : memref<128x64xf32, #tpu.memory_space<hbm>>) target_semaphore(%dma_start3A_1303 : memref<!tpu.dma_semaphore, #tpu.memory_space<semaphore_mem>>)
    %dma_wait3A_1310 = arith.constant 1 : i32
    %dma_wait3A_1311 = arith.constant 1 : i32
    %dma_wait3A_1312 = arith.constant 0 : i32
    %dma_wait3A_1313 = arith.constant 0 : i32
    %dma_wait3A_1314 = tpu.memref_slice %arg6[%dma_wait3A_1310, %dma_wait3A_1312, %dma_wait3A_1313] : memref<12x128x64xf32, #tpu.memory_space<vmem>> -> memref<1x128x64xf32, #tpu.memory_space<vmem>>
    %dma_wait3A_1315 = tpu.memref_squeeze %dma_wait3A_1314 : memref<1x128x64xf32, #tpu.memory_space<vmem>> -> memref<128x64xf32, #tpu.memory_space<vmem>>
    %dma_wait3A_1316 = arith.constant 0 : i32
    %dma_wait3A_1317 = tpu.memref_slice %arg4[%min3A_3, %dma_wait3A_1316] : memref<100000x64xf32, #tpu.memory_space<hbm>> -> memref<128x64xf32, #tpu.memory_space<hbm>>
    %dma_wait3A_1318 = tpu.memref_slice %arg8[%dma_wait3A_1311] : memref<12x!tpu.dma_semaphore, #tpu.memory_space<semaphore_mem>> -> memref<1x!tpu.dma_semaphore, #tpu.memory_space<semaphore_mem>>
    %dma_wait3A_1319 = tpu.memref_squeeze %dma_wait3A_1318 : memref<1x!tpu.dma_semaphore, #tpu.memory_space<semaphore_mem>> -> memref<!tpu.dma_semaphore, #tpu.memory_space<semaphore_mem>>
    %dma_wait3A_1320 = arith.constant 0 : i32
    %dma_wait3A_1321 = arith.constant 0 : i32
    %dma_wait3A_1322 = tpu.memref_slice %arg6[%dma_wait3A_1310, %dma_wait3A_1320, %dma_wait3A_1321] : memref<12x128x64xf32, #tpu.memory_space<vmem>> -> memref<1x128x64xf32, #tpu.memory_space<vmem>>
    %dma_wait3A_1323 = tpu.memref_squeeze %dma_wait3A_1322 : memref<1x128x64xf32, #tpu.memory_space<vmem>> -> memref<128x64xf32, #tpu.memory_space<vmem>>
    %dma_wait3A_1324 = arith.constant 0 : i32
    %dma_wait3A_1325 = tpu.memref_slice %arg4[%min3A_3, %dma_wait3A_1324] : memref<100000x64xf32, #tpu.memory_space<hbm>> -> memref<128x64xf32, #tpu.memory_space<hbm>>
    tpu.wait_dma2 semaphore(%dma_wait3A_1319 : memref<!tpu.dma_semaphore, #tpu.memory_space<semaphore_mem>>) src(%dma_wait3A_1325 : memref<128x64xf32, #tpu.memory_space<hbm>>) dst(%dma_wait3A_1323 : memref<128x64xf32, #tpu.memory_space<vmem>>)
    %dma_wait3A_1326 = arith.constant 2 : i32
    %dma_wait3A_1327 = arith.constant 2 : i32
    %dma_wait3A_1328 = arith.constant 0 : i32
    %dma_wait3A_1329 = arith.constant 0 : i32
    %dma_wait3A_1330 = tpu.memref_slice %arg6[%dma_wait3A_1326, %dma_wait3A_1328, %dma_wait3A_1329] : memref<12x128x64xf32, #tpu.memory_space<vmem>> -> memref<1x128x64xf32, #tpu.memory_space<vmem>>
    %dma_wait3A_1331 = tpu.memref_squeeze %dma_wait3A_1330 : memref<1x128x64xf32, #tpu.memory_space<vmem>> -> memref<128x64xf32, #tpu.memory_space<vmem>>
    %dma_wait3A_1332 = arith.constant 0 : i32
    %dma_wait3A_1333 = tpu.memref_slice %arg4[%min3A_3, %dma_wait3A_1332] : memref<100000x64xf32, #tpu.memory_space<hbm>> -> memref<128x64xf32, #tpu.memory_space<hbm>>
    %dma_wait3A_1334 = tpu.memref_slice %arg8[%dma_wait3A_1327] : memref<12x!tpu.dma_semaphore, #tpu.memory_space<semaphore_mem>> -> memref<1x!tpu.dma_semaphore, #tpu.memory_space<semaphore_mem>>
    %dma_wait3A_1335 = tpu.memref_squeeze %dma_wait3A_1334 : memref<1x!tpu.dma_semaphore, #tpu.memory_space<semaphore_mem>> -> memref<!tpu.dma_semaphore, #tpu.memory_space<semaphore_mem>>
    %dma_wait3A_1336 = arith.constant 0 : i32
    %dma_wait3A_1337 = arith.constant 0 : i32
    %dma_wait3A_1338 = tpu.memref_slice %arg6[%dma_wait3A_1326, %dma_wait3A_1336, %dma_wait3A_1337] : memref<12x128x64xf32, #tpu.memory_space<vmem>> -> memref<1x128x64xf32, #tpu.memory_space<vmem>>
    %dma_wait3A_1339 = tpu.memref_squeeze %dma_wait3A_1338 : memref<1x128x64xf32, #tpu.memory_space<vmem>> -> memref<128x64xf32, #tpu.memory_space<vmem>>
    %dma_wait3A_1340 = arith.constant 0 : i32
    %dma_wait3A_1341 = tpu.memref_slice %arg4[%min3A_3, %dma_wait3A_1340] : memref<100000x64xf32, #tpu.memory_space<hbm>> -> memref<128x64xf32, #tpu.memory_space<hbm>>
    tpu.wait_dma2 semaphore(%dma_wait3A_1335 : memref<!tpu.dma_semaphore, #tpu.memory_space<semaphore_mem>>) src(%dma_wait3A_1341 : memref<128x64xf32, #tpu.memory_space<hbm>>) dst(%dma_wait3A_1339 : memref<128x64xf32, #tpu.memory_space<vmem>>)
    %dma_wait3A_1342 = arith.constant 3 : i32
    %dma_wait3A_1343 = arith.constant 3 : i32
    %dma_wait3A_1344 = arith.constant 0 : i32
    %dma_wait3A_1345 = arith.constant 0 : i32
    %dma_wait3A_1346 = tpu.memref_slice %arg6[%dma_wait3A_1342, %dma_wait3A_1344, %dma_wait3A_1345] : memref<12x128x64xf32, #tpu.memory_space<vmem>> -> memref<1x128x64xf32, #tpu.memory_space<vmem>>
    %dma_wait3A_1347 = tpu.memref_squeeze %dma_wait3A_1346 : memref<1x128x64xf32, #tpu.memory_space<vmem>> -> memref<128x64xf32, #tpu.memory_space<vmem>>
    %dma_wait3A_1348 = arith.constant 0 : i32
    %dma_wait3A_1349 = tpu.memref_slice %arg4[%min3A_3, %dma_wait3A_1348] : memref<100000x64xf32, #tpu.memory_space<hbm>> -> memref<128x64xf32, #tpu.memory_space<hbm>>
    %dma_wait3A_1350 = tpu.memref_slice %arg8[%dma_wait3A_1343] : memref<12x!tpu.dma_semaphore, #tpu.memory_space<semaphore_mem>> -> memref<1x!tpu.dma_semaphore, #tpu.memory_space<semaphore_mem>>
    %dma_wait3A_1351 = tpu.memref_squeeze %dma_wait3A_1350 : memref<1x!tpu.dma_semaphore, #tpu.memory_space<semaphore_mem>> -> memref<!tpu.dma_semaphore, #tpu.memory_space<semaphore_mem>>
    %dma_wait3A_1352 = arith.constant 0 : i32
    %dma_wait3A_1353 = arith.constant 0 : i32
    %dma_wait3A_1354 = tpu.memref_slice %arg6[%dma_wait3A_1342, %dma_wait3A_1352, %dma_wait3A_1353] : memref<12x128x64xf32, #tpu.memory_space<vmem>> -> memref<1x128x64xf32, #tpu.memory_space<vmem>>
    %dma_wait3A_1355 = tpu.memref_squeeze %dma_wait3A_1354 : memref<1x128x64xf32, #tpu.memory_space<vmem>> -> memref<128x64xf32, #tpu.memory_space<vmem>>
    %dma_wait3A_1356 = arith.constant 0 : i32
    %dma_wait3A_1357 = tpu.memref_slice %arg4[%min3A_3, %dma_wait3A_1356] : memref<100000x64xf32, #tpu.memory_space<hbm>> -> memref<128x64xf32, #tpu.memory_space<hbm>>
    tpu.wait_dma2 semaphore(%dma_wait3A_1351 : memref<!tpu.dma_semaphore, #tpu.memory_space<semaphore_mem>>) src(%dma_wait3A_1357 : memref<128x64xf32, #tpu.memory_space<hbm>>) dst(%dma_wait3A_1355 : memref<128x64xf32, #tpu.memory_space<vmem>>)
    %dma_wait3A_1358 = arith.constant 4 : i32
    %dma_wait3A_1359 = arith.constant 4 : i32
    %dma_wait3A_1360 = arith.constant 0 : i32
    %dma_wait3A_1361 = arith.constant 0 : i32
    %dma_wait3A_1362 = tpu.memref_slice %arg6[%dma_wait3A_1358, %dma_wait3A_1360, %dma_wait3A_1361] : memref<12x128x64xf32, #tpu.memory_space<vmem>> -> memref<1x128x64xf32, #tpu.memory_space<vmem>>
    %dma_wait3A_1363 = tpu.memref_squeeze %dma_wait3A_1362 : memref<1x128x64xf32, #tpu.memory_space<vmem>> -> memref<128x64xf32, #tpu.memory_space<vmem>>
    %dma_wait3A_1364 = arith.constant 0 : i32
    %dma_wait3A_1365 = tpu.memref_slice %arg4[%min3A_3, %dma_wait3A_1364] : memref<100000x64xf32, #tpu.memory_space<hbm>> -> memref<128x64xf32, #tpu.memory_space<hbm>>
    %dma_wait3A_1366 = tpu.memref_slice %arg8[%dma_wait3A_1359] : memref<12x!tpu.dma_semaphore, #tpu.memory_space<semaphore_mem>> -> memref<1x!tpu.dma_semaphore, #tpu.memory_space<semaphore_mem>>
    %dma_wait3A_1367 = tpu.memref_squeeze %dma_wait3A_1366 : memref<1x!tpu.dma_semaphore, #tpu.memory_space<semaphore_mem>> -> memref<!tpu.dma_semaphore, #tpu.memory_space<semaphore_mem>>
    %dma_wait3A_1368 = arith.constant 0 : i32
    %dma_wait3A_1369 = arith.constant 0 : i32
    %dma_wait3A_1370 = tpu.memref_slice %arg6[%dma_wait3A_1358, %dma_wait3A_1368, %dma_wait3A_1369] : memref<12x128x64xf32, #tpu.memory_space<vmem>> -> memref<1x128x64xf32, #tpu.memory_space<vmem>>
    %dma_wait3A_1371 = tpu.memref_squeeze %dma_wait3A_1370 : memref<1x128x64xf32, #tpu.memory_space<vmem>> -> memref<128x64xf32, #tpu.memory_space<vmem>>
    %dma_wait3A_1372 = arith.constant 0 : i32
    %dma_wait3A_1373 = tpu.memref_slice %arg4[%min3A_3, %dma_wait3A_1372] : memref<100000x64xf32, #tpu.memory_space<hbm>> -> memref<128x64xf32, #tpu.memory_space<hbm>>
    tpu.wait_dma2 semaphore(%dma_wait3A_1367 : memref<!tpu.dma_semaphore, #tpu.memory_space<semaphore_mem>>) src(%dma_wait3A_1373 : memref<128x64xf32, #tpu.memory_space<hbm>>) dst(%dma_wait3A_1371 : memref<128x64xf32, #tpu.memory_space<vmem>>)
    %dma_wait3A_1374 = arith.constant 5 : i32
    %dma_wait3A_1375 = arith.constant 5 : i32
    %dma_wait3A_1376 = arith.constant 0 : i32
    %dma_wait3A_1377 = arith.constant 0 : i32
    %dma_wait3A_1378 = tpu.memref_slice %arg6[%dma_wait3A_1374, %dma_wait3A_1376, %dma_wait3A_1377] : memref<12x128x64xf32, #tpu.memory_space<vmem>> -> memref<1x128x64xf32, #tpu.memory_space<vmem>>
    %dma_wait3A_1379 = tpu.memref_squeeze %dma_wait3A_1378 : memref<1x128x64xf32, #tpu.memory_space<vmem>> -> memref<128x64xf32, #tpu.memory_space<vmem>>
    %dma_wait3A_1380 = arith.constant 0 : i32
    %dma_wait3A_1381 = tpu.memref_slice %arg4[%min3A_3, %dma_wait3A_1380] : memref<100000x64xf32, #tpu.memory_space<hbm>> -> memref<128x64xf32, #tpu.memory_space<hbm>>
    %dma_wait3A_1382 = tpu.memref_slice %arg8[%dma_wait3A_1375] : memref<12x!tpu.dma_semaphore, #tpu.memory_space<semaphore_mem>> -> memref<1x!tpu.dma_semaphore, #tpu.memory_space<semaphore_mem>>
    %dma_wait3A_1383 = tpu.memref_squeeze %dma_wait3A_1382 : memref<1x!tpu.dma_semaphore, #tpu.memory_space<semaphore_mem>> -> memref<!tpu.dma_semaphore, #tpu.memory_space<semaphore_mem>>
    %dma_wait3A_1384 = arith.constant 0 : i32
    %dma_wait3A_1385 = arith.constant 0 : i32
    %dma_wait3A_1386 = tpu.memref_slice %arg6[%dma_wait3A_1374, %dma_wait3A_1384, %dma_wait3A_1385] : memref<12x128x64xf32, #tpu.memory_space<vmem>> -> memref<1x128x64xf32, #tpu.memory_space<vmem>>
    %dma_wait3A_1387 = tpu.memref_squeeze %dma_wait3A_1386 : memref<1x128x64xf32, #tpu.memory_space<vmem>> -> memref<128x64xf32, #tpu.memory_space<vmem>>
    %dma_wait3A_1388 = arith.constant 0 : i32
    %dma_wait3A_1389 = tpu.memref_slice %arg4[%min3A_3, %dma_wait3A_1388] : memref<100000x64xf32, #tpu.memory_space<hbm>> -> memref<128x64xf32, #tpu.memory_space<hbm>>
    tpu.wait_dma2 semaphore(%dma_wait3A_1383 : memref<!tpu.dma_semaphore, #tpu.memory_space<semaphore_mem>>) src(%dma_wait3A_1389 : memref<128x64xf32, #tpu.memory_space<hbm>>) dst(%dma_wait3A_1387 : memref<128x64xf32, #tpu.memory_space<vmem>>)
    %dma_wait3A_1390 = arith.constant 6 : i32
    %dma_wait3A_1391 = arith.constant 6 : i32
    %dma_wait3A_1392 = arith.constant 0 : i32
    %dma_wait3A_1393 = arith.constant 0 : i32
    %dma_wait3A_1394 = tpu.memref_slice %arg6[%dma_wait3A_1390, %dma_wait3A_1392, %dma_wait3A_1393] : memref<12x128x64xf32, #tpu.memory_space<vmem>> -> memref<1x128x64xf32, #tpu.memory_space<vmem>>
    %dma_wait3A_1395 = tpu.memref_squeeze %dma_wait3A_1394 : memref<1x128x64xf32, #tpu.memory_space<vmem>> -> memref<128x64xf32, #tpu.memory_space<vmem>>
    %dma_wait3A_1396 = arith.constant 0 : i32
    %dma_wait3A_1397 = tpu.memref_slice %arg4[%min3A_3, %dma_wait3A_1396] : memref<100000x64xf32, #tpu.memory_space<hbm>> -> memref<128x64xf32, #tpu.memory_space<hbm>>
    %dma_wait3A_1398 = tpu.memref_slice %arg8[%dma_wait3A_1391] : memref<12x!tpu.dma_semaphore, #tpu.memory_space<semaphore_mem>> -> memref<1x!tpu.dma_semaphore, #tpu.memory_space<semaphore_mem>>
    %dma_wait3A_1399 = tpu.memref_squeeze %dma_wait3A_1398 : memref<1x!tpu.dma_semaphore, #tpu.memory_space<semaphore_mem>> -> memref<!tpu.dma_semaphore, #tpu.memory_space<semaphore_mem>>
    %dma_wait3A_1400 = arith.constant 0 : i32
    %dma_wait3A_1401 = arith.constant 0 : i32
    %dma_wait3A_1402 = tpu.memref_slice %arg6[%dma_wait3A_1390, %dma_wait3A_1400, %dma_wait3A_1401] : memref<12x128x64xf32, #tpu.memory_space<vmem>> -> memref<1x128x64xf32, #tpu.memory_space<vmem>>
    %dma_wait3A_1403 = tpu.memref_squeeze %dma_wait3A_1402 : memref<1x128x64xf32, #tpu.memory_space<vmem>> -> memref<128x64xf32, #tpu.memory_space<vmem>>
    %dma_wait3A_1404 = arith.constant 0 : i32
    %dma_wait3A_1405 = tpu.memref_slice %arg4[%min3A_3, %dma_wait3A_1404] : memref<100000x64xf32, #tpu.memory_space<hbm>> -> memref<128x64xf32, #tpu.memory_space<hbm>>
    tpu.wait_dma2 semaphore(%dma_wait3A_1399 : memref<!tpu.dma_semaphore, #tpu.memory_space<semaphore_mem>>) src(%dma_wait3A_1405 : memref<128x64xf32, #tpu.memory_space<hbm>>) dst(%dma_wait3A_1403 : memref<128x64xf32, #tpu.memory_space<vmem>>)
    %dma_wait3A_1406 = arith.constant 7 : i32
    %dma_wait3A_1407 = arith.constant 7 : i32
    %dma_wait3A_1408 = arith.constant 0 : i32
    %dma_wait3A_1409 = arith.constant 0 : i32
    %dma_wait3A_1410 = tpu.memref_slice %arg6[%dma_wait3A_1406, %dma_wait3A_1408, %dma_wait3A_1409] : memref<12x128x64xf32, #tpu.memory_space<vmem>> -> memref<1x128x64xf32, #tpu.memory_space<vmem>>
    %dma_wait3A_1411 = tpu.memref_squeeze %dma_wait3A_1410 : memref<1x128x64xf32, #tpu.memory_space<vmem>> -> memref<128x64xf32, #tpu.memory_space<vmem>>
    %dma_wait3A_1412 = arith.constant 0 : i32
    %dma_wait3A_1413 = tpu.memref_slice %arg4[%min3A_3, %dma_wait3A_1412] : memref<100000x64xf32, #tpu.memory_space<hbm>> -> memref<128x64xf32, #tpu.memory_space<hbm>>
    %dma_wait3A_1414 = tpu.memref_slice %arg8[%dma_wait3A_1407] : memref<12x!tpu.dma_semaphore, #tpu.memory_space<semaphore_mem>> -> memref<1x!tpu.dma_semaphore, #tpu.memory_space<semaphore_mem>>
    %dma_wait3A_1415 = tpu.memref_squeeze %dma_wait3A_1414 : memref<1x!tpu.dma_semaphore, #tpu.memory_space<semaphore_mem>> -> memref<!tpu.dma_semaphore, #tpu.memory_space<semaphore_mem>>
    %dma_wait3A_1416 = arith.constant 0 : i32
    %dma_wait3A_1417 = arith.constant 0 : i32
    %dma_wait3A_1418 = tpu.memref_slice %arg6[%dma_wait3A_1406, %dma_wait3A_1416, %dma_wait3A_1417] : memref<12x128x64xf32, #tpu.memory_space<vmem>> -> memref<1x128x64xf32, #tpu.memory_space<vmem>>
    %dma_wait3A_1419 = tpu.memref_squeeze %dma_wait3A_1418 : memref<1x128x64xf32, #tpu.memory_space<vmem>> -> memref<128x64xf32, #tpu.memory_space<vmem>>
    %dma_wait3A_1420 = arith.constant 0 : i32
    %dma_wait3A_1421 = tpu.memref_slice %arg4[%min3A_3, %dma_wait3A_1420] : memref<100000x64xf32, #tpu.memory_space<hbm>> -> memref<128x64xf32, #tpu.memory_space<hbm>>
    tpu.wait_dma2 semaphore(%dma_wait3A_1415 : memref<!tpu.dma_semaphore, #tpu.memory_space<semaphore_mem>>) src(%dma_wait3A_1421 : memref<128x64xf32, #tpu.memory_space<hbm>>) dst(%dma_wait3A_1419 : memref<128x64xf32, #tpu.memory_space<vmem>>)
    %dma_wait3A_1422 = arith.constant 8 : i32
    %dma_wait3A_1423 = arith.constant 8 : i32
    %dma_wait3A_1424 = arith.constant 0 : i32
    %dma_wait3A_1425 = arith.constant 0 : i32
    %dma_wait3A_1426 = tpu.memref_slice %arg6[%dma_wait3A_1422, %dma_wait3A_1424, %dma_wait3A_1425] : memref<12x128x64xf32, #tpu.memory_space<vmem>> -> memref<1x128x64xf32, #tpu.memory_space<vmem>>
    %dma_wait3A_1427 = tpu.memref_squeeze %dma_wait3A_1426 : memref<1x128x64xf32, #tpu.memory_space<vmem>> -> memref<128x64xf32, #tpu.memory_space<vmem>>
    %dma_wait3A_1428 = arith.constant 0 : i32
    %dma_wait3A_1429 = tpu.memref_slice %arg4[%min3A_3, %dma_wait3A_1428] : memref<100000x64xf32, #tpu.memory_space<hbm>> -> memref<128x64xf32, #tpu.memory_space<hbm>>
    %dma_wait3A_1430 = tpu.memref_slice %arg8[%dma_wait3A_1423] : memref<12x!tpu.dma_semaphore, #tpu.memory_space<semaphore_mem>> -> memref<1x!tpu.dma_semaphore, #tpu.memory_space<semaphore_mem>>
    %dma_wait3A_1431 = tpu.memref_squeeze %dma_wait3A_1430 : memref<1x!tpu.dma_semaphore, #tpu.memory_space<semaphore_mem>> -> memref<!tpu.dma_semaphore, #tpu.memory_space<semaphore_mem>>
    %dma_wait3A_1432 = arith.constant 0 : i32
    %dma_wait3A_1433 = arith.constant 0 : i32
    %dma_wait3A_1434 = tpu.memref_slice %arg6[%dma_wait3A_1422, %dma_wait3A_1432, %dma_wait3A_1433] : memref<12x128x64xf32, #tpu.memory_space<vmem>> -> memref<1x128x64xf32, #tpu.memory_space<vmem>>
    %dma_wait3A_1435 = tpu.memref_squeeze %dma_wait3A_1434 : memref<1x128x64xf32, #tpu.memory_space<vmem>> -> memref<128x64xf32, #tpu.memory_space<vmem>>
    %dma_wait3A_1436 = arith.constant 0 : i32
    %dma_wait3A_1437 = tpu.memref_slice %arg4[%min3A_3, %dma_wait3A_1436] : memref<100000x64xf32, #tpu.memory_space<hbm>> -> memref<128x64xf32, #tpu.memory_space<hbm>>
    tpu.wait_dma2 semaphore(%dma_wait3A_1431 : memref<!tpu.dma_semaphore, #tpu.memory_space<semaphore_mem>>) src(%dma_wait3A_1437 : memref<128x64xf32, #tpu.memory_space<hbm>>) dst(%dma_wait3A_1435 : memref<128x64xf32, #tpu.memory_space<vmem>>)
    %dma_wait3A_1438 = arith.constant 9 : i32
    %dma_wait3A_1439 = arith.constant 9 : i32
    %dma_wait3A_1440 = arith.constant 0 : i32
    %dma_wait3A_1441 = arith.constant 0 : i32
    %dma_wait3A_1442 = tpu.memref_slice %arg6[%dma_wait3A_1438, %dma_wait3A_1440, %dma_wait3A_1441] : memref<12x128x64xf32, #tpu.memory_space<vmem>> -> memref<1x128x64xf32, #tpu.memory_space<vmem>>
    %dma_wait3A_1443 = tpu.memref_squeeze %dma_wait3A_1442 : memref<1x128x64xf32, #tpu.memory_space<vmem>> -> memref<128x64xf32, #tpu.memory_space<vmem>>
    %dma_wait3A_1444 = arith.constant 0 : i32
    %dma_wait3A_1445 = tpu.memref_slice %arg4[%min3A_3, %dma_wait3A_1444] : memref<100000x64xf32, #tpu.memory_space<hbm>> -> memref<128x64xf32, #tpu.memory_space<hbm>>
    %dma_wait3A_1446 = tpu.memref_slice %arg8[%dma_wait3A_1439] : memref<12x!tpu.dma_semaphore, #tpu.memory_space<semaphore_mem>> -> memref<1x!tpu.dma_semaphore, #tpu.memory_space<semaphore_mem>>
    %dma_wait3A_1447 = tpu.memref_squeeze %dma_wait3A_1446 : memref<1x!tpu.dma_semaphore, #tpu.memory_space<semaphore_mem>> -> memref<!tpu.dma_semaphore, #tpu.memory_space<semaphore_mem>>
    %dma_wait3A_1448 = arith.constant 0 : i32
    %dma_wait3A_1449 = arith.constant 0 : i32
    %dma_wait3A_1450 = tpu.memref_slice %arg6[%dma_wait3A_1438, %dma_wait3A_1448, %dma_wait3A_1449] : memref<12x128x64xf32, #tpu.memory_space<vmem>> -> memref<1x128x64xf32, #tpu.memory_space<vmem>>
    %dma_wait3A_1451 = tpu.memref_squeeze %dma_wait3A_1450 : memref<1x128x64xf32, #tpu.memory_space<vmem>> -> memref<128x64xf32, #tpu.memory_space<vmem>>
    %dma_wait3A_1452 = arith.constant 0 : i32
    %dma_wait3A_1453 = tpu.memref_slice %arg4[%min3A_3, %dma_wait3A_1452] : memref<100000x64xf32, #tpu.memory_space<hbm>> -> memref<128x64xf32, #tpu.memory_space<hbm>>
    tpu.wait_dma2 semaphore(%dma_wait3A_1447 : memref<!tpu.dma_semaphore, #tpu.memory_space<semaphore_mem>>) src(%dma_wait3A_1453 : memref<128x64xf32, #tpu.memory_space<hbm>>) dst(%dma_wait3A_1451 : memref<128x64xf32, #tpu.memory_space<vmem>>)
    %dma_wait3A_1454 = arith.constant 10 : i32
    %dma_wait3A_1455 = arith.constant 10 : i32
    %dma_wait3A_1456 = arith.constant 0 : i32
    %dma_wait3A_1457 = arith.constant 0 : i32
    %dma_wait3A_1458 = tpu.memref_slice %arg6[%dma_wait3A_1454, %dma_wait3A_1456, %dma_wait3A_1457] : memref<12x128x64xf32, #tpu.memory_space<vmem>> -> memref<1x128x64xf32, #tpu.memory_space<vmem>>
    %dma_wait3A_1459 = tpu.memref_squeeze %dma_wait3A_1458 : memref<1x128x64xf32, #tpu.memory_space<vmem>> -> memref<128x64xf32, #tpu.memory_space<vmem>>
    %dma_wait3A_1460 = arith.constant 0 : i32
    %dma_wait3A_1461 = tpu.memref_slice %arg4[%min3A_3, %dma_wait3A_1460] : memref<100000x64xf32, #tpu.memory_space<hbm>> -> memref<128x64xf32, #tpu.memory_space<hbm>>
    %dma_wait3A_1462 = tpu.memref_slice %arg8[%dma_wait3A_1455] : memref<12x!tpu.dma_semaphore, #tpu.memory_space<semaphore_mem>> -> memref<1x!tpu.dma_semaphore, #tpu.memory_space<semaphore_mem>>
    %dma_wait3A_1463 = tpu.memref_squeeze %dma_wait3A_1462 : memref<1x!tpu.dma_semaphore, #tpu.memory_space<semaphore_mem>> -> memref<!tpu.dma_semaphore, #tpu.memory_space<semaphore_mem>>
    %dma_wait3A_1464 = arith.constant 0 : i32
    %dma_wait3A_1465 = arith.constant 0 : i32
    %dma_wait3A_1466 = tpu.memref_slice %arg6[%dma_wait3A_1454, %dma_wait3A_1464, %dma_wait3A_1465] : memref<12x128x64xf32, #tpu.memory_space<vmem>> -> memref<1x128x64xf32, #tpu.memory_space<vmem>>
    %dma_wait3A_1467 = tpu.memref_squeeze %dma_wait3A_1466 : memref<1x128x64xf32, #tpu.memory_space<vmem>> -> memref<128x64xf32, #tpu.memory_space<vmem>>
    %dma_wait3A_1468 = arith.constant 0 : i32
    %dma_wait3A_1469 = tpu.memref_slice %arg4[%min3A_3, %dma_wait3A_1468] : memref<100000x64xf32, #tpu.memory_space<hbm>> -> memref<128x64xf32, #tpu.memory_space<hbm>>
    tpu.wait_dma2 semaphore(%dma_wait3A_1463 : memref<!tpu.dma_semaphore, #tpu.memory_space<semaphore_mem>>) src(%dma_wait3A_1469 : memref<128x64xf32, #tpu.memory_space<hbm>>) dst(%dma_wait3A_1467 : memref<128x64xf32, #tpu.memory_space<vmem>>)
    %dma_wait3A_1470 = arith.constant 11 : i32
    %dma_wait3A_1471 = arith.constant 11 : i32
    %dma_wait3A_1472 = arith.constant 0 : i32
    %dma_wait3A_1473 = arith.constant 0 : i32
    %dma_wait3A_1474 = tpu.memref_slice %arg6[%dma_wait3A_1470, %dma_wait3A_1472, %dma_wait3A_1473] : memref<12x128x64xf32, #tpu.memory_space<vmem>> -> memref<1x128x64xf32, #tpu.memory_space<vmem>>
    %dma_wait3A_1475 = tpu.memref_squeeze %dma_wait3A_1474 : memref<1x128x64xf32, #tpu.memory_space<vmem>> -> memref<128x64xf32, #tpu.memory_space<vmem>>
    %dma_wait3A_1476 = arith.constant 0 : i32
    %dma_wait3A_1477 = tpu.memref_slice %arg4[%min3A_3, %dma_wait3A_1476] : memref<100000x64xf32, #tpu.memory_space<hbm>> -> memref<128x64xf32, #tpu.memory_space<hbm>>
    %dma_wait3A_1478 = tpu.memref_slice %arg8[%dma_wait3A_1471] : memref<12x!tpu.dma_semaphore, #tpu.memory_space<semaphore_mem>> -> memref<1x!tpu.dma_semaphore, #tpu.memory_space<semaphore_mem>>
    %dma_wait3A_1479 = tpu.memref_squeeze %dma_wait3A_1478 : memref<1x!tpu.dma_semaphore, #tpu.memory_space<semaphore_mem>> -> memref<!tpu.dma_semaphore, #tpu.memory_space<semaphore_mem>>
    %dma_wait3A_1480 = arith.constant 0 : i32
    %dma_wait3A_1481 = arith.constant 0 : i32
    %dma_wait3A_1482 = tpu.memref_slice %arg6[%dma_wait3A_1470, %dma_wait3A_1480, %dma_wait3A_1481] : memref<12x128x64xf32, #tpu.memory_space<vmem>> -> memref<1x128x64xf32, #tpu.memory_space<vmem>>
    %dma_wait3A_1483 = tpu.memref_squeeze %dma_wait3A_1482 : memref<1x128x64xf32, #tpu.memory_space<vmem>> -> memref<128x64xf32, #tpu.memory_space<vmem>>
    %dma_wait3A_1484 = arith.constant 0 : i32
    %dma_wait3A_1485 = tpu.memref_slice %arg4[%min3A_3, %dma_wait3A_1484] : memref<100000x64xf32, #tpu.memory_space<hbm>> -> memref<128x64xf32, #tpu.memory_space<hbm>>
    tpu.wait_dma2 semaphore(%dma_wait3A_1479 : memref<!tpu.dma_semaphore, #tpu.memory_space<semaphore_mem>>) src(%dma_wait3A_1485 : memref<128x64xf32, #tpu.memory_space<hbm>>) dst(%dma_wait3A_1483 : memref<128x64xf32, #tpu.memory_space<vmem>>)
    %dma_wait3A_1486 = arith.constant 0 : i32
    %dma_wait3A_1487 = arith.constant 0 : i32
    %dma_wait3A_1488 = arith.constant 0 : i32
    %dma_wait3A_1489 = arith.constant 0 : i32
    %dma_wait3A_1490 = tpu.memref_slice %arg6[%dma_wait3A_1486, %dma_wait3A_1488, %dma_wait3A_1489] : memref<12x128x64xf32, #tpu.memory_space<vmem>> -> memref<1x128x64xf32, #tpu.memory_space<vmem>>
    %dma_wait3A_1491 = tpu.memref_squeeze %dma_wait3A_1490 : memref<1x128x64xf32, #tpu.memory_space<vmem>> -> memref<128x64xf32, #tpu.memory_space<vmem>>
    %dma_wait3A_1492 = arith.constant 0 : i32
    %dma_wait3A_1493 = tpu.memref_slice %arg4[%min3A_3, %dma_wait3A_1492] : memref<100000x64xf32, #tpu.memory_space<hbm>> -> memref<128x64xf32, #tpu.memory_space<hbm>>
    %dma_wait3A_1494 = tpu.memref_slice %arg8[%dma_wait3A_1487] : memref<12x!tpu.dma_semaphore, #tpu.memory_space<semaphore_mem>> -> memref<1x!tpu.dma_semaphore, #tpu.memory_space<semaphore_mem>>
    %dma_wait3A_1495 = tpu.memref_squeeze %dma_wait3A_1494 : memref<1x!tpu.dma_semaphore, #tpu.memory_space<semaphore_mem>> -> memref<!tpu.dma_semaphore, #tpu.memory_space<semaphore_mem>>
    %dma_wait3A_1496 = arith.constant 0 : i32
    %dma_wait3A_1497 = arith.constant 0 : i32
    %dma_wait3A_1498 = tpu.memref_slice %arg6[%dma_wait3A_1486, %dma_wait3A_1496, %dma_wait3A_1497] : memref<12x128x64xf32, #tpu.memory_space<vmem>> -> memref<1x128x64xf32, #tpu.memory_space<vmem>>
    %dma_wait3A_1499 = tpu.memref_squeeze %dma_wait3A_1498 : memref<1x128x64xf32, #tpu.memory_space<vmem>> -> memref<128x64xf32, #tpu.memory_space<vmem>>
    %dma_wait3A_1500 = arith.constant 0 : i32
    %dma_wait3A_1501 = tpu.memref_slice %arg4[%min3A_3, %dma_wait3A_1500] : memref<100000x64xf32, #tpu.memory_space<hbm>> -> memref<128x64xf32, #tpu.memory_space<hbm>>
    tpu.wait_dma2 semaphore(%dma_wait3A_1495 : memref<!tpu.dma_semaphore, #tpu.memory_space<semaphore_mem>>) src(%dma_wait3A_1501 : memref<128x64xf32, #tpu.memory_space<hbm>>) dst(%dma_wait3A_1499 : memref<128x64xf32, #tpu.memory_space<vmem>>)
    return
  }
}

</mosaic_0001>

<sc_bundles>
// kernel: kernel.3.cloned.1.call-start
scs
__scs_entry_jumppad:
0x0: {  	(pc) =	sbr.rel $0x88, $3  }
0x1: {  	(tag) =	ssettag $0x0;
	lr =	simm.s32 $0x1  }
0x2: {  	[smem:$0x3F9F] =	sst lr;
	_ =	strace $0xD0000000  }
0x3: {  	_ = 	snop  }
0x4: {  	_ = 	snop  }
0x5: {  	_ = 	snop  }
0x6: {  	_ = 	snop  }
0x7: {  	_ = 	snop  }
__scs_overlays_trampoline_lowered:
0x8: {  	[smem:$0x3FAE] =	sst s0  }
0x9: {  	[smem:$0x3FAF] =	sst s1  }
0xa: {  	[smem:$0x3FB0] =	sst s2  }
0xb: {  	[smem:$0x3FB1] =	sst s3  }
0xc: {  	[smem:$0x3FB2] =	sst s4  }
0xd: {  	[smem:$0x3FB3] =	sst s5  }
0xe: {  	[smem:$0x3FB4] =	sst s6  }
0xf: {  	[smem:$0x3FB5] =	sst s7  }
0x10: {  	[smem:$0x3FB6] =	sst s8  }
0x11: {  	[smem:$0x3FB7] =	sst s9;
	s0 =	simm.s32 @!p0 $0x0  }
0x12: {  	s1 =	sld [smem:$0x3F9D];
	s0 =	simm.s32 @p0 $0x1  }
0x13: {  	[smem:$0x3FB8] =	sst s0;
	s0 =	simm.s32 @!p1 $0x0  }
0x14: {  	s2 =	sld [smem:$0x3F9C];
	s0 =	simm.s32 @p1 $0x1  }
0x15: {  	[smem:$0x3FB9] =	sst s0;
	s0 =	simm.s32 @!p2 $0x0  }
0x16: {  	s3 =	sld [smem:$0x3FDB];
	s0 =	simm.s32 @p2 $0x1  }
0x17: {  	s4 =	simm.s32 $0x1BF5;
	[smem:$0x3FBB] =	sst s0  }
0x18: {  	s0 =	sld [smem:$0x3F9E];
	_ =	swait.ge [sflag:s4], $0x0  }
0x19: {  	s7 =	sld [smem:$0x3F9F]  }
0x1a: {  	s8 =	sadd.s32 $0xFFFFE003, lr  }
0x1b: {  	s9 =	sadd.s32 $0xFFFFFEF7, lr;
	s5 =	simm.s32 $0xFFFFFFFF;
	p2 =	slt.u32 s8, $0xFFFFF086  }
0x1c: {  	p1 =	slt.u32 s9, $0xF7A;
	s5 =	simm.s32 @!p2 $0x0  }
0x1d: {  	s5 =	simm.s32 @p1 $0x1;
	p0 =	seq.s32 s7, s2  }
0x1e: {  	s7 =	smul.u32 @!p0 $0xF7A, s2;
	p2 =	seq.s32 @!p0 s5, $0x0  }
0x1f: {  	s9 =	smul.u32 $0xF7A, s1;
	s8 =	simm.s32 @!p0 $0x1BF5;
	p2 =	por !p2, p0  }
0x20: {  	[sflag:s8] =	ssyncset.s32 @!p0 $0xFFFFF086;
	s6 =	sadd.s32 @!p0 s3, s7;
	s7 =	simm.s32 @!p0 $0x108  }
0x21: {  	s3 =	sadd.s32 s3, s9;
	s6 =	sadd.s32 @!p0 $0x88, s6;
	s7 =	simm.s32 @p2 $0x1082  }
0x22: {  	[simem:s7], [sflag:s8] =	dma.local @!p0 [hbm:s6], $0xF7A  }
0x23: {  	s9 =	sor.u32 $0xD0000000, s2;
	s6 =	simm.s32 $0x108;
	_ =	swait.ge @!p0 [sflag:s8], $0x0  }
0x24: {  	s3 =	sadd.s32 $0x88, s3;
	s6 =	simm.s32 @!p1 $0x1082;
	[sflag:s4] =	ssyncset.s32 $0xFFFFF086  }
0x25: {  	[simem:s6], [sflag:s4] =	dma.local [hbm:s3], $0xF7A  }
0x26: {  	[smem:$0x3F9F] =	sst s1;
	(tag) =	ssettag s2;
	_ =	strace s9  }
0x27: {  	s1 =	sld [smem:$0x3FAF]  }
0x28: {  	s2 =	sld [smem:$0x3FB0]  }
0x29: {  	s4 =	sld [smem:$0x3FB2]  }
0x2a: {  	p0 =	seq.s32 s5, $0x0;
	s5 =	sld [smem:$0x3FB3]  }
0x2b: {  	s6 =	sld [smem:$0x3FB4]  }
0x2c: {  	s7 =	sld [smem:$0x3FB5]  }
0x2d: {  	s3 =	simm.s32 $0x108;
	s8 =	sld [smem:$0x3FB6]  }
0x2e: {  	s3 =	simm.s32 @!p0 $0x1082;
	s9 =	sld [smem:$0x3FB7]  }
0x2f: {  	lr =	sadd.s32 s0, s3;
	s0 =	sld [smem:$0x3FAE]  }
0x30: {  	s3 =	sld [smem:$0x3FB1]  }
0x31: {  	[smem:$0x3FBA] =	sst s10  }
0x32: {  	s10 =	sld [smem:$0x3FB8];
	_ =	sdelay $0x3  }
0x33: {  	p0 =	seq.s32 s10, $0x1;
	s10 =	sld [smem:$0x3FBA];
	_ =	sdelay $0x3  }
0x34: {  	[smem:$0x3FBA] =	sst s10  }
0x35: {  	s10 =	sld [smem:$0x3FB9];
	_ =	sdelay $0x3  }
0x36: {  	p1 =	seq.s32 s10, $0x1;
	s10 =	sld [smem:$0x3FBA];
	_ =	sdelay $0x3  }
0x37: {  	[smem:$0x3FBA] =	sst s10  }
0x38: {  	s10 =	sld [smem:$0x3FBB]  }
0x39: {  	_ = 	snop;
	(pc) =	sbr.ind lr, $3  }
0x3a: {  	_ = 	snop  }
0x3b: {  	_ = 	snop  }
0x3c: {  	p2 =	seq.s32 s10, $0x1;
	s10 =	sld [smem:$0x3FBA]  }
0x3d: {  	_ =	shalt  }
0x3e: {  	_ =	shalt  }
0x3f: {  	_ =	shalt  }
0x40: {  	_ =	shalt  }
0x41: {  	_ =	shalt  }
0x42: {  	_ =	shalt  }
0x43: {  	_ =	shalt  }
0x44: {  	_ =	shalt  }
0x45: {  	_ =	shalt  }
0x46: {  	_ =	shalt  }
0x47: {  	_ =	shalt  }
0x48: {  	_ =	shalt  }
0x49: {  	_ =	shalt  }
0x4a: {  	_ =	shalt  }
0x4b: {  	_ =	shalt  }
0x4c: {  	_ =	shalt  }
0x4d: {  	_ =	shalt  }
0x4e: {  	_ =	shalt  }
0x4f: {  	_ =	shalt  }
0x50: {  	_ =	shalt  }
0x51: {  	_ =	shalt  }
0x52: {  	_ =	shalt  }
0x53: {  	_ =	shalt  }
0x54: {  	_ =	shalt  }
0x55: {  	_ =	shalt  }
0x56: {  	_ =	shalt  }
0x57: {  	_ =	shalt  }
0x58: {  	_ =	shalt  }
0x59: {  	_ =	shalt  }
0x5a: {  	_ =	shalt  }
0x5b: {  	_ =	shalt  }
0x5c: {  	_ =	shalt  }
0x5d: {  	_ =	shalt  }
0x5e: {  	_ =	shalt  }
0x5f: {  	_ =	shalt  }
0x60: {  	_ =	shalt  }
0x61: {  	_ =	shalt  }
0x62: {  	_ =	shalt  }
0x63: {  	_ =	shalt  }
0x64: {  	_ =	shalt  }
0x65: {  	_ =	shalt  }
0x66: {  	_ =	shalt  }
0x67: {  	_ =	shalt  }
0x68: {  	_ =	shalt  }
0x69: {  	_ =	shalt  }
0x6a: {  	_ =	shalt  }
0x6b: {  	_ =	shalt  }
0x6c: {  	_ =	shalt  }
0x6d: {  	_ =	shalt  }
0x6e: {  	_ =	shalt  }
0x6f: {  	_ =	shalt  }
0x70: {  	_ =	shalt  }
0x71: {  	_ =	shalt  }
0x72: {  	_ =	shalt  }
0x73: {  	_ =	shalt  }
0x74: {  	_ =	shalt  }
0x75: {  	_ =	shalt  }
0x76: {  	_ =	shalt  }
0x77: {  	_ =	shalt  }
0x78: {  	_ =	shalt  }
0x79: {  	_ =	shalt  }
0x7a: {  	_ =	shalt  }
0x7b: {  	_ =	shalt  }
0x7c: {  	_ =	shalt  }
0x7d: {  	_ =	shalt  }
0x7e: {  	_ =	shalt  }
0x7f: {  	_ =	shalt  }
0x80: {  	_ =	shalt  }
0x81: {  	_ =	shalt  }
0x82: {  	_ =	shalt  }
0x83: {  	_ =	shalt  }
0x84: {  	_ =	shalt  }
0x85: {  	_ =	shalt  }
0x86: {  	_ =	shalt  }
0x87: {  	_ =	shalt  }
.Lfunc_end0:
.L_simem_size_0:
called_computation_lowered:
.L_overlay_start_0:
0x88: {  	s2 =	sld [smem:$0x3FD9]  }
0x89: {  	s3 =	sld [smem:$0x3FFE];
	_ =	sdelay $0x1  }
0x8a: {  	s1 =	srdreg.scid  }
0x8b: {  	s0 =	sand.u32 $0x1, s1  }
0x8c: {  	s17 =	sshll.u32 s0, $0xA;
	s2 =	sadd.s32 s3, s2  }
0x8d: {  	s2 =	sadd.s32 s2, s17  }
0x8e: {  	[smem:$0x3FC6] =	sst s2  }
0x8f: {  	_ = 	snop  }
0x90: {  	s2 =	sld [smem:$0x3FD0];
	(tm) =	ssettm $0x1  }
0x91: {  	s18 =	sld [smem:$0x3FFB];
	_ =	sdelay $0x3  }
0x92: {  	_ =	strace s18  }
0x93: {  	s3 =	sld [smem:$0x3FFC];
	_ =	sdelay $0x3  }
0x94: {  	_ =	strace s3  }
0x95: {  	s3 =	sld [smem:$0x3FFD];
	_ =	sdelay $0x3  }
0x96: {  	_ =	strace s3  }
0x97: {  	_ =	strace $0x8FFFFFFF  }
0x98: {  	s19 =	sld [smem:$0x3FDB];
	_ =	sdelay $0x1  }
0x99: {  	s4 =	simm.s32 $_scs_section_size  }
0x9a: {  	s5 =	simm.s32 $_size__tile_overlayer_lowered;
	s6 =	simm.s32 $_tile_overlayer_lowered  }
0x9b: {  	s22 =	simm.s32 $0x1BFF;
	s21 =	sshll.u32 s6, $0x1;
	s3 =	sadd.s32 s4, s19  }
0x9c: {  	s7 =	simm.s32 $0x0;
	s20 =	sshll.u32 s5, $0x1;
	s5 =	sadd.s32 s21, s3  }
0x9d: {  	[timem:s7], [sflag:s22] =	dma.local [hbm:s5], s20  }
0x9e: {  	_ =	swait.ge [sflag:s22], s20  }
0x9f: {  	s4 =	ssub.s32 $0x0, s20;
	[sflag:s22] =	ssyncset.done $0x0  }
0xa0: {  	[sflag:s22] =	ssyncadd.s32 s4;
	_ =	sdelay $0x1  }
0xa1: {  	s23 =	simm.s32 $0x1B8B  }
0xa2: {  	_ =	swait.ge [sflag:s23], $0x1  }
0xa3: {  	[sflag:s23] =	ssyncset.done $0x0  }
0xa4: {  	s25 =	simm.s32 $0x1B8E;
	s24 =	sld [smem:$0x3FFE];
	[sflag:s23] =	ssyncadd.s32 $0xFFFFFFFF  }
0xa5: {  	s26 =	simm.s32 $execute0_lowered;
	[smem:$0x3FD2] =	sst s25  }
0xa6: {  	s5 =	sshll.u32 s26, $0x1;
	_ =	strace $0x80000046;
	[dreg:$0x1] =	wrdreg $0xFFFFFFFF  }
0xa7: {  	s28 =	simm.s32 $_size_execute0_lowered;
	s3 =	sadd.s32 s3, s5;
	[dreg:$0x0] =	wrdreg $0x0  }
0xa8: {  	s5 =	sshll.u32 s28, $0x1;
	[dreg:$0x2] =	wrdreg s3  }
0xa9: {  	[dreg:$0x3] =	wrdreg s5  }
0xaa: {  	[dreg:$0x4] =	wrdreg $0xC0  }
0xab: {  	_ =	task [dreg:s7], $0x5FFFF  }
0xac: {  	[dreg:$0x1] =	wrdreg $0xFFFFFFFF  }
0xad: {  	[dreg:$0x0] =	wrdreg $0x60  }
0xae: {  	[dreg:$0x2] =	wrdreg s24  }
0xaf: {  	[dreg:$0x3] =	wrdreg s2  }
0xb0: {  	[dreg:$0x4] =	wrdreg $0x9  }
0xb1: {  	_ =	task.clear_ibuf [dreg:s7], $0x5FFFF;
	_ =	strace $0x90000046  }
0xb2: {  	s29 =	simm.s32 $0x9;
	_ =	strace $0x80000048  }
0xb3: {  	_ =	swait.ge [sflag:s29], $0x1  }
0xb4: {  	[sflag:s29] =	ssyncadd.s32 $0xFFFFFFFF  }
0xb5: {  	_ =	strace $0x90000048  }
0xb6: {  	_ =	sfence  }
0xb7: {  	s30 =	sld [smem:$0x0];
	_ =	sdelay $0x2  }
0xb8: {  	s31 =	sshll.u32 s1, $0xD;
	s1 =	sshrl.u32 s1, $0x2  }
0xb9: {  	s3 =	sand.u32 $0x4000, s31;
	s1 =	sadd.s32 s1, s30  }
0xba: {  	s0 =	sor.u32 s3, s0;
	s1 =	sshll.u32 s1, $0x11  }
0xbb: {  	s0 =	sor.u32 s1, s0  }
0xbc: {  	s0 =	sadd.s32 $0x8F2B, s0  }
0xbd: {  	[sflag:s0] =	ssyncadd.remote.s32 $0x1  }
0xbe: {  	_ =	sfence.sel $0xFFFF  }
0xbf: {  	[dreg:$0x0] =	wrdreg $0xFFFFFFFF;
	(pc) =	sbr.abs _section_cstart, $3  }
0xc0: {  	[dreg:$0x1] =	wrdreg $0xFFFFFFFF  }
0xc1: {  	_ =	task.clear_ibuf [dreg:s7], $0x2FFFF;
	_ =	strace $0x9FFFFFFF  }
0xc2: {  	(tm) =	ssettm $0x7FFFFFFF  }
0xc3: {  	_ =	shalt  }
tec
execute0_lowered:
.L_overlay_start_1:
0x0: {  	(tag) =	ssettag $0x1  }
0x1: {  	s0 =	srdreg.scid;
	s1 =	stileid.u32  }
0x2: {  	s0 =	sand.u32 $0x1, s0;
	s1 =	sshll.u32 s1, $0x1  }
0x3: {  	s1 =	sor.u32 s0, s1  }
0x4: {  	s1 =	smul.u32 $0xC80, s1  }
0x5: {  	s4 =	rddreg [dreg:$0x0]  }
0x6: {  	s3 =	rddreg [dreg:$0x1];
	s2 =	simm.s32 $0x0;
	s1 =	smin.u32 s1, $0x17A20  }
0x7: {  	[smem:$0x7FF] =	sst s2;
	s5 =	sshrl.u32 s1, $0x3;
	s1 =	sshll.u32 s1, $0x3  }
0x8: {  	s5 =	sadd.s32 s5, s4;
	s1 =	sadd.s32 s1, s4;
	s4 =	simm.s32 $0x200  }
0x9: {  	_ =	strace $0x80000047;
	s21 =	sadd.s32 $0x200, s5;
	[dreg:$0x1f] =	wrdreg s4  }
0xa: {  	s22 =	sadd.s32 $0x3400, s1;
	[dreg:$0x3] =	wrdreg s21  }
0xb: {  	s23 =	sadd.s32 $0x3800, s1;
	[dreg:$0x4] =	wrdreg s22  }
0xc: {  	s24 =	sadd.s32 $0x3C00, s1;
	[dreg:$0x5] =	wrdreg s23  }
0xd: {  	s25 =	sadd.s32 $0x4000, s1;
	[dreg:$0x6] =	wrdreg s24  }
0xe: {  	s26 =	sadd.s32 $0x4400, s1;
	[dreg:$0x7] =	wrdreg s25  }
0xf: {  	s5 =	sadd.s32 $0x4800, s1;
	[dreg:$0x8] =	wrdreg s26  }
0x10: {  	s6 =	sadd.s32 $0x4C00, s1;
	[dreg:$0x9] =	wrdreg s5  }
0x11: {  	s7 =	sadd.s32 $0x5000, s1;
	[dreg:$0xa] =	wrdreg s6  }
0x12: {  	s8 =	sadd.s32 $0x5400, s1;
	[dreg:$0xb] =	wrdreg s7  }
0x13: {  	s9 =	sadd.s32 $0x5800, s1;
	[dreg:$0xc] =	wrdreg s8  }
0x14: {  	s10 =	sadd.s32 $0x5C00, s1;
	[dreg:$0xd] =	wrdreg s9  }
0x15: {  	s11 =	sadd.s32 $0x6000, s1;
	[dreg:$0xe] =	wrdreg s10  }
0x16: {  	s12 =	sadd.s32 $0x6400, s1;
	[dreg:$0xf] =	wrdreg s11  }
0x17: {  	s13 =	sadd.s32 $0x6800, s1;
	[dreg:$0x10] =	wrdreg s12  }
0x18: {  	s14 =	sadd.s32 $0x6C00, s1;
	[dreg:$0x11] =	wrdreg s13  }
0x19: {  	s15 =	sadd.s32 $0x7000, s1;
	[dreg:$0x12] =	wrdreg s14  }
0x1a: {  	s16 =	sadd.s32 $0x7400, s1;
	[dreg:$0x13] =	wrdreg s15  }
0x1b: {  	s17 =	sadd.s32 $0x7800, s1;
	[dreg:$0x14] =	wrdreg s16  }
0x1c: {  	s18 =	sadd.s32 $0x7C00, s1;
	[dreg:$0x15] =	wrdreg s17  }
0x1d: {  	s19 =	sadd.s32 $0x8000, s1;
	[dreg:$0x16] =	wrdreg s18  }
0x1e: {  	s20 =	sadd.s32 $0x8400, s1;
	[dreg:$0x17] =	wrdreg s19  }
0x1f: {  	[dreg:$0x18] =	wrdreg s20;
	s21 =	sadd.s32 $0x8800, s1  }
0x20: {  	s22 =	sadd.s32 $0x8C00, s1;
	[dreg:$0x19] =	wrdreg s21  }
0x21: {  	s23 =	sadd.s32 $0x9000, s1;
	[dreg:$0x1a] =	wrdreg s22  }
0x22: {  	s1 =	sadd.s32 $0x9400, s1;
	[dreg:$0x1b] =	wrdreg s23  }
0x23: {  	s24 =	simm.s32 $0x100;
	[dreg:$0x1c] =	wrdreg s1  }
0x24: {  	s26 =	simm.s32 $0x180;
	[dreg:$0x1d] =	wrdreg s24  }
0x25: {  	s5 =	simm.s32 $0x280;
	[dreg:$0x1e] =	wrdreg s26  }
0x26: {  	s6 =	simm.s32 $0x300;
	[smem:$0x7EA] =	sst s5  }
0x27: {  	s7 =	simm.s32 $0x380;
	[smem:$0x7EB] =	sst s6  }
0x28: {  	s9 =	simm.s32 $0x400;
	[smem:$0x7EC] =	sst s7  }
0x29: {  	s10 =	simm.s32 $0x480;
	[smem:$0x7ED] =	sst s9  }
0x2a: {  	s28 =	simm.s32 $0x2C80;
	s11 =	simm.s32 $0x500;
	[smem:$0x7EE] =	sst s10  }
0x2b: {  	p0 =	por $0x0, $0x0;
	s12 =	simm.s32 $0x580;
	[smem:$0x7EF] =	sst s11  }
0x2c: {  	s30 =	simm.s32 $0xA;
	s13 =	simm.s32 $0x600;
	[smem:$0x7F0] =	sst s12  }
0x2d: {  	s31 =	simm.s32 $0xC;
	s14 =	simm.s32 $0x680;
	[smem:$0x7F1] =	sst s13  }
0x2e: {  	s0 =	ssub.s32 $0x2, s0;
	s15 =	simm.s32 $0x700;
	[smem:$0x7F2] =	sst s14  }
0x2f: {  	s4 =	simm.s32 $0x2;
	s16 =	simm.s32 $0x780;
	[smem:$0x7F3] =	sst s15  }
0x30: {  	s25 =	sshrl.u32 s0, $0x1;
	s17 =	simm.s32 $0x800;
	[smem:$0x7F4] =	sst s16  }
0x31: {  	s8 =	simm.s32 $0x80;
	s18 =	simm.s32 $0x880;
	[smem:$0x7F5] =	sst s17  }
0x32: {  	s19 =	simm.s32 $0x900;
	s20 =	simm.s32 $0x980;
	[smem:$0x7F6] =	sst s18  }
0x33: {  	s0 =	ssub.s32 s0, s25;
	s6 =	simm.s32 $0x1;
	[smem:$0x7F7] =	sst s19  }
0x34: {  	[smem:$0x7F8] =	sst s20;
	s21 =	simm.s32 $0xA00;
	s25 =	simm.s32 $0x3  }
0x35: {  	s22 =	simm.s32 $0xA80;
	s23 =	simm.s32 $0xB00;
	s24 =	simm.s32 $0xB80  }
0x36: {  	s5 =	simm.s32 $0xD;
	s26 =	simm.s32 $0xC00;
	s16 =	simm.s32 $0x6  }
0x37: {  	s13 =	simm.s32 $0x7;
	s12 =	simm.s32 $0x8;
	s10 =	simm.s32 $0x9  }
0x38: {  	s19 =	simm.s32 $0x12;
	s29 =	rddreg [dreg:$0x3];
	s0 =	smax.u32 s0, $0x1  }
0x39: {  	s7 =	simm.s32 $0x13;
	[smem:$0x7F9] =	sst s21;
	p1 =	sne.s32 s0, $0x1  }
.Ltmp0:
0x3a: {  	s1 =	simm.s32 $0xB;
	[smem:$0x7FA] =	sst s22;
	(pc) =	sbr.rel @!p1 .LBB2_5-.Ltmp0, $4  }
0x3b: {  	s17 =	simm.s32 $0x14;
	s15 =	simm.s32 $0x15;
	[smem:$0x7FB] =	sst s23  }
0x3c: {  	s11 =	simm.s32 $0x16;
	s9 =	simm.s32 $0x17;
	[smem:$0x7FC] =	sst s24  }
0x3d: {  	s21 =	simm.s32 $0x4;
	[smem:$0x7FD] =	sst s26;
	s22 =	simm.s32 $0xE  }
0x3e: {  	s24 =	simm.s32 $0x10;
	s23 =	simm.s32 $0x11;
	s0 =	sadd.s32 $0xFFFFFFFF, s0  }
0x3f: {  	[tilespmem:s2], [sflag:$0x19] =	stream.linear.gather [hbm4b:s29+s2], $0xC80, $0x38;
	[tilespmem:$0x18C80] =	vst v63  }
0x40: {  	s29 =	simm.s32 $0x19  }
0x41: {  	_ =	swait.ge [sflag:s29], $0xC80  }
0x42: {  	[sflag:s29] =	ssyncset.done $0x0  }
0x43: {  	s21 =	simm.s32 $0xC80;
	[sflag:s29] =	ssyncadd.s32 $0xFFFFF380  }
0x44: {  	[tilespmem:s21], [sflag:$0x1] =	stream.indirect.gather [hbm4b:s3+s8], $0x40, s2, s8, $0xb8;
	[tilespmem:$0x18C80] =	vst v63  }
0x45: {  	s29 =	rddreg [dreg:$0x1d]  }
0x46: {  	[tilespmem:s28], [sflag:$0x2] =	stream.indirect.gather [hbm4b:s3+s8], $0x40, s8, s8, $0xb8;
	[tilespmem:$0x18C80] =	vst v63  }
0x47: {  	s24 =	simm.s32 $0x4C80;
	s28 =	rddreg [dreg:$0x1e]  }
0x48: {  	[tilespmem:s24], [sflag:$0x3] =	stream.indirect.gather [hbm4b:s3+s8], $0x40, s29, s8, $0xb8;
	[tilespmem:$0x18C80] =	vst v63  }
0x49: {  	s25 =	simm.s32 $0x6C80;
	s29 =	rddreg [dreg:$0x1f]  }
0x4a: {  	[tilespmem:s25], [sflag:$0x4] =	stream.indirect.gather [hbm4b:s3+s8], $0x40, s28, s8, $0xb8;
	[tilespmem:$0x18C80] =	vst v63  }
0x4b: {  	s4 =	simm.s32 $0x8C80;
	s28 =	sld [smem:$0x7EA]  }
0x4c: {  	[tilespmem:s4], [sflag:$0x5] =	stream.indirect.gather [hbm4b:s3+s8], $0x40, s29, s8, $0xb8;
	[tilespmem:$0x18C80] =	vst v63  }
0x4d: {  	s20 =	simm.s32 $0xAC80;
	s29 =	sld [smem:$0x7EB]  }
0x4e: {  	[tilespmem:s20], [sflag:$0x6] =	stream.indirect.gather [hbm4b:s3+s8], $0x40, s28, s8, $0xb8;
	[tilespmem:$0x18C80] =	vst v63  }
0x4f: {  	s26 =	simm.s32 $0xCC80;
	s28 =	sld [smem:$0x7EC]  }
0x50: {  	[tilespmem:s26], [sflag:$0x7] =	stream.indirect.gather [hbm4b:s3+s8], $0x40, s29, s8, $0xb8;
	[tilespmem:$0x18C80] =	vst v63  }
0x51: {  	s20 =	simm.s32 $0xEC80;
	s29 =	sld [smem:$0x7ED]  }
0x52: {  	[tilespmem:s20], [sflag:$0x8] =	stream.indirect.gather [hbm4b:s3+s8], $0x40, s28, s8, $0xb8;
	[tilespmem:$0x18C80] =	vst v63  }
0x53: {  	[smem:$0x7E9] =	sst s0;
	s0 =	simm.s32 $0x1;
	s26 =	simm.s32 $0x10C80  }
0x54: {  	[tilespmem:s26], [sflag:$0x9] =	stream.indirect.gather [hbm4b:s3+s8], $0x40, s29, s8, $0xb8;
	[tilespmem:$0x18C80] =	vst v63  }
0x55: {  	_ =	swait.ge [sflag:s0], $0x2000  }
0x56: {  	s28 =	rddreg [dreg:$0x4];
	[sflag:s0] =	ssyncset.done $0x0  }
0x57: {  	s29 =	sld [smem:$0x7EE];
	[sflag:s0] =	ssyncadd.s32 $0xFFFFE000  }
0x58: {  	[hbm4b:s28+s2] =	stream.linear.scatter [tilespmem:s21], [sflag:$0xD], $0x2000, $0x38;
	[tilespmem:$0x18C80] =	vst v63  }
0x59: {  	s1 =	simm.s32 $0x12C80;
	s6 =	simm.s32 $0x2  }
0x5a: {  	[tilespmem:s1], [sflag:$0xA] =	stream.indirect.gather [hbm4b:s3+s8], $0x40, s29, s8, $0xb8;
	[tilespmem:$0x18C80] =	vst v63  }
0x5b: {  	_ =	swait.ge [sflag:s6], $0x2000  }
0x5c: {  	s28 =	rddreg [dreg:$0x5];
	[sflag:s6] =	ssyncset.done $0x0  }
0x5d: {  	s11 =	simm.s32 $0x2C80;
	s29 =	sld [smem:$0x7EF];
	[sflag:s6] =	ssyncadd.s32 $0xFFFFE000  }
0x5e: {  	[hbm4b:s28+s2] =	stream.linear.scatter [tilespmem:s11], [sflag:$0xE], $0x2000, $0x38;
	[tilespmem:$0x18C80] =	vst v63  }
0x5f: {  	s9 =	simm.s32 $0x3;
	s26 =	simm.s32 $0x14C80  }
0x60: {  	[tilespmem:s26], [sflag:$0xB] =	stream.indirect.gather [hbm4b:s3+s8], $0x40, s29, s8, $0xb8;
	[tilespmem:$0x18C80] =	vst v63  }
0x61: {  	_ =	swait.ge [sflag:s9], $0x2000  }
0x62: {  	s28 =	rddreg [dreg:$0x6];
	[sflag:s9] =	ssyncset.done $0x0  }
0x63: {  	s29 =	sld [smem:$0x7F0];
	[sflag:s9] =	ssyncadd.s32 $0xFFFFE000  }
0x64: {  	[hbm4b:s28+s2] =	stream.linear.scatter [tilespmem:s24], [sflag:$0xF], $0x2000, $0x38;
	[tilespmem:$0x18C80] =	vst v63  }
0x65: {  	s18 =	simm.s32 $0x4;
	s4 =	simm.s32 $0x16C80  }
0x66: {  	[tilespmem:s4], [sflag:$0xC] =	stream.indirect.gather [hbm4b:s3+s8], $0x40, s29, s8, $0xb8;
	[tilespmem:$0x18C80] =	vst v63  }
0x67: {  	_ =	swait.ge [sflag:s18], $0x2000  }
0x68: {  	[sflag:s18] =	ssyncset.done $0x0  }
0x69: {  	s20 =	simm.s32 $0xD;
	s28 =	rddreg [dreg:$0x7];
	[sflag:s18] =	ssyncadd.s32 $0xFFFFE000  }
0x6a: {  	[hbm4b:s28+s2] =	stream.linear.scatter [tilespmem:s25], [sflag:$0x10], $0x2000, $0x38;
	[tilespmem:$0x18C80] =	vst v63  }
0x6b: {  	_ =	swait.ge [sflag:s20], $0x2000  }
0x6c: {  	s28 =	sld [smem:$0x7F1]  }
0x6d: {  	[sflag:s20] =	ssyncset.done $0x0  }
0x6e: {  	s16 =	simm.s32 $0x5;
	[sflag:s20] =	ssyncadd.s32 $0xFFFFE000  }
0x6f: {  	[tilespmem:s21], [sflag:$0x1] =	stream.indirect.gather [hbm4b:s3+s8], $0x40, s28, s8, $0xb8;
	[tilespmem:$0x18C80] =	vst v63  }
0x70: {  	_ =	swait.ge [sflag:s16], $0x2000  }
0x71: {  	s23 =	simm.s32 $0xE;
	[sflag:s16] =	ssyncset.done $0x0  }
0x72: {  	s26 =	simm.s32 $0x8C80;
	s28 =	rddreg [dreg:$0x8];
	[sflag:s16] =	ssyncadd.s32 $0xFFFFE000  }
0x73: {  	[hbm4b:s28+s2] =	stream.linear.scatter [tilespmem:s26], [sflag:$0x11], $0x2000, $0x38;
	[tilespmem:$0x18C80] =	vst v63  }
0x74: {  	_ =	swait.ge [sflag:s23], $0x2000  }
0x75: {  	s28 =	sld [smem:$0x7F2]  }
0x76: {  	[sflag:s23] =	ssyncset.done $0x0  }
0x77: {  	s16 =	simm.s32 $0x6;
	[sflag:s23] =	ssyncadd.s32 $0xFFFFE000  }
0x78: {  	[tilespmem:s11], [sflag:$0x2] =	stream.indirect.gather [hbm4b:s3+s8], $0x40, s28, s8, $0xb8;
	[tilespmem:$0x18C80] =	vst v63  }
0x79: {  	_ =	swait.ge [sflag:s16], $0x2000  }
0x7a: {  	s31 =	simm.s32 $0xF;
	[sflag:s16] =	ssyncset.done $0x0  }
0x7b: {  	s1 =	simm.s32 $0xAC80;
	s28 =	rddreg [dreg:$0x9];
	[sflag:s16] =	ssyncadd.s32 $0xFFFFE000  }
0x7c: {  	[hbm4b:s28+s2] =	stream.linear.scatter [tilespmem:s1], [sflag:$0x12], $0x2000, $0x38;
	[tilespmem:$0x18C80] =	vst v63  }
0x7d: {  	_ =	swait.ge [sflag:s31], $0x2000  }
0x7e: {  	s28 =	sld [smem:$0x7F3]  }
0x7f: {  	[sflag:s31] =	ssyncset.done $0x0  }
0x80: {  	s14 =	simm.s32 $0x7;
	[sflag:s31] =	ssyncadd.s32 $0xFFFFE000  }
0x81: {  	[tilespmem:s24], [sflag:$0x3] =	stream.indirect.gather [hbm4b:s3+s8], $0x40, s28, s8, $0xb8;
	[tilespmem:$0x18C80] =	vst v63  }
0x82: {  	_ =	swait.ge [sflag:s14], $0x2000  }
0x83: {  	s5 =	simm.s32 $0x10;
	[sflag:s14] =	ssyncset.done $0x0  }
0x84: {  	s4 =	simm.s32 $0xCC80;
	s28 =	rddreg [dreg:$0xa];
	[sflag:s14] =	ssyncadd.s32 $0xFFFFE000  }
0x85: {  	[hbm4b:s28+s2] =	stream.linear.scatter [tilespmem:s4], [sflag:$0x13], $0x2000, $0x38;
	[tilespmem:$0x18C80] =	vst v63  }
0x86: {  	_ =	swait.ge [sflag:s5], $0x2000  }
0x87: {  	s28 =	sld [smem:$0x7F4]  }
0x88: {  	[sflag:s5] =	ssyncset.done $0x0  }
0x89: {  	s13 =	simm.s32 $0x8;
	[sflag:s5] =	ssyncadd.s32 $0xFFFFE000  }
0x8a: {  	[tilespmem:s25], [sflag:$0x4] =	stream.indirect.gather [hbm4b:s3+s8], $0x40, s28, s8, $0xb8;
	[tilespmem:$0x18C80] =	vst v63  }
0x8b: {  	_ =	swait.ge [sflag:s13], $0x2000  }
0x8c: {  	s23 =	simm.s32 $0x11;
	[sflag:s13] =	ssyncset.done $0x0  }
0x8d: {  	s5 =	simm.s32 $0xEC80;
	s28 =	rddreg [dreg:$0xb];
	[sflag:s13] =	ssyncadd.s32 $0xFFFFE000  }
0x8e: {  	[hbm4b:s28+s2] =	stream.linear.scatter [tilespmem:s5], [sflag:$0x14], $0x2000, $0x38;
	[tilespmem:$0x18C80] =	vst v63  }
0x8f: {  	_ =	swait.ge [sflag:s23], $0x2000  }
0x90: {  	s28 =	sld [smem:$0x7F5]  }
0x91: {  	[sflag:s23] =	ssyncset.done $0x0  }
0x92: {  	s12 =	simm.s32 $0x9;
	[sflag:s23] =	ssyncadd.s32 $0xFFFFE000  }
0x93: {  	[tilespmem:s26], [sflag:$0x5] =	stream.indirect.gather [hbm4b:s3+s8], $0x40, s28, s8, $0xb8;
	[tilespmem:$0x18C80] =	vst v63  }
0x94: {  	_ =	swait.ge [sflag:s12], $0x2000  }
0x95: {  	s22 =	simm.s32 $0x12;
	[sflag:s12] =	ssyncset.done $0x0  }
0x96: {  	s26 =	simm.s32 $0x10C80;
	s28 =	rddreg [dreg:$0xc];
	[sflag:s12] =	ssyncadd.s32 $0xFFFFE000  }
0x97: {  	[hbm4b:s28+s2] =	stream.linear.scatter [tilespmem:s26], [sflag:$0x15], $0x2000, $0x38;
	[tilespmem:$0x18C80] =	vst v63  }
0x98: {  	_ =	swait.ge [sflag:s22], $0x2000  }
0x99: {  	s28 =	sld [smem:$0x7F6]  }
0x9a: {  	[sflag:s22] =	ssyncset.done $0x0  }
0x9b: {  	s10 =	simm.s32 $0xA;
	[sflag:s22] =	ssyncadd.s32 $0xFFFFE000  }
0x9c: {  	[tilespmem:s1], [sflag:$0x6] =	stream.indirect.gather [hbm4b:s3+s8], $0x40, s28, s8, $0xb8;
	[tilespmem:$0x18C80] =	vst v63  }
0x9d: {  	_ =	swait.ge [sflag:s10], $0x2000  }
0x9e: {  	s19 =	simm.s32 $0x13;
	[sflag:s10] =	ssyncset.done $0x0  }
0x9f: {  	s1 =	simm.s32 $0x12C80;
	s28 =	rddreg [dreg:$0xd];
	[sflag:s10] =	ssyncadd.s32 $0xFFFFE000  }
0xa0: {  	[hbm4b:s28+s2] =	stream.linear.scatter [tilespmem:s1], [sflag:$0x16], $0x2000, $0x38;
	[tilespmem:$0x18C80] =	vst v63  }
0xa1: {  	_ =	swait.ge [sflag:s19], $0x2000  }
0xa2: {  	s28 =	sld [smem:$0x7F7]  }
0xa3: {  	[sflag:s19] =	ssyncset.done $0x0  }
0xa4: {  	s30 =	simm.s32 $0xB;
	[sflag:s19] =	ssyncadd.s32 $0xFFFFE000  }
0xa5: {  	[tilespmem:s4], [sflag:$0x7] =	stream.indirect.gather [hbm4b:s3+s8], $0x40, s28, s8, $0xb8;
	[tilespmem:$0x18C80] =	vst v63  }
0xa6: {  	_ =	swait.ge [sflag:s30], $0x2000  }
0xa7: {  	s7 =	simm.s32 $0x14;
	[sflag:s30] =	ssyncset.done $0x0  }
0xa8: {  	s4 =	simm.s32 $0x14C80;
	s28 =	rddreg [dreg:$0xe];
	[sflag:s30] =	ssyncadd.s32 $0xFFFFE000  }
0xa9: {  	[hbm4b:s28+s2] =	stream.linear.scatter [tilespmem:s4], [sflag:$0x17], $0x2000, $0x38;
	[tilespmem:$0x18C80] =	vst v63  }
0xaa: {  	_ =	swait.ge [sflag:s7], $0x2000  }
0xab: {  	s28 =	sld [smem:$0x7F8]  }
0xac: {  	[sflag:s7] =	ssyncset.done $0x0  }
0xad: {  	s31 =	simm.s32 $0xC;
	[sflag:s7] =	ssyncadd.s32 $0xFFFFE000  }
0xae: {  	[tilespmem:s5], [sflag:$0x8] =	stream.indirect.gather [hbm4b:s3+s8], $0x40, s28, s8, $0xb8;
	[tilespmem:$0x18C80] =	vst v63  }
0xaf: {  	_ =	swait.ge [sflag:s31], $0x2000  }
0xb0: {  	s17 =	simm.s32 $0x15;
	[sflag:s31] =	ssyncset.done $0x0  }
0xb1: {  	s5 =	simm.s32 $0x16C80;
	s28 =	rddreg [dreg:$0xf];
	[sflag:s31] =	ssyncadd.s32 $0xFFFFE000  }
0xb2: {  	[hbm4b:s28+s2] =	stream.linear.scatter [tilespmem:s5], [sflag:$0x18], $0x2000, $0x38;
	[tilespmem:$0x18C80] =	vst v63  }
0xb3: {  	_ =	swait.ge [sflag:s17], $0x2000  }
0xb4: {  	s28 =	sld [smem:$0x7F9]  }
0xb5: {  	[sflag:s17] =	ssyncset.done $0x0  }
0xb6: {  	[sflag:s17] =	ssyncadd.s32 $0xFFFFE000  }
0xb7: {  	[tilespmem:s26], [sflag:$0x9] =	stream.indirect.gather [hbm4b:s3+s8], $0x40, s28, s8, $0xb8;
	[tilespmem:$0x18C80] =	vst v63  }
0xb8: {  	_ =	swait.ge [sflag:s0], $0x2000  }
0xb9: {  	[sflag:s0] =	ssyncset.done $0x0  }
0xba: {  	s15 =	simm.s32 $0x16;
	s28 =	rddreg [dreg:$0x10];
	[sflag:s0] =	ssyncadd.s32 $0xFFFFE000  }
0xbb: {  	[hbm4b:s28+s2] =	stream.linear.scatter [tilespmem:s21], [sflag:$0xD], $0x2000, $0x38;
	[tilespmem:$0x18C80] =	vst v63  }
0xbc: {  	_ =	swait.ge [sflag:s15], $0x2000  }
0xbd: {  	s28 =	sld [smem:$0x7FA]  }
0xbe: {  	[sflag:s15] =	ssyncset.done $0x0  }
0xbf: {  	[sflag:s15] =	ssyncadd.s32 $0xFFFFE000  }
0xc0: {  	[tilespmem:s1], [sflag:$0xA] =	stream.indirect.gather [hbm4b:s3+s8], $0x40, s28, s8, $0xb8;
	[tilespmem:$0x18C80] =	vst v63  }
0xc1: {  	_ =	swait.ge [sflag:s6], $0x2000  }
0xc2: {  	[sflag:s6] =	ssyncset.done $0x0  }
0xc3: {  	s5 =	simm.s32 $0x17;
	s28 =	rddreg [dreg:$0x11];
	[sflag:s6] =	ssyncadd.s32 $0xFFFFE000  }
0xc4: {  	[hbm4b:s28+s2] =	stream.linear.scatter [tilespmem:s11], [sflag:$0xE], $0x2000, $0x38;
	[tilespmem:$0x18C80] =	vst v63  }
0xc5: {  	_ =	swait.ge [sflag:s5], $0x2000  }
0xc6: {  	s6 =	simm.s32 $0x17;
	s28 =	sld [smem:$0x7FB]  }
0xc7: {  	s11 =	simm.s32 $0x17;
	[sflag:s6] =	ssyncset.done $0x0  }
0xc8: {  	[sflag:s11] =	ssyncadd.s32 $0xFFFFE000  }
0xc9: {  	[tilespmem:s4], [sflag:$0xB] =	stream.indirect.gather [hbm4b:s3+s8], $0x40, s28, s8, $0xb8;
	[tilespmem:$0x18C80] =	vst v63  }
0xca: {  	_ =	swait.ge [sflag:s9], $0x2000  }
0xcb: {  	[sflag:s9] =	ssyncset.done $0x0  }
0xcc: {  	s4 =	simm.s32 $0x18;
	s28 =	rddreg [dreg:$0x12];
	[sflag:s9] =	ssyncadd.s32 $0xFFFFE000  }
0xcd: {  	[hbm4b:s28+s2] =	stream.linear.scatter [tilespmem:s24], [sflag:$0xF], $0x2000, $0x38;
	[tilespmem:$0x18C80] =	vst v63  }
0xce: {  	_ =	swait.ge [sflag:s4], $0x2000  }
0xcf: {  	s28 =	sld [smem:$0x7FC]  }
0xd0: {  	[sflag:s4] =	ssyncset.done $0x0  }
0xd1: {  	s0 =	simm.s32 $0x16C80;
	[sflag:s4] =	ssyncadd.s32 $0xFFFFE000  }
0xd2: {  	[tilespmem:s0], [sflag:$0xC] =	stream.indirect.gather [hbm4b:s3+s8], $0x40, s28, s8, $0xb8;
	[tilespmem:$0x18C80] =	vst v63  }
0xd3: {  	_ =	swait.ge [sflag:s18], $0x2000  }
0xd4: {  	[sflag:s18] =	ssyncset.done $0x0  }
0xd5: {  	s28 =	rddreg [dreg:$0x13];
	[sflag:s18] =	ssyncadd.s32 $0xFFFFE000  }
0xd6: {  	[hbm4b:s28+s2] =	stream.linear.scatter [tilespmem:s25], [sflag:$0x10], $0x2000, $0x38;
	[tilespmem:$0x18C80] =	vst v63  }
0xd7: {  	_ =	swait.ge [sflag:s20], $0x2000  }
0xd8: {  	s28 =	sld [smem:$0x7FD]  }
0xd9: {  	[sflag:s20] =	ssyncset.done $0x0  }
0xda: {  	s14 =	simm.s32 $0x5;
	[sflag:s20] =	ssyncadd.s32 $0xFFFFE000  }
0xdb: {  	[tilespmem:s21], [sflag:$0x1] =	stream.indirect.gather [hbm4b:s3+s8], $0x40, s28, s8, $0xb8;
	[tilespmem:$0x18C80] =	vst v63  }
0xdc: {  	_ =	swait.ge [sflag:s14], $0x2000  }
0xdd: {  	[sflag:s14] =	ssyncset.done $0x0  }
0xde: {  	s20 =	simm.s32 $0x8C80;
	s28 =	rddreg [dreg:$0x14];
	[sflag:s14] =	ssyncadd.s32 $0xFFFFE000  }
0xdf: {  	[hbm4b:s28+s2] =	stream.linear.scatter [tilespmem:s20], [sflag:$0x11], $0x2000, $0x38;
	[tilespmem:$0x18C80] =	vst v63  }
0xe0: {  	_ =	swait.ge [sflag:s16], $0x2000  }
0xe1: {  	s13 =	simm.s32 $0x7;
	[sflag:s16] =	ssyncset.done $0x0  }
0xe2: {  	s25 =	simm.s32 $0xAC80;
	s28 =	rddreg [dreg:$0x15];
	[sflag:s16] =	ssyncadd.s32 $0xFFFFE000  }
0xe3: {  	[hbm4b:s28+s2] =	stream.linear.scatter [tilespmem:s25], [sflag:$0x12], $0x2000, $0x38;
	[tilespmem:$0x18C80] =	vst v63  }
0xe4: {  	_ =	swait.ge [sflag:s13], $0x2000  }
0xe5: {  	s12 =	simm.s32 $0x8;
	[sflag:s13] =	ssyncset.done $0x0  }
0xe6: {  	s14 =	simm.s32 $0xCC80;
	s28 =	rddreg [dreg:$0x16];
	[sflag:s13] =	ssyncadd.s32 $0xFFFFE000  }
0xe7: {  	[hbm4b:s28+s2] =	stream.linear.scatter [tilespmem:s14], [sflag:$0x13], $0x2000, $0x38;
	[tilespmem:$0x18C80] =	vst v63  }
0xe8: {  	_ =	swait.ge [sflag:s12], $0x2000  }
0xe9: {  	s10 =	simm.s32 $0x9;
	[sflag:s12] =	ssyncset.done $0x0  }
0xea: {  	s18 =	simm.s32 $0xEC80;
	s28 =	rddreg [dreg:$0x17];
	[sflag:s12] =	ssyncadd.s32 $0xFFFFE000  }
0xeb: {  	[hbm4b:s28+s2] =	stream.linear.scatter [tilespmem:s18], [sflag:$0x14], $0x2000, $0x38;
	[tilespmem:$0x18C80] =	vst v63  }
0xec: {  	_ =	swait.ge [sflag:s10], $0x2000  }
0xed: {  	s30 =	simm.s32 $0xA;
	[sflag:s10] =	ssyncset.done $0x0  }
0xee: {  	s20 =	simm.s32 $0x10C80;
	s28 =	rddreg [dreg:$0x18];
	[sflag:s10] =	ssyncadd.s32 $0xFFFFE000  }
0xef: {  	[hbm4b:s28+s2] =	stream.linear.scatter [tilespmem:s20], [sflag:$0x15], $0x2000, $0x38;
	[tilespmem:$0x18C80] =	vst v63  }
0xf0: {  	_ =	swait.ge [sflag:s30], $0x2000  }
0xf1: {  	s1 =	simm.s32 $0xB;
	[sflag:s30] =	ssyncset.done $0x0  }
0xf2: {  	s25 =	simm.s32 $0x12C80;
	s28 =	rddreg [dreg:$0x19];
	[sflag:s30] =	ssyncadd.s32 $0xFFFFE000  }
0xf3: {  	[hbm4b:s28+s2] =	stream.linear.scatter [tilespmem:s25], [sflag:$0x16], $0x2000, $0x38;
	[tilespmem:$0x18C80] =	vst v63  }
0xf4: {  	_ =	swait.ge [sflag:s1], $0x2000  }
0xf5: {  	[sflag:s1] =	ssyncset.done $0x0  }
0xf6: {  	s26 =	simm.s32 $0x14C80;
	s28 =	rddreg [dreg:$0x1a];
	[sflag:s1] =	ssyncadd.s32 $0xFFFFE000  }
0xf7: {  	[hbm4b:s28+s2] =	stream.linear.scatter [tilespmem:s26], [sflag:$0x17], $0x2000, $0x38;
	[tilespmem:$0x18C80] =	vst v63  }
0xf8: {  	_ =	swait.ge [sflag:s31], $0x2000  }
0xf9: {  	[sflag:s31] =	ssyncset.done $0x0  }
0xfa: {  	s6 =	simm.s32 $0x1;
	s28 =	rddreg [dreg:$0x1b];
	[sflag:s31] =	ssyncadd.s32 $0xFFFFE000  }
0xfb: {  	[hbm4b:s28+s2] =	stream.linear.scatter [tilespmem:s0], [sflag:$0x18], $0x2000, $0x38;
	[tilespmem:$0x18C80] =	vst v63  }
0xfc: {  	_ =	swait.ge [sflag:s6], $0x2000  }
0xfd: {  	[sflag:s6] =	ssyncset.done $0x0  }
0xfe: {  	s22 =	simm.s32 $0xE;
	s28 =	rddreg [dreg:$0x1c];
	[sflag:s6] =	ssyncadd.s32 $0xFFFFE000  }
0xff: {  	[hbm4b:s28+s2] =	stream.linear.scatter [tilespmem:s21], [sflag:$0xD], $0x2000, $0x38;
	[tilespmem:$0x18C80] =	vst v63  }
0x100: {  	_ =	swait.ge [sflag:s22], $0x2000  }
0x101: {  	[sflag:s22] =	ssyncset.done $0x0  }
0x102: {  	s29 =	simm.s32 $0xF;
	[sflag:s22] =	ssyncadd.s32 $0xFFFFE000  }
0x103: {  	_ =	swait.ge [sflag:s29], $0x2000  }
0x104: {  	[sflag:s29] =	ssyncset.done $0x0  }
0x105: {  	s24 =	simm.s32 $0x10;
	[sflag:s29] =	ssyncadd.s32 $0xFFFFE000  }
0x106: {  	_ =	swait.ge [sflag:s24], $0x2000  }
0x107: {  	[sflag:s24] =	ssyncset.done $0x0  }
0x108: {  	[sflag:s24] =	ssyncadd.s32 $0xFFFFE000  }
0x109: {  	_ =	swait.ge [sflag:s23], $0x2000  }
0x10a: {  	[sflag:s23] =	ssyncset.done $0x0  }
0x10b: {  	s19 =	simm.s32 $0x12;
	[sflag:s23] =	ssyncadd.s32 $0xFFFFE000  }
0x10c: {  	_ =	swait.ge [sflag:s19], $0x2000  }
0x10d: {  	[sflag:s19] =	ssyncset.done $0x0  }
0x10e: {  	s7 =	simm.s32 $0x13;
	[sflag:s19] =	ssyncadd.s32 $0xFFFFE000  }
0x10f: {  	_ =	swait.ge [sflag:s7], $0x2000  }
0x110: {  	[sflag:s7] =	ssyncset.done $0x0  }
0x111: {  	s17 =	simm.s32 $0x14;
	[sflag:s7] =	ssyncadd.s32 $0xFFFFE000  }
0x112: {  	_ =	swait.ge [sflag:s17], $0x2000  }
0x113: {  	[sflag:s17] =	ssyncset.done $0x0  }
0x114: {  	s15 =	simm.s32 $0x15;
	[sflag:s17] =	ssyncadd.s32 $0xFFFFE000  }
0x115: {  	_ =	swait.ge [sflag:s15], $0x2000  }
0x116: {  	[sflag:s15] =	ssyncset.done $0x0  }
0x117: {  	s11 =	simm.s32 $0x16;
	[sflag:s15] =	ssyncadd.s32 $0xFFFFE000  }
0x118: {  	_ =	swait.ge [sflag:s11], $0x2000  }
0x119: {  	[sflag:s11] =	ssyncset.done $0x0  }
0x11a: {  	s9 =	simm.s32 $0x17;
	[sflag:s11] =	ssyncadd.s32 $0xFFFFE000  }
0x11b: {  	_ =	swait.ge [sflag:s9], $0x2000  }
0x11c: {  	[sflag:s9] =	ssyncset.done $0x0  }
0x11d: {  	[sflag:s9] =	ssyncadd.s32 $0xFFFFE000  }
0x11e: {  	_ =	swait.ge [sflag:s4], $0x2000  }
0x11f: {  	s26 =	sld [smem:$0x7E9];
	_ =	sdelay $0x2  }
0x120: {  	p1 =	sne.s32 s26, $0x1  }
.Ltmp1:
0x121: {  	_ = 	snop;
	(pc) =	sbr.rel @!p1 .LBB2_6-.Ltmp1, $4  }
0x122: {  	[sflag:s4] =	ssyncset.done $0x0  }
0x123: {  	s5 =	simm.s32 $0xD;
	[sflag:s4] =	ssyncadd.s32 $0xFFFFE000  }
0x124: {  	p0 =	por $0x1, $0x1;
	s0 =	simm.s32 $0xC80;
	_ =	swait.ge [sflag:s5], $0x2000  }
0x125: {  	s28 =	sadd.s32 $0xFFFFFFFF, s26;
	s29 =	rddreg [dreg:$0x3];
	[sflag:s5] =	ssyncset.done $0x0  }
0x126: {  	s25 =	simm.s32 $0x3  }
.LBB2_3:
0x127: {  	[sflag:s5] =	ssyncadd.s32 $0xFFFFE000;
	s7 =	simm.s32 $0x19  }
0x128: {  	[tilespmem:s2], [sflag:$0x19] =	stream.linear.gather [hbm4b:s29+s2], $0xC80, $0x38;
	[tilespmem:$0x18C80] =	vst v63  }
0x129: {  	_ =	swait.ge [sflag:s7], $0xC80  }
0x12a: {  	[sflag:s7] =	ssyncset.done $0x0  }
0x12b: {  	[sflag:s7] =	ssyncadd.s32 $0xFFFFF380  }
0x12c: {  	[tilespmem:s0], [sflag:$0x1] =	stream.indirect.gather [hbm4b:s3+s8], $0x40, s2, s8, $0xb8;
	[tilespmem:$0x18C80] =	vst v63  }
0x12d: {  	s24 =	simm.s32 $0x2C80;
	s29 =	rddreg [dreg:$0x1d]  }
0x12e: {  	[tilespmem:s24], [sflag:$0x2] =	stream.indirect.gather [hbm4b:s3+s8], $0x40, s8, s8, $0xb8;
	[tilespmem:$0x18C80] =	vst v63  }
0x12f: {  	s18 =	simm.s32 $0x4C80;
	s30 =	rddreg [dreg:$0x1e]  }
0x130: {  	[tilespmem:s18], [sflag:$0x3] =	stream.indirect.gather [hbm4b:s3+s8], $0x40, s29, s8, $0xb8;
	[tilespmem:$0x18C80] =	vst v63  }
0x131: {  	s19 =	simm.s32 $0x6C80;
	s29 =	rddreg [dreg:$0x1f]  }
0x132: {  	[tilespmem:s19], [sflag:$0x4] =	stream.indirect.gather [hbm4b:s3+s8], $0x40, s30, s8, $0xb8;
	[tilespmem:$0x18C80] =	vst v63  }
0x133: {  	s20 =	simm.s32 $0x8C80;
	s30 =	sld [smem:$0x7EA]  }
0x134: {  	[tilespmem:s20], [sflag:$0x5] =	stream.indirect.gather [hbm4b:s3+s8], $0x40, s29, s8, $0xb8;
	[tilespmem:$0x18C80] =	vst v63  }
0x135: {  	s21 =	simm.s32 $0xAC80;
	s29 =	sld [smem:$0x7EB]  }
0x136: {  	[tilespmem:s21], [sflag:$0x6] =	stream.indirect.gather [hbm4b:s3+s8], $0x40, s30, s8, $0xb8;
	[tilespmem:$0x18C80] =	vst v63  }
0x137: {  	s6 =	simm.s32 $0xCC80;
	s30 =	sld [smem:$0x7EC]  }
0x138: {  	[tilespmem:s6], [sflag:$0x7] =	stream.indirect.gather [hbm4b:s3+s8], $0x40, s29, s8, $0xb8;
	[tilespmem:$0x18C80] =	vst v63  }
0x139: {  	s18 =	simm.s32 $0xEC80;
	s29 =	sld [smem:$0x7ED]  }
0x13a: {  	[tilespmem:s18], [sflag:$0x8] =	stream.indirect.gather [hbm4b:s3+s8], $0x40, s30, s8, $0xb8;
	[tilespmem:$0x18C80] =	vst v63  }
0x13b: {  	s0 =	simm.s32 $0x1;
	s18 =	simm.s32 $0x10C80  }
0x13c: {  	[tilespmem:s18], [sflag:$0x9] =	stream.indirect.gather [hbm4b:s3+s8], $0x40, s29, s8, $0xb8;
	[tilespmem:$0x18C80] =	vst v63  }
0x13d: {  	_ =	swait.ge [sflag:s0], $0x2000  }
0x13e: {  	s29 =	rddreg [dreg:$0x4];
	[sflag:s0] =	ssyncset.done $0x0  }
0x13f: {  	s7 =	simm.s32 $0xC80;
	s30 =	sld [smem:$0x7EE];
	[sflag:s0] =	ssyncadd.s32 $0xFFFFE000  }
0x140: {  	[hbm4b:s29+s2] =	stream.linear.scatter [tilespmem:s7], [sflag:$0xD], $0x2000, $0x38;
	[tilespmem:$0x18C80] =	vst v63  }
0x141: {  	s4 =	simm.s32 $0x12C80  }
0x142: {  	[tilespmem:s4], [sflag:$0xA] =	stream.indirect.gather [hbm4b:s3+s8], $0x40, s30, s8, $0xb8;
	[tilespmem:$0x18C80] =	vst v63  }
0x143: {  	s4 =	simm.s32 $0x2  }
0x144: {  	_ =	swait.ge [sflag:s4], $0x2000  }
0x145: {  	s29 =	rddreg [dreg:$0x5];
	[sflag:s4] =	ssyncset.done $0x0  }
0x146: {  	s30 =	sld [smem:$0x7EF];
	[sflag:s4] =	ssyncadd.s32 $0xFFFFE000  }
0x147: {  	[hbm4b:s29+s2] =	stream.linear.scatter [tilespmem:s24], [sflag:$0xE], $0x2000, $0x38;
	[tilespmem:$0x18C80] =	vst v63  }
0x148: {  	s21 =	simm.s32 $0x14C80  }
0x149: {  	[tilespmem:s21], [sflag:$0xB] =	stream.indirect.gather [hbm4b:s3+s8], $0x40, s30, s8, $0xb8;
	[tilespmem:$0x18C80] =	vst v63  }
0x14a: {  	_ =	swait.ge [sflag:s25], $0x2000  }
0x14b: {  	s29 =	rddreg [dreg:$0x6];
	[sflag:s25] =	ssyncset.done $0x0  }
0x14c: {  	s1 =	simm.s32 $0x4C80;
	s30 =	sld [smem:$0x7F0];
	[sflag:s25] =	ssyncadd.s32 $0xFFFFE000  }
0x14d: {  	[hbm4b:s29+s2] =	stream.linear.scatter [tilespmem:s1], [sflag:$0xF], $0x2000, $0x38;
	[tilespmem:$0x18C80] =	vst v63  }
0x14e: {  	s7 =	simm.s32 $0x16C80;
	s21 =	simm.s32 $0x4  }
0x14f: {  	[tilespmem:s7], [sflag:$0xC] =	stream.indirect.gather [hbm4b:s3+s8], $0x40, s30, s8, $0xb8;
	[tilespmem:$0x18C80] =	vst v63  }
0x150: {  	_ =	swait.ge [sflag:s21], $0x2000  }
0x151: {  	s5 =	simm.s32 $0x6C80;
	[sflag:s21] =	ssyncset.done $0x0  }
0x152: {  	s6 =	simm.s32 $0xD;
	s29 =	rddreg [dreg:$0x7];
	[sflag:s21] =	ssyncadd.s32 $0xFFFFE000  }
0x153: {  	[hbm4b:s29+s2] =	stream.linear.scatter [tilespmem:s5], [sflag:$0x10], $0x2000, $0x38;
	[tilespmem:$0x18C80] =	vst v63  }
0x154: {  	_ =	swait.ge [sflag:s6], $0x2000  }
0x155: {  	s29 =	sld [smem:$0x7F1]  }
0x156: {  	[sflag:s6] =	ssyncset.done $0x0  }
0x157: {  	s16 =	simm.s32 $0x5;
	s19 =	simm.s32 $0xC80;
	[sflag:s6] =	ssyncadd.s32 $0xFFFFE000  }
0x158: {  	[tilespmem:s19], [sflag:$0x1] =	stream.indirect.gather [hbm4b:s3+s8], $0x40, s29, s8, $0xb8;
	[tilespmem:$0x18C80] =	vst v63  }
0x159: {  	_ =	swait.ge [sflag:s16], $0x2000  }
0x15a: {  	s23 =	simm.s32 $0xE;
	[sflag:s16] =	ssyncset.done $0x0  }
0x15b: {  	s19 =	simm.s32 $0x8C80;
	s29 =	rddreg [dreg:$0x8];
	[sflag:s16] =	ssyncadd.s32 $0xFFFFE000  }
0x15c: {  	[hbm4b:s29+s2] =	stream.linear.scatter [tilespmem:s19], [sflag:$0x11], $0x2000, $0x38;
	[tilespmem:$0x18C80] =	vst v63  }
0x15d: {  	_ =	swait.ge [sflag:s23], $0x2000  }
0x15e: {  	s29 =	sld [smem:$0x7F2]  }
0x15f: {  	[sflag:s23] =	ssyncset.done $0x0  }
0x160: {  	s16 =	simm.s32 $0x6;
	[sflag:s23] =	ssyncadd.s32 $0xFFFFE000  }
0x161: {  	[tilespmem:s24], [sflag:$0x2] =	stream.indirect.gather [hbm4b:s3+s8], $0x40, s29, s8, $0xb8;
	[tilespmem:$0x18C80] =	vst v63  }
0x162: {  	_ =	swait.ge [sflag:s16], $0x2000  }
0x163: {  	s31 =	simm.s32 $0xF;
	[sflag:s16] =	ssyncset.done $0x0  }
0x164: {  	s7 =	simm.s32 $0xAC80;
	s29 =	rddreg [dreg:$0x9];
	[sflag:s16] =	ssyncadd.s32 $0xFFFFE000  }
0x165: {  	[hbm4b:s29+s2] =	stream.linear.scatter [tilespmem:s7], [sflag:$0x12], $0x2000, $0x38;
	[tilespmem:$0x18C80] =	vst v63  }
0x166: {  	_ =	swait.ge [sflag:s31], $0x2000  }
0x167: {  	s29 =	sld [smem:$0x7F3]  }
0x168: {  	[sflag:s31] =	ssyncset.done $0x0  }
0x169: {  	s14 =	simm.s32 $0x7;
	s20 =	simm.s32 $0x4C80;
	[sflag:s31] =	ssyncadd.s32 $0xFFFFE000  }
0x16a: {  	[tilespmem:s20], [sflag:$0x3] =	stream.indirect.gather [hbm4b:s3+s8], $0x40, s29, s8, $0xb8;
	[tilespmem:$0x18C80] =	vst v63  }
0x16b: {  	_ =	swait.ge [sflag:s14], $0x2000  }
0x16c: {  	s26 =	simm.s32 $0x10;
	[sflag:s14] =	ssyncset.done $0x0  }
0x16d: {  	s30 =	simm.s32 $0xCC80;
	s29 =	rddreg [dreg:$0xa];
	[sflag:s14] =	ssyncadd.s32 $0xFFFFE000  }
0x16e: {  	[hbm4b:s29+s2] =	stream.linear.scatter [tilespmem:s30], [sflag:$0x13], $0x2000, $0x38;
	[tilespmem:$0x18C80] =	vst v63  }
0x16f: {  	_ =	swait.ge [sflag:s26], $0x2000  }
0x170: {  	s29 =	sld [smem:$0x7F4]  }
0x171: {  	[sflag:s26] =	ssyncset.done $0x0  }
0x172: {  	s13 =	simm.s32 $0x8;
	s1 =	simm.s32 $0x6C80;
	[sflag:s26] =	ssyncadd.s32 $0xFFFFE000  }
0x173: {  	[tilespmem:s1], [sflag:$0x4] =	stream.indirect.gather [hbm4b:s3+s8], $0x40, s29, s8, $0xb8;
	[tilespmem:$0x18C80] =	vst v63  }
0x174: {  	_ =	swait.ge [sflag:s13], $0x2000  }
0x175: {  	s18 =	simm.s32 $0xEC80;
	[sflag:s13] =	ssyncset.done $0x0  }
0x176: {  	s23 =	simm.s32 $0x11;
	s29 =	rddreg [dreg:$0xb];
	[sflag:s13] =	ssyncadd.s32 $0xFFFFE000  }
0x177: {  	[hbm4b:s29+s2] =	stream.linear.scatter [tilespmem:s18], [sflag:$0x14], $0x2000, $0x38;
	[tilespmem:$0x18C80] =	vst v63  }
0x178: {  	_ =	swait.ge [sflag:s23], $0x2000  }
0x179: {  	s29 =	sld [smem:$0x7F5]  }
0x17a: {  	[sflag:s23] =	ssyncset.done $0x0  }
0x17b: {  	s12 =	simm.s32 $0x9;
	[sflag:s23] =	ssyncadd.s32 $0xFFFFE000  }
0x17c: {  	[tilespmem:s19], [sflag:$0x5] =	stream.indirect.gather [hbm4b:s3+s8], $0x40, s29, s8, $0xb8;
	[tilespmem:$0x18C80] =	vst v63  }
0x17d: {  	_ =	swait.ge [sflag:s12], $0x2000  }
0x17e: {  	s22 =	simm.s32 $0x12;
	[sflag:s12] =	ssyncset.done $0x0  }
0x17f: {  	s26 =	simm.s32 $0x10C80;
	s29 =	rddreg [dreg:$0xc];
	[sflag:s12] =	ssyncadd.s32 $0xFFFFE000  }
0x180: {  	[hbm4b:s29+s2] =	stream.linear.scatter [tilespmem:s26], [sflag:$0x15], $0x2000, $0x38;
	[tilespmem:$0x18C80] =	vst v63  }
0x181: {  	_ =	swait.ge [sflag:s22], $0x2000  }
0x182: {  	s29 =	sld [smem:$0x7F6]  }
0x183: {  	[sflag:s22] =	ssyncset.done $0x0  }
0x184: {  	s10 =	simm.s32 $0xA;
	[sflag:s22] =	ssyncadd.s32 $0xFFFFE000  }
0x185: {  	[tilespmem:s7], [sflag:$0x6] =	stream.indirect.gather [hbm4b:s3+s8], $0x40, s29, s8, $0xb8;
	[tilespmem:$0x18C80] =	vst v63  }
0x186: {  	_ =	swait.ge [sflag:s10], $0x2000  }
0x187: {  	s9 =	simm.s32 $0x13;
	[sflag:s10] =	ssyncset.done $0x0  }
0x188: {  	s14 =	simm.s32 $0x12C80;
	s29 =	rddreg [dreg:$0xd];
	[sflag:s10] =	ssyncadd.s32 $0xFFFFE000  }
0x189: {  	[hbm4b:s29+s2] =	stream.linear.scatter [tilespmem:s14], [sflag:$0x16], $0x2000, $0x38;
	[tilespmem:$0x18C80] =	vst v63  }
0x18a: {  	_ =	swait.ge [sflag:s9], $0x2000  }
0x18b: {  	s29 =	sld [smem:$0x7F7]  }
0x18c: {  	[sflag:s9] =	ssyncset.done $0x0  }
0x18d: {  	s11 =	simm.s32 $0xB;
	[sflag:s9] =	ssyncadd.s32 $0xFFFFE000  }
0x18e: {  	[tilespmem:s30], [sflag:$0x7] =	stream.indirect.gather [hbm4b:s3+s8], $0x40, s29, s8, $0xb8;
	[tilespmem:$0x18C80] =	vst v63  }
0x18f: {  	_ =	swait.ge [sflag:s11], $0x2000  }
0x190: {  	s15 =	simm.s32 $0x14;
	[sflag:s11] =	ssyncset.done $0x0  }
0x191: {  	s1 =	simm.s32 $0x14C80;
	s29 =	rddreg [dreg:$0xe];
	[sflag:s11] =	ssyncadd.s32 $0xFFFFE000  }
0x192: {  	[hbm4b:s29+s2] =	stream.linear.scatter [tilespmem:s1], [sflag:$0x17], $0x2000, $0x38;
	[tilespmem:$0x18C80] =	vst v63  }
0x193: {  	_ =	swait.ge [sflag:s15], $0x2000  }
0x194: {  	s29 =	sld [smem:$0x7F8]  }
0x195: {  	[sflag:s15] =	ssyncset.done $0x0  }
0x196: {  	s31 =	simm.s32 $0xC;
	[sflag:s15] =	ssyncadd.s32 $0xFFFFE000  }
0x197: {  	[tilespmem:s18], [sflag:$0x8] =	stream.indirect.gather [hbm4b:s3+s8], $0x40, s29, s8, $0xb8;
	[tilespmem:$0x18C80] =	vst v63  }
0x198: {  	_ =	swait.ge [sflag:s31], $0x2000  }
0x199: {  	s17 =	simm.s32 $0x15;
	[sflag:s31] =	ssyncset.done $0x0  }
0x19a: {  	s18 =	simm.s32 $0x16C80;
	s29 =	rddreg [dreg:$0xf];
	[sflag:s31] =	ssyncadd.s32 $0xFFFFE000  }
0x19b: {  	[hbm4b:s29+s2] =	stream.linear.scatter [tilespmem:s18], [sflag:$0x18], $0x2000, $0x38;
	[tilespmem:$0x18C80] =	vst v63  }
0x19c: {  	_ =	swait.ge [sflag:s17], $0x2000  }
0x19d: {  	s29 =	sld [smem:$0x7F9]  }
0x19e: {  	[sflag:s17] =	ssyncset.done $0x0  }
0x19f: {  	[sflag:s17] =	ssyncadd.s32 $0xFFFFE000  }
0x1a0: {  	[tilespmem:s26], [sflag:$0x9] =	stream.indirect.gather [hbm4b:s3+s8], $0x40, s29, s8, $0xb8;
	[tilespmem:$0x18C80] =	vst v63  }
0x1a1: {  	_ =	swait.ge [sflag:s0], $0x2000  }
0x1a2: {  	s15 =	simm.s32 $0x16;
	[sflag:s0] =	ssyncset.done $0x0  }
0x1a3: {  	s26 =	simm.s32 $0xC80;
	s29 =	rddreg [dreg:$0x10];
	[sflag:s0] =	ssyncadd.s32 $0xFFFFE000  }
0x1a4: {  	[hbm4b:s29+s2] =	stream.linear.scatter [tilespmem:s26], [sflag:$0xD], $0x2000, $0x38;
	[tilespmem:$0x18C80] =	vst v63  }
0x1a5: {  	_ =	swait.ge [sflag:s15], $0x2000  }
0x1a6: {  	s9 =	simm.s32 $0x16;
	s29 =	sld [smem:$0x7FA]  }
0x1a7: {  	s11 =	simm.s32 $0x16;
	[sflag:s9] =	ssyncset.done $0x0  }
0x1a8: {  	[sflag:s11] =	ssyncadd.s32 $0xFFFFE000  }
0x1a9: {  	[tilespmem:s14], [sflag:$0xA] =	stream.indirect.gather [hbm4b:s3+s8], $0x40, s29, s8, $0xb8;
	[tilespmem:$0x18C80] =	vst v63  }
0x1aa: {  	_ =	swait.ge [sflag:s4], $0x2000  }
0x1ab: {  	[sflag:s4] =	ssyncset.done $0x0  }
0x1ac: {  	s14 =	simm.s32 $0x17;
	s29 =	rddreg [dreg:$0x11];
	[sflag:s4] =	ssyncadd.s32 $0xFFFFE000  }
0x1ad: {  	[hbm4b:s29+s2] =	stream.linear.scatter [tilespmem:s24], [sflag:$0xE], $0x2000, $0x38;
	[tilespmem:$0x18C80] =	vst v63  }
0x1ae: {  	_ =	swait.ge [sflag:s14], $0x2000  }
0x1af: {  	s24 =	simm.s32 $0x17;
	s29 =	sld [smem:$0x7FB]  }
0x1b0: {  	s4 =	simm.s32 $0x17;
	[sflag:s24] =	ssyncset.done $0x0  }
0x1b1: {  	[sflag:s4] =	ssyncadd.s32 $0xFFFFE000  }
0x1b2: {  	[tilespmem:s1], [sflag:$0xB] =	stream.indirect.gather [hbm4b:s3+s8], $0x40, s29, s8, $0xb8;
	[tilespmem:$0x18C80] =	vst v63  }
0x1b3: {  	_ =	swait.ge [sflag:s25], $0x2000  }
0x1b4: {  	s9 =	simm.s32 $0x4C80;
	[sflag:s25] =	ssyncset.done $0x0  }
0x1b5: {  	s14 =	simm.s32 $0x18;
	s29 =	rddreg [dreg:$0x12];
	[sflag:s25] =	ssyncadd.s32 $0xFFFFE000  }
0x1b6: {  	[hbm4b:s29+s2] =	stream.linear.scatter [tilespmem:s9], [sflag:$0xF], $0x2000, $0x38;
	[tilespmem:$0x18C80] =	vst v63  }
0x1b7: {  	_ =	swait.ge [sflag:s14], $0x2000  }
0x1b8: {  	s29 =	sld [smem:$0x7FC]  }
0x1b9: {  	[sflag:s14] =	ssyncset.done $0x0  }
0x1ba: {  	[sflag:s14] =	ssyncadd.s32 $0xFFFFE000  }
0x1bb: {  	[tilespmem:s18], [sflag:$0xC] =	stream.indirect.gather [hbm4b:s3+s8], $0x40, s29, s8, $0xb8;
	[tilespmem:$0x18C80] =	vst v63  }
0x1bc: {  	_ =	swait.ge [sflag:s21], $0x2000  }
0x1bd: {  	[sflag:s21] =	ssyncset.done $0x0  }
0x1be: {  	s18 =	simm.s32 $0x6C80;
	s29 =	rddreg [dreg:$0x13];
	[sflag:s21] =	ssyncadd.s32 $0xFFFFE000  }
0x1bf: {  	[hbm4b:s29+s2] =	stream.linear.scatter [tilespmem:s18], [sflag:$0x10], $0x2000, $0x38;
	[tilespmem:$0x18C80] =	vst v63  }
0x1c0: {  	_ =	swait.ge [sflag:s6], $0x2000  }
0x1c1: {  	s29 =	sld [smem:$0x7FD]  }
0x1c2: {  	[sflag:s6] =	ssyncset.done $0x0  }
0x1c3: {  	s5 =	simm.s32 $0x5;
	[sflag:s6] =	ssyncadd.s32 $0xFFFFE000  }
0x1c4: {  	[tilespmem:s26], [sflag:$0x1] =	stream.indirect.gather [hbm4b:s3+s8], $0x40, s29, s8, $0xb8;
	[tilespmem:$0x18C80] =	vst v63  }
0x1c5: {  	_ =	swait.ge [sflag:s5], $0x2000  }
0x1c6: {  	[sflag:s5] =	ssyncset.done $0x0  }
0x1c7: {  	s20 =	simm.s32 $0x8C80;
	s29 =	rddreg [dreg:$0x14];
	[sflag:s5] =	ssyncadd.s32 $0xFFFFE000  }
0x1c8: {  	[hbm4b:s29+s2] =	stream.linear.scatter [tilespmem:s20], [sflag:$0x11], $0x2000, $0x38;
	[tilespmem:$0x18C80] =	vst v63  }
0x1c9: {  	_ =	swait.ge [sflag:s16], $0x2000  }
0x1ca: {  	s13 =	simm.s32 $0x7;
	[sflag:s16] =	ssyncset.done $0x0  }
0x1cb: {  	s21 =	simm.s32 $0xAC80;
	s29 =	rddreg [dreg:$0x15];
	[sflag:s16] =	ssyncadd.s32 $0xFFFFE000  }
0x1cc: {  	[hbm4b:s29+s2] =	stream.linear.scatter [tilespmem:s21], [sflag:$0x12], $0x2000, $0x38;
	[tilespmem:$0x18C80] =	vst v63  }
0x1cd: {  	_ =	swait.ge [sflag:s13], $0x2000  }
0x1ce: {  	s12 =	simm.s32 $0x8;
	[sflag:s13] =	ssyncset.done $0x0  }
0x1cf: {  	s26 =	simm.s32 $0xCC80;
	s29 =	rddreg [dreg:$0x16];
	[sflag:s13] =	ssyncadd.s32 $0xFFFFE000  }
0x1d0: {  	[hbm4b:s29+s2] =	stream.linear.scatter [tilespmem:s26], [sflag:$0x13], $0x2000, $0x38;
	[tilespmem:$0x18C80] =	vst v63  }
0x1d1: {  	_ =	swait.ge [sflag:s12], $0x2000  }
0x1d2: {  	s10 =	simm.s32 $0x9;
	[sflag:s12] =	ssyncset.done $0x0  }
0x1d3: {  	s20 =	simm.s32 $0xEC80;
	s29 =	rddreg [dreg:$0x17];
	[sflag:s12] =	ssyncadd.s32 $0xFFFFE000  }
0x1d4: {  	[hbm4b:s29+s2] =	stream.linear.scatter [tilespmem:s20], [sflag:$0x14], $0x2000, $0x38;
	[tilespmem:$0x18C80] =	vst v63  }
0x1d5: {  	_ =	swait.ge [sflag:s10], $0x2000  }
0x1d6: {  	s30 =	simm.s32 $0xA;
	[sflag:s10] =	ssyncset.done $0x0  }
0x1d7: {  	s21 =	simm.s32 $0x10C80;
	s29 =	rddreg [dreg:$0x18];
	[sflag:s10] =	ssyncadd.s32 $0xFFFFE000  }
0x1d8: {  	[hbm4b:s29+s2] =	stream.linear.scatter [tilespmem:s21], [sflag:$0x15], $0x2000, $0x38;
	[tilespmem:$0x18C80] =	vst v63  }
0x1d9: {  	_ =	swait.ge [sflag:s30], $0x2000  }
0x1da: {  	s1 =	simm.s32 $0xB;
	[sflag:s30] =	ssyncset.done $0x0  }
0x1db: {  	s26 =	simm.s32 $0x12C80;
	s29 =	rddreg [dreg:$0x19];
	[sflag:s30] =	ssyncadd.s32 $0xFFFFE000  }
0x1dc: {  	[hbm4b:s29+s2] =	stream.linear.scatter [tilespmem:s26], [sflag:$0x16], $0x2000, $0x38;
	[tilespmem:$0x18C80] =	vst v63  }
0x1dd: {  	_ =	swait.ge [sflag:s1], $0x2000  }
0x1de: {  	[sflag:s1] =	ssyncset.done $0x0  }
0x1df: {  	s0 =	simm.s32 $0x14C80;
	s29 =	rddreg [dreg:$0x1a];
	[sflag:s1] =	ssyncadd.s32 $0xFFFFE000  }
0x1e0: {  	[hbm4b:s29+s2] =	stream.linear.scatter [tilespmem:s0], [sflag:$0x17], $0x2000, $0x38;
	[tilespmem:$0x18C80] =	vst v63  }
0x1e1: {  	_ =	swait.ge [sflag:s31], $0x2000  }
0x1e2: {  	s4 =	simm.s32 $0x16C80;
	[sflag:s31] =	ssyncset.done $0x0  }
0x1e3: {  	s6 =	simm.s32 $0x1;
	s29 =	rddreg [dreg:$0x1b];
	[sflag:s31] =	ssyncadd.s32 $0xFFFFE000  }
0x1e4: {  	[hbm4b:s29+s2] =	stream.linear.scatter [tilespmem:s4], [sflag:$0x18], $0x2000, $0x38;
	[tilespmem:$0x18C80] =	vst v63  }
0x1e5: {  	_ =	swait.ge [sflag:s6], $0x2000  }
0x1e6: {  	s22 =	simm.s32 $0xE;
	[sflag:s6] =	ssyncset.done $0x0  }
0x1e7: {  	s18 =	simm.s32 $0xC80;
	s29 =	rddreg [dreg:$0x1c];
	[sflag:s6] =	ssyncadd.s32 $0xFFFFE000  }
0x1e8: {  	[hbm4b:s29+s2] =	stream.linear.scatter [tilespmem:s18], [sflag:$0xD], $0x2000, $0x38;
	[tilespmem:$0x18C80] =	vst v63  }
0x1e9: {  	_ =	swait.ge [sflag:s22], $0x2000  }
0x1ea: {  	[sflag:s22] =	ssyncset.done $0x0  }
0x1eb: {  	s21 =	simm.s32 $0xF;
	[sflag:s22] =	ssyncadd.s32 $0xFFFFE000  }
0x1ec: {  	_ =	swait.ge [sflag:s21], $0x2000  }
0x1ed: {  	s26 =	simm.s32 $0xF;
	[sflag:s21] =	ssyncset.done $0x0  }
0x1ee: {  	s24 =	simm.s32 $0x10;
	[sflag:s26] =	ssyncadd.s32 $0xFFFFE000  }
0x1ef: {  	_ =	swait.ge [sflag:s24], $0x2000  }
0x1f0: {  	[sflag:s24] =	ssyncset.done $0x0  }
0x1f1: {  	[sflag:s24] =	ssyncadd.s32 $0xFFFFE000  }
0x1f2: {  	_ =	swait.ge [sflag:s23], $0x2000  }
0x1f3: {  	[sflag:s23] =	ssyncset.done $0x0  }
0x1f4: {  	s19 =	simm.s32 $0x12;
	[sflag:s23] =	ssyncadd.s32 $0xFFFFE000  }
0x1f5: {  	_ =	swait.ge [sflag:s19], $0x2000  }
0x1f6: {  	[sflag:s19] =	ssyncset.done $0x0  }
0x1f7: {  	s7 =	simm.s32 $0x13;
	[sflag:s19] =	ssyncadd.s32 $0xFFFFE000  }
0x1f8: {  	_ =	swait.ge [sflag:s7], $0x2000  }
0x1f9: {  	[sflag:s7] =	ssyncset.done $0x0  }
0x1fa: {  	s17 =	simm.s32 $0x14;
	[sflag:s7] =	ssyncadd.s32 $0xFFFFE000  }
0x1fb: {  	_ =	swait.ge [sflag:s17], $0x2000  }
0x1fc: {  	[sflag:s17] =	ssyncset.done $0x0  }
0x1fd: {  	s15 =	simm.s32 $0x15;
	[sflag:s17] =	ssyncadd.s32 $0xFFFFE000  }
0x1fe: {  	_ =	swait.ge [sflag:s15], $0x2000  }
0x1ff: {  	[sflag:s15] =	ssyncset.done $0x0  }
0x200: {  	s11 =	simm.s32 $0x16;
	[sflag:s15] =	ssyncadd.s32 $0xFFFFE000  }
0x201: {  	_ =	swait.ge [sflag:s11], $0x2000  }
0x202: {  	[sflag:s11] =	ssyncset.done $0x0  }
0x203: {  	s9 =	simm.s32 $0x17;
	[sflag:s11] =	ssyncadd.s32 $0xFFFFE000  }
0x204: {  	_ =	swait.ge [sflag:s9], $0x2000  }
0x205: {  	[sflag:s9] =	ssyncset.done $0x0  }
0x206: {  	p1 =	sne.s32 s28, $0x1;
	s14 =	simm.s32 $0x18;
	[sflag:s9] =	ssyncadd.s32 $0xFFFFE000  }
.Ltmp2:
0x207: {  	_ =	swait.ge [sflag:s14], $0x2000;
	(pc) =	sbr.rel @p1 .LBB2_3-.Ltmp2, $4  }
0x208: {  	[sflag:s14] =	ssyncset.done $0x0  }
0x209: {  	s5 =	simm.s32 $0xD;
	[sflag:s14] =	ssyncadd.s32 $0xFFFFE000  }
0x20a: {  	s28 =	sadd.s32 $0xFFFFFFFF, s28;
	_ =	swait.ge [sflag:s5], $0x2000  }
0x20b: {  	s0 =	simm.s32 $0xC80;
	s29 =	rddreg [dreg:$0x3];
	[sflag:s5] =	ssyncset.done $0x0  }
0x20c: {  	s21 =	simm.s32 $0x4;
	s25 =	simm.s32 $0x3;
	s4 =	simm.s32 $0x2  }
.LBB2_5:
0x20d: {  	[sflag:s5] =	ssyncadd.s32 @p0 $0xFFFFE000;
	s28 =	simm.s32 $0x19  }
0x20e: {  	[tilespmem:s2], [sflag:$0x19] =	stream.linear.gather [hbm4b:s29+s2], $0xC80, $0x38;
	[tilespmem:$0x18C80] =	vst v63  }
0x20f: {  	_ =	swait.ge [sflag:s28], $0xC80  }
0x210: {  	[sflag:s28] =	ssyncset.done $0x0  }
0x211: {  	s0 =	simm.s32 $0xC80;
	[sflag:s28] =	ssyncadd.s32 $0xFFFFF380  }
0x212: {  	[tilespmem:s0], [sflag:$0x1] =	stream.indirect.gather [hbm4b:s3+s8], $0x40, s2, s8, $0xb8;
	[tilespmem:$0x18C80] =	vst v63  }
0x213: {  	s14 =	simm.s32 $0x2C80;
	s20 =	rddreg [dreg:$0x1d]  }
0x214: {  	[tilespmem:s14], [sflag:$0x2] =	stream.indirect.gather [hbm4b:s3+s8], $0x40, s8, s8, $0xb8;
	[tilespmem:$0x18C80] =	vst v63  }
0x215: {  	s26 =	simm.s32 $0x4C80;
	s29 =	rddreg [dreg:$0x1e]  }
0x216: {  	[tilespmem:s26], [sflag:$0x3] =	stream.indirect.gather [hbm4b:s3+s8], $0x40, s20, s8, $0xb8;
	[tilespmem:$0x18C80] =	vst v63  }
0x217: {  	s28 =	rddreg [dreg:$0x1f];
	s20 =	simm.s32 $0x6C80  }
0x218: {  	[tilespmem:s20], [sflag:$0x4] =	stream.indirect.gather [hbm4b:s3+s8], $0x40, s29, s8, $0xb8;
	[tilespmem:$0x18C80] =	vst v63  }
0x219: {  	s14 =	simm.s32 $0x8C80;
	s29 =	sld [smem:$0x7EA]  }
0x21a: {  	[tilespmem:s14], [sflag:$0x5] =	stream.indirect.gather [hbm4b:s3+s8], $0x40, s28, s8, $0xb8;
	[tilespmem:$0x18C80] =	vst v63  }
0x21b: {  	s28 =	sld [smem:$0x7EB];
	s14 =	simm.s32 $0xAC80  }
0x21c: {  	[tilespmem:s14], [sflag:$0x6] =	stream.indirect.gather [hbm4b:s3+s8], $0x40, s29, s8, $0xb8;
	[tilespmem:$0x18C80] =	vst v63  }
0x21d: {  	s29 =	sld [smem:$0x7EC];
	s14 =	simm.s32 $0xCC80  }
0x21e: {  	[tilespmem:s14], [sflag:$0x7] =	stream.indirect.gather [hbm4b:s3+s8], $0x40, s28, s8, $0xb8;
	[tilespmem:$0x18C80] =	vst v63  }
0x21f: {  	s28 =	sld [smem:$0x7ED];
	s14 =	simm.s32 $0xEC80  }
0x220: {  	[tilespmem:s14], [sflag:$0x8] =	stream.indirect.gather [hbm4b:s3+s8], $0x40, s29, s8, $0xb8;
	[tilespmem:$0x18C80] =	vst v63  }
0x221: {  	s29 =	simm.s32 $0x10C80  }
0x222: {  	[tilespmem:s29], [sflag:$0x9] =	stream.indirect.gather [hbm4b:s3+s8], $0x40, s28, s8, $0xb8;
	[tilespmem:$0x18C80] =	vst v63  }
0x223: {  	_ =	swait.ge [sflag:s6], $0x2000  }
0x224: {  	s28 =	rddreg [dreg:$0x4];
	[sflag:s6] =	ssyncset.done $0x0  }
0x225: {  	s0 =	simm.s32 $0xC80;
	s14 =	sld [smem:$0x7EE];
	[sflag:s6] =	ssyncadd.s32 $0xFFFFE000  }
0x226: {  	[hbm4b:s28+s2] =	stream.linear.scatter [tilespmem:s0], [sflag:$0xD], $0x2000, $0x38;
	[tilespmem:$0x18C80] =	vst v63  }
0x227: {  	s28 =	simm.s32 $0x12C80  }
0x228: {  	[tilespmem:s28], [sflag:$0xA] =	stream.indirect.gather [hbm4b:s3+s8], $0x40, s14, s8, $0xb8;
	[tilespmem:$0x18C80] =	vst v63  }
0x229: {  	_ =	swait.ge [sflag:s4], $0x2000  }
0x22a: {  	s28 =	rddreg [dreg:$0x5];
	[sflag:s4] =	ssyncset.done $0x0  }
0x22b: {  	s18 =	simm.s32 $0x2C80;
	s14 =	sld [smem:$0x7EF];
	[sflag:s4] =	ssyncadd.s32 $0xFFFFE000  }
0x22c: {  	[hbm4b:s28+s2] =	stream.linear.scatter [tilespmem:s18], [sflag:$0xE], $0x2000, $0x38;
	[tilespmem:$0x18C80] =	vst v63  }
0x22d: {  	s28 =	simm.s32 $0x14C80  }
0x22e: {  	[tilespmem:s28], [sflag:$0xB] =	stream.indirect.gather [hbm4b:s3+s8], $0x40, s14, s8, $0xb8;
	[tilespmem:$0x18C80] =	vst v63  }
0x22f: {  	_ =	swait.ge [sflag:s25], $0x2000  }
0x230: {  	s28 =	rddreg [dreg:$0x6];
	[sflag:s25] =	ssyncset.done $0x0  }
0x231: {  	s26 =	simm.s32 $0x4C80;
	s14 =	sld [smem:$0x7F0];
	[sflag:s25] =	ssyncadd.s32 $0xFFFFE000  }
0x232: {  	[hbm4b:s28+s2] =	stream.linear.scatter [tilespmem:s26], [sflag:$0xF], $0x2000, $0x38;
	[tilespmem:$0x18C80] =	vst v63  }
0x233: {  	s28 =	simm.s32 $0x16C80  }
0x234: {  	[tilespmem:s28], [sflag:$0xC] =	stream.indirect.gather [hbm4b:s3+s8], $0x40, s14, s8, $0xb8;
	[tilespmem:$0x18C80] =	vst v63  }
0x235: {  	_ =	swait.ge [sflag:s21], $0x2000  }
0x236: {  	[sflag:s21] =	ssyncset.done $0x0  }
0x237: {  	s20 =	simm.s32 $0x6C80;
	s14 =	rddreg [dreg:$0x7];
	[sflag:s21] =	ssyncadd.s32 $0xFFFFE000  }
0x238: {  	[hbm4b:s14+s2] =	stream.linear.scatter [tilespmem:s20], [sflag:$0x10], $0x2000, $0x38;
	[tilespmem:$0x18C80] =	vst v63  }
0x239: {  	_ =	swait.ge [sflag:s5], $0x2000  }
0x23a: {  	s20 =	sld [smem:$0x7F1]  }
0x23b: {  	[sflag:s5] =	ssyncset.done $0x0  }
0x23c: {  	s0 =	simm.s32 $0xC80;
	[sflag:s5] =	ssyncadd.s32 $0xFFFFE000  }
0x23d: {  	[tilespmem:s0], [sflag:$0x1] =	stream.indirect.gather [hbm4b:s3+s8], $0x40, s20, s8, $0xb8;
	[tilespmem:$0x18C80] =	vst v63  }
0x23e: {  	s20 =	simm.s32 $0x5  }
0x23f: {  	_ =	swait.ge [sflag:s20], $0x2000  }
0x240: {  	[sflag:s20] =	ssyncset.done $0x0  }
0x241: {  	s29 =	simm.s32 $0x8C80;
	s26 =	rddreg [dreg:$0x8];
	[sflag:s20] =	ssyncadd.s32 $0xFFFFE000  }
0x242: {  	[hbm4b:s26+s2] =	stream.linear.scatter [tilespmem:s29], [sflag:$0x11], $0x2000, $0x38;
	[tilespmem:$0x18C80] =	vst v63  }
0x243: {  	_ =	swait.ge [sflag:s22], $0x2000  }
0x244: {  	s14 =	sld [smem:$0x7F2]  }
0x245: {  	[sflag:s22] =	ssyncset.done $0x0  }
0x246: {  	s18 =	simm.s32 $0x2C80;
	[sflag:s22] =	ssyncadd.s32 $0xFFFFE000  }
0x247: {  	[tilespmem:s18], [sflag:$0x2] =	stream.indirect.gather [hbm4b:s3+s8], $0x40, s14, s8, $0xb8;
	[tilespmem:$0x18C80] =	vst v63  }
0x248: {  	_ =	swait.ge [sflag:s16], $0x2000  }
0x249: {  	[sflag:s16] =	ssyncset.done $0x0  }
0x24a: {  	s29 =	simm.s32 $0xAC80;
	s26 =	rddreg [dreg:$0x9];
	[sflag:s16] =	ssyncadd.s32 $0xFFFFE000  }
0x24b: {  	[hbm4b:s26+s2] =	stream.linear.scatter [tilespmem:s29], [sflag:$0x12], $0x2000, $0x38;
	[tilespmem:$0x18C80] =	vst v63  }
0x24c: {  	s26 =	simm.s32 $0xF  }
0x24d: {  	_ =	swait.ge [sflag:s26], $0x2000  }
0x24e: {  	s14 =	sld [smem:$0x7F3]  }
0x24f: {  	[sflag:s26] =	ssyncset.done $0x0  }
0x250: {  	s18 =	simm.s32 $0x4C80;
	[sflag:s26] =	ssyncadd.s32 $0xFFFFE000  }
0x251: {  	[tilespmem:s18], [sflag:$0x3] =	stream.indirect.gather [hbm4b:s3+s8], $0x40, s14, s8, $0xb8;
	[tilespmem:$0x18C80] =	vst v63  }
0x252: {  	_ =	swait.ge [sflag:s13], $0x2000  }
0x253: {  	[sflag:s13] =	ssyncset.done $0x0  }
0x254: {  	s14 =	simm.s32 $0xCC80;
	s18 =	rddreg [dreg:$0xa];
	[sflag:s13] =	ssyncadd.s32 $0xFFFFE000  }
0x255: {  	[hbm4b:s18+s2] =	stream.linear.scatter [tilespmem:s14], [sflag:$0x13], $0x2000, $0x38;
	[tilespmem:$0x18C80] =	vst v63  }
0x256: {  	_ =	swait.ge [sflag:s24], $0x2000  }
0x257: {  	s28 =	sld [smem:$0x7F4]  }
0x258: {  	[sflag:s24] =	ssyncset.done $0x0  }
0x259: {  	s18 =	simm.s32 $0x6C80;
	[sflag:s24] =	ssyncadd.s32 $0xFFFFE000  }
0x25a: {  	[tilespmem:s18], [sflag:$0x4] =	stream.indirect.gather [hbm4b:s3+s8], $0x40, s28, s8, $0xb8;
	[tilespmem:$0x18C80] =	vst v63  }
0x25b: {  	_ =	swait.ge [sflag:s12], $0x2000  }
0x25c: {  	[sflag:s12] =	ssyncset.done $0x0  }
0x25d: {  	s18 =	simm.s32 $0xEC80;
	s28 =	rddreg [dreg:$0xb];
	[sflag:s12] =	ssyncadd.s32 $0xFFFFE000  }
0x25e: {  	[hbm4b:s28+s2] =	stream.linear.scatter [tilespmem:s18], [sflag:$0x14], $0x2000, $0x38;
	[tilespmem:$0x18C80] =	vst v63  }
0x25f: {  	_ =	swait.ge [sflag:s23], $0x2000  }
0x260: {  	s28 =	sld [smem:$0x7F5]  }
0x261: {  	[sflag:s23] =	ssyncset.done $0x0  }
0x262: {  	s0 =	simm.s32 $0x8C80;
	[sflag:s23] =	ssyncadd.s32 $0xFFFFE000  }
0x263: {  	[tilespmem:s0], [sflag:$0x5] =	stream.indirect.gather [hbm4b:s3+s8], $0x40, s28, s8, $0xb8;
	[tilespmem:$0x18C80] =	vst v63  }
0x264: {  	_ =	swait.ge [sflag:s10], $0x2000  }
0x265: {  	[sflag:s10] =	ssyncset.done $0x0  }
0x266: {  	s0 =	simm.s32 $0x10C80;
	s28 =	rddreg [dreg:$0xc];
	[sflag:s10] =	ssyncadd.s32 $0xFFFFE000  }
0x267: {  	[hbm4b:s28+s2] =	stream.linear.scatter [tilespmem:s0], [sflag:$0x15], $0x2000, $0x38;
	[tilespmem:$0x18C80] =	vst v63  }
0x268: {  	_ =	swait.ge [sflag:s19], $0x2000  }
0x269: {  	s28 =	sld [smem:$0x7F6]  }
0x26a: {  	[sflag:s19] =	ssyncset.done $0x0  }
0x26b: {  	[sflag:s19] =	ssyncadd.s32 $0xFFFFE000  }
0x26c: {  	[tilespmem:s29], [sflag:$0x6] =	stream.indirect.gather [hbm4b:s3+s8], $0x40, s28, s8, $0xb8;
	[tilespmem:$0x18C80] =	vst v63  }
0x26d: {  	_ =	swait.ge [sflag:s30], $0x2000  }
0x26e: {  	[sflag:s30] =	ssyncset.done $0x0  }
0x26f: {  	s29 =	simm.s32 $0x12C80;
	s28 =	rddreg [dreg:$0xd];
	[sflag:s30] =	ssyncadd.s32 $0xFFFFE000  }
0x270: {  	[hbm4b:s28+s2] =	stream.linear.scatter [tilespmem:s29], [sflag:$0x16], $0x2000, $0x38;
	[tilespmem:$0x18C80] =	vst v63  }
0x271: {  	_ =	swait.ge [sflag:s7], $0x2000  }
0x272: {  	s28 =	sld [smem:$0x7F7]  }
0x273: {  	[sflag:s7] =	ssyncset.done $0x0  }
0x274: {  	[sflag:s7] =	ssyncadd.s32 $0xFFFFE000  }
0x275: {  	[tilespmem:s14], [sflag:$0x7] =	stream.indirect.gather [hbm4b:s3+s8], $0x40, s28, s8, $0xb8;
	[tilespmem:$0x18C80] =	vst v63  }
0x276: {  	_ =	swait.ge [sflag:s1], $0x2000  }
0x277: {  	[sflag:s1] =	ssyncset.done $0x0  }
0x278: {  	s14 =	simm.s32 $0x14C80;
	s28 =	rddreg [dreg:$0xe];
	[sflag:s1] =	ssyncadd.s32 $0xFFFFE000  }
0x279: {  	[hbm4b:s28+s2] =	stream.linear.scatter [tilespmem:s14], [sflag:$0x17], $0x2000, $0x38;
	[tilespmem:$0x18C80] =	vst v63  }
0x27a: {  	_ =	swait.ge [sflag:s17], $0x2000  }
0x27b: {  	s28 =	sld [smem:$0x7F8]  }
0x27c: {  	[sflag:s17] =	ssyncset.done $0x0  }
0x27d: {  	[sflag:s17] =	ssyncadd.s32 $0xFFFFE000  }
0x27e: {  	[tilespmem:s18], [sflag:$0x8] =	stream.indirect.gather [hbm4b:s3+s8], $0x40, s28, s8, $0xb8;
	[tilespmem:$0x18C80] =	vst v63  }
0x27f: {  	_ =	swait.ge [sflag:s31], $0x2000  }
0x280: {  	[sflag:s31] =	ssyncset.done $0x0  }
0x281: {  	s18 =	simm.s32 $0x16C80;
	s28 =	rddreg [dreg:$0xf];
	[sflag:s31] =	ssyncadd.s32 $0xFFFFE000  }
0x282: {  	[hbm4b:s28+s2] =	stream.linear.scatter [tilespmem:s18], [sflag:$0x18], $0x2000, $0x38;
	[tilespmem:$0x18C80] =	vst v63  }
0x283: {  	_ =	swait.ge [sflag:s15], $0x2000  }
0x284: {  	s18 =	sld [smem:$0x7F9]  }
0x285: {  	[sflag:s15] =	ssyncset.done $0x0  }
0x286: {  	[sflag:s15] =	ssyncadd.s32 $0xFFFFE000  }
0x287: {  	[tilespmem:s0], [sflag:$0x9] =	stream.indirect.gather [hbm4b:s3+s8], $0x40, s18, s8, $0xb8;
	[tilespmem:$0x18C80] =	vst v63  }
0x288: {  	_ =	swait.ge [sflag:s6], $0x2000  }
0x289: {  	[sflag:s6] =	ssyncset.done $0x0  }
0x28a: {  	s18 =	simm.s32 $0xC80;
	s0 =	rddreg [dreg:$0x10];
	[sflag:s6] =	ssyncadd.s32 $0xFFFFE000  }
0x28b: {  	[hbm4b:s0+s2] =	stream.linear.scatter [tilespmem:s18], [sflag:$0xD], $0x2000, $0x38;
	[tilespmem:$0x18C80] =	vst v63  }
0x28c: {  	_ =	swait.ge [sflag:s11], $0x2000  }
0x28d: {  	s18 =	sld [smem:$0x7FA]  }
0x28e: {  	[sflag:s11] =	ssyncset.done $0x0  }
0x28f: {  	[sflag:s11] =	ssyncadd.s32 $0xFFFFE000  }
0x290: {  	[tilespmem:s29], [sflag:$0xA] =	stream.indirect.gather [hbm4b:s3+s8], $0x40, s18, s8, $0xb8;
	[tilespmem:$0x18C80] =	vst v63  }
0x291: {  	_ =	swait.ge [sflag:s4], $0x2000  }
0x292: {  	[sflag:s4] =	ssyncset.done $0x0  }
0x293: {  	s18 =	simm.s32 $0x2C80;
	s0 =	rddreg [dreg:$0x11];
	[sflag:s4] =	ssyncadd.s32 $0xFFFFE000  }
0x294: {  	[hbm4b:s0+s2] =	stream.linear.scatter [tilespmem:s18], [sflag:$0xE], $0x2000, $0x38;
	[tilespmem:$0x18C80] =	vst v63  }
0x295: {  	_ =	swait.ge [sflag:s9], $0x2000  }
0x296: {  	s28 =	sld [smem:$0x7FB]  }
0x297: {  	[sflag:s9] =	ssyncset.done $0x0  }
0x298: {  	[sflag:s9] =	ssyncadd.s32 $0xFFFFE000  }
0x299: {  	[tilespmem:s14], [sflag:$0xB] =	stream.indirect.gather [hbm4b:s3+s8], $0x40, s28, s8, $0xb8;
	[tilespmem:$0x18C80] =	vst v63  }
0x29a: {  	_ =	swait.ge [sflag:s25], $0x2000  }
0x29b: {  	[sflag:s25] =	ssyncset.done $0x0  }
0x29c: {  	s18 =	simm.s32 $0x4C80;
	s4 =	rddreg [dreg:$0x12];
	[sflag:s25] =	ssyncadd.s32 $0xFFFFE000  }
0x29d: {  	[hbm4b:s4+s2] =	stream.linear.scatter [tilespmem:s18], [sflag:$0xF], $0x2000, $0x38;
	[tilespmem:$0x18C80] =	vst v63  }
0x29e: {  	s4 =	simm.s32 $0x18  }
0x29f: {  	_ =	swait.ge [sflag:s4], $0x2000  }
0x2a0: {  	s25 =	sld [smem:$0x7FC]  }
0x2a1: {  	[sflag:s4] =	ssyncset.done $0x0  }
0x2a2: {  	s18 =	simm.s32 $0x16C80;
	[sflag:s4] =	ssyncadd.s32 $0xFFFFE000  }
0x2a3: {  	[tilespmem:s18], [sflag:$0xC] =	stream.indirect.gather [hbm4b:s3+s8], $0x40, s25, s8, $0xb8;
	[tilespmem:$0x18C80] =	vst v63  }
0x2a4: {  	_ =	swait.ge [sflag:s21], $0x2000  }
0x2a5: {  	[sflag:s21] =	ssyncset.done $0x0  }
0x2a6: {  	s25 =	simm.s32 $0x6C80;
	s28 =	rddreg [dreg:$0x13];
	[sflag:s21] =	ssyncadd.s32 $0xFFFFE000  }
0x2a7: {  	[hbm4b:s28+s2] =	stream.linear.scatter [tilespmem:s25], [sflag:$0x10], $0x2000, $0x38;
	[tilespmem:$0x18C80] =	vst v63  }
0x2a8: {  	_ =	swait.ge [sflag:s5], $0x2000  }
0x2a9: {  	s28 =	sld [smem:$0x7FD]  }
0x2aa: {  	[sflag:s5] =	ssyncset.done $0x0  }
0x2ab: {  	s21 =	simm.s32 $0xC80;
	[sflag:s5] =	ssyncadd.s32 $0xFFFFE000  }
0x2ac: {  	[tilespmem:s21], [sflag:$0x1] =	stream.indirect.gather [hbm4b:s3+s8], $0x40, s28, s8, $0xb8;
	[tilespmem:$0x18C80] =	vst v63  }
0x2ad: {  	_ =	swait.ge [sflag:s20], $0x2000  }
0x2ae: {  	[sflag:s20] =	ssyncset.done $0x0  }
0x2af: {  	s28 =	simm.s32 $0x8C80;
	s25 =	rddreg [dreg:$0x14];
	[sflag:s20] =	ssyncadd.s32 $0xFFFFE000  }
0x2b0: {  	[hbm4b:s25+s2] =	stream.linear.scatter [tilespmem:s28], [sflag:$0x11], $0x2000, $0x38;
	[tilespmem:$0x18C80] =	vst v63  }
0x2b1: {  	_ =	swait.ge [sflag:s16], $0x2000  }
0x2b2: {  	[sflag:s16] =	ssyncset.done $0x0  }
0x2b3: {  	s20 =	simm.s32 $0xAC80;
	s8 =	rddreg [dreg:$0x15];
	[sflag:s16] =	ssyncadd.s32 $0xFFFFE000  }
0x2b4: {  	[hbm4b:s8+s2] =	stream.linear.scatter [tilespmem:s20], [sflag:$0x12], $0x2000, $0x38;
	[tilespmem:$0x18C80] =	vst v63  }
0x2b5: {  	_ =	swait.ge [sflag:s13], $0x2000  }
0x2b6: {  	[sflag:s13] =	ssyncset.done $0x0  }
0x2b7: {  	s28 =	simm.s32 $0xCC80;
	s25 =	rddreg [dreg:$0x16];
	[sflag:s13] =	ssyncadd.s32 $0xFFFFE000  }
0x2b8: {  	[hbm4b:s25+s2] =	stream.linear.scatter [tilespmem:s28], [sflag:$0x13], $0x2000, $0x38;
	[tilespmem:$0x18C80] =	vst v63  }
0x2b9: {  	_ =	swait.ge [sflag:s12], $0x2000  }
0x2ba: {  	[sflag:s12] =	ssyncset.done $0x0  }
0x2bb: {  	s13 =	simm.s32 $0xEC80;
	s8 =	rddreg [dreg:$0x17];
	[sflag:s12] =	ssyncadd.s32 $0xFFFFE000  }
0x2bc: {  	[hbm4b:s8+s2] =	stream.linear.scatter [tilespmem:s13], [sflag:$0x14], $0x2000, $0x38;
	[tilespmem:$0x18C80] =	vst v63  }
0x2bd: {  	_ =	swait.ge [sflag:s10], $0x2000  }
0x2be: {  	[sflag:s10] =	ssyncset.done $0x0  }
0x2bf: {  	s20 =	simm.s32 $0x10C80;
	s16 =	rddreg [dreg:$0x18];
	[sflag:s10] =	ssyncadd.s32 $0xFFFFE000  }
0x2c0: {  	[hbm4b:s16+s2] =	stream.linear.scatter [tilespmem:s20], [sflag:$0x15], $0x2000, $0x38;
	[tilespmem:$0x18C80] =	vst v63  }
0x2c1: {  	_ =	swait.ge [sflag:s30], $0x2000  }
0x2c2: {  	[sflag:s30] =	ssyncset.done $0x0  }
0x2c3: {  	s29 =	simm.s32 $0x12C80;
	s25 =	rddreg [dreg:$0x19];
	[sflag:s30] =	ssyncadd.s32 $0xFFFFE000  }
0x2c4: {  	[hbm4b:s25+s2] =	stream.linear.scatter [tilespmem:s29], [sflag:$0x16], $0x2000, $0x38;
	[tilespmem:$0x18C80] =	vst v63  }
0x2c5: {  	_ =	swait.ge [sflag:s1], $0x2000  }
0x2c6: {  	[sflag:s1] =	ssyncset.done $0x0  }
0x2c7: {  	s14 =	simm.s32 $0x14C80;
	s28 =	rddreg [dreg:$0x1a];
	[sflag:s1] =	ssyncadd.s32 $0xFFFFE000  }
0x2c8: {  	[hbm4b:s28+s2] =	stream.linear.scatter [tilespmem:s14], [sflag:$0x17], $0x2000, $0x38;
	[tilespmem:$0x18C80] =	vst v63  }
0x2c9: {  	_ =	swait.ge [sflag:s31], $0x2000  }
0x2ca: {  	[sflag:s31] =	ssyncset.done $0x0  }
0x2cb: {  	s29 =	rddreg [dreg:$0x1b];
	[sflag:s31] =	ssyncadd.s32 $0xFFFFE000  }
0x2cc: {  	[hbm4b:s29+s2] =	stream.linear.scatter [tilespmem:s18], [sflag:$0x18], $0x2000, $0x38;
	[tilespmem:$0x18C80] =	vst v63  }
0x2cd: {  	_ =	swait.ge [sflag:s6], $0x2000  }
0x2ce: {  	[sflag:s6] =	ssyncset.done $0x0  }
0x2cf: {  	s30 =	rddreg [dreg:$0x1c];
	[sflag:s6] =	ssyncadd.s32 $0xFFFFE000  }
0x2d0: {  	[hbm4b:s30+s2] =	stream.linear.scatter [tilespmem:s21], [sflag:$0xD], $0x2000, $0x38;
	[tilespmem:$0x18C80] =	vst v63  }
0x2d1: {  	_ =	swait.ge [sflag:s22], $0x2000  }
0x2d2: {  	[sflag:s22] =	ssyncset.done $0x0  }
0x2d3: {  	[sflag:s22] =	ssyncadd.s32 $0xFFFFE000  }
0x2d4: {  	_ =	swait.ge [sflag:s26], $0x2000  }
0x2d5: {  	[sflag:s26] =	ssyncset.done $0x0  }
0x2d6: {  	[sflag:s26] =	ssyncadd.s32 $0xFFFFE000  }
0x2d7: {  	_ =	swait.ge [sflag:s24], $0x2000  }
0x2d8: {  	[sflag:s24] =	ssyncset.done $0x0  }
0x2d9: {  	[sflag:s24] =	ssyncadd.s32 $0xFFFFE000  }
0x2da: {  	_ =	swait.ge [sflag:s23], $0x2000  }
0x2db: {  	[sflag:s23] =	ssyncset.done $0x0  }
0x2dc: {  	[sflag:s23] =	ssyncadd.s32 $0xFFFFE000  }
0x2dd: {  	_ =	swait.ge [sflag:s19], $0x2000  }
0x2de: {  	[sflag:s19] =	ssyncset.done $0x0  }
0x2df: {  	[sflag:s19] =	ssyncadd.s32 $0xFFFFE000  }
0x2e0: {  	_ =	swait.ge [sflag:s7], $0x2000  }
0x2e1: {  	[sflag:s7] =	ssyncset.done $0x0  }
0x2e2: {  	[sflag:s7] =	ssyncadd.s32 $0xFFFFE000  }
0x2e3: {  	_ =	swait.ge [sflag:s17], $0x2000  }
0x2e4: {  	[sflag:s17] =	ssyncset.done $0x0  }
0x2e5: {  	[sflag:s17] =	ssyncadd.s32 $0xFFFFE000  }
0x2e6: {  	_ =	swait.ge [sflag:s15], $0x2000  }
0x2e7: {  	[sflag:s15] =	ssyncset.done $0x0  }
0x2e8: {  	[sflag:s15] =	ssyncadd.s32 $0xFFFFE000  }
0x2e9: {  	_ =	swait.ge [sflag:s11], $0x2000  }
0x2ea: {  	[sflag:s11] =	ssyncset.done $0x0  }
0x2eb: {  	[sflag:s11] =	ssyncadd.s32 $0xFFFFE000  }
0x2ec: {  	_ =	swait.ge [sflag:s9], $0x2000  }
0x2ed: {  	[sflag:s9] =	ssyncset.done $0x0  }
0x2ee: {  	[sflag:s9] =	ssyncadd.s32 $0xFFFFE000  }
0x2ef: {  	_ =	swait.ge [sflag:s4], $0x2000  }
0x2f0: {  	[sflag:s4] =	ssyncset.done $0x0  }
0x2f1: {  	[sflag:s4] =	ssyncadd.s32 $0xFFFFE000  }
0x2f2: {  	_ =	swait.ge [sflag:s5], $0x2000  }
0x2f3: {  	[sflag:s5] =	ssyncset.done $0x0  }
0x2f4: {  	[sflag:s5] =	ssyncadd.s32 $0xFFFFE000  }
0x2f5: {  	_ =	sfence.sel $0x180000  }
0x2f6: {  	[bflag:$0x0] =	sbarrier.arrive $0xFFFF  }
0x2f7: {  	_ =	strace $0x90000047  }
0x2f8: {  	s31 =	stileid.u32;
	[bflag:$0x2] =	sbarrier.arrive $0xFFFF  }
0x2f9: {  	p0 =	sne.s32 s31, $0x0;
	s0 =	rddreg [dreg:$0x2]  }
0x2fa: {  	s0 =	sadd.s32 @!p0 $0x100000, s0  }
0x2fb: {  	[sflag:s0] =	ssyncadd.tile.s32 @!p0 $0x1;
	_ =	shalt  }
.LBB2_6:
.Ltmp3:
0x2fc: {  	(pc) =	sbr.rel .LBB2_5-.Ltmp3, $2  }
0x2fd: {  	_ =	sdelay $0x2  }
0x2fe: {  	s21 =	simm.s32 $0x4;
	s25 =	simm.s32 $0x3;
	s4 =	simm.s32 $0x2  }
.Lfunc_end2:
_tile_overlayer_lowered:
.L_overlay_start_2:
0x2ff: {  	(tag) =	ssettag $0x2  }
0x300: {  	s0 =	rddreg [dreg:$0x0];
	s2 =	stileid.u32  }
0x301: {  	s1 =	rddreg [dreg:$0x1];
	p0 =	sne.s32 s2, $0x0  }
0x302: {  	s3 =	rddreg [dreg:$0x2];
	[bflag:$0x3] =	sbarrier.arrive $0xFFFF;
	s2 =	simm.s32 @!p0 $0x1C19  }
0x303: {  	[timem:s3], [sflag:s2] =	dma.local @!p0 [hbm:s0], s1  }
0x304: {  	s0 =	simm.s32 @!p0 $0x19  }
0x305: {  	_ =	swait.ge @!p0 [sflag:s0], s1  }
0x306: {  	s1 =	ssub.s32 @!p0 $0x0, s1;
	[sflag:s0] =	ssyncset.done @!p0 $0x0  }
0x307: {  	[sflag:s0] =	ssyncadd.s32 @!p0 s1  }
0x308: {  	[bflag:$0x3] =	sbarrier.arrive $0xFFFF  }
0x309: {  	_ =	shalt  }

</sc_bundles>
